<compile_context>
chip_gen: v7x
topology: tpu7x:2x2x1
jax: 0.10.2.dev20260603
libtpu: 0.0.44.dev20260713+nightly
codegen_flags: <defaults>
</compile_context>

<pallas_src>
import functools

import jax
import jax.numpy as jnp
from jax import lax
from jax.experimental import pallas as pl
from jax.experimental.pallas import tpu as pltpu
from jax.experimental.pallas import tpu_sc as plsc

N = 10000
NFEAT = 128
NHID = 128
NCLASS = 40
E = 320000

NC = 2
NS = 16
L = 16
NW = NC * NS

NCHUNK = E // 128
T0 = 78
NP = 10240
RPT = NP // NS
D2P = 48

_mesh = plsc.VectorSubcoreMesh(core_axis_name="c", subcore_axis_name="s")


def _stage_idx(adj_hbm, idx, sem, base, extra):
    @pl.loop(0, T0)
    def _(t):
        pltpu.async_copy(adj_hbm.at[:, pl.ds((base + t) * 128, 128)],
                         idx.at[pl.ds(2 * t, 2)], sem)

    @pl.when(extra)
    def _():
        pltpu.async_copy(adj_hbm.at[:, pl.ds((base + T0) * 128, 128)],
                         idx.at[pl.ds(2 * T0, 2)], sem)

    @pl.loop(0, T0)
    def _(t):
        pltpu.make_async_copy(adj_hbm.at[:, pl.ds((base + t) * 128, 128)],
                              idx.at[pl.ds(2 * t, 2)], sem).wait()

    @pl.when(extra)
    def _():
        pltpu.make_async_copy(adj_hbm.at[:, pl.ds((base + T0) * 128, 128)],
                              idx.at[pl.ds(2 * T0, 2)], sem).wait()


@functools.partial(
    pl.kernel,
    out_type=jax.ShapeDtypeStruct((NC, NP, L), jnp.float32),
    mesh=_mesh,
    scratch_types=[
        pltpu.VMEM((2 * (T0 + 1), 128), jnp.int32),
        pltpu.VMEM((128, L), jnp.float32),
        pltpu.SemaphoreType.DMA,
        pltpu.SemaphoreType.DMA,
        pltpu.VMEM_SHARED((NP, L), jnp.float32),
    ],
)
def _sc_degree(adj_hbm, out_hbm, idx, buf, sem, ssem, acc):
    c = lax.axis_index("c")
    s = lax.axis_index("s")
    wid = c * NS + s
    base = T0 * wid + jnp.minimum(wid, 4)
    extra = wid < 4

    @pl.loop(0, 128)
    def _(i):
        buf[i, :] = jnp.zeros((L,), jnp.float32)

    @pl.loop(0, RPT // 128)
    def _(z):
        pltpu.sync_copy(buf, acc.at[pl.ds(s * RPT + z * 128, 128)])

    @pl.loop(0, 128)
    def _(i):
        buf[i, :] = jnp.full((L,), 1.0, jnp.float32)

    _stage_idx(adj_hbm, idx, sem, base, extra)
    plsc.subcore_barrier()

    @pl.loop(0, T0)
    def _(t):
        pltpu.async_copy(buf, acc.at[idx.at[2 * t + 1]], ssem, add=True)

    @pl.when(extra)
    def _():
        pltpu.async_copy(buf, acc.at[idx.at[2 * T0 + 1]], ssem, add=True)

    @pl.loop(0, T0)
    def _(t):
        pltpu.make_async_copy(buf, acc.at[idx.at[2 * t + 1]], ssem).wait()

    @pl.when(extra)
    def _():
        pltpu.make_async_copy(buf, acc.at[idx.at[2 * T0 + 1]], ssem).wait()

    plsc.subcore_barrier()
    pltpu.sync_copy(acc.at[pl.ds(s * RPT, RPT)],
                    out_hbm.at[c, pl.ds(s * RPT, RPT)])


def _edge_pipeline(gsp, acc, idx, bufa, bufb, sga, sgb, ssa, ssb, extra):
    pltpu.async_copy(gsp.at[idx.at[0]], bufa, sga)
    pltpu.make_async_copy(gsp.at[idx.at[0]], bufa, sga).wait()
    pltpu.async_copy(bufa, acc.at[idx.at[1]], ssa, add=True)
    pltpu.async_copy(gsp.at[idx.at[2]], bufb, sgb)

    @pl.loop(1, T0 - 1, step=2)
    def _(t):
        pltpu.make_async_copy(gsp.at[idx.at[2 * t]], bufb, sgb).wait()
        pltpu.async_copy(bufb, acc.at[idx.at[2 * t + 1]], ssb, add=True)
        pltpu.make_async_copy(bufa, acc.at[idx.at[2 * t - 1]], ssa).wait()
        pltpu.async_copy(gsp.at[idx.at[2 * t + 2]], bufa, sga)
        pltpu.make_async_copy(gsp.at[idx.at[2 * t + 2]], bufa, sga).wait()
        pltpu.async_copy(bufa, acc.at[idx.at[2 * t + 3]], ssa, add=True)
        pltpu.make_async_copy(bufb, acc.at[idx.at[2 * t + 1]], ssb).wait()
        pltpu.async_copy(gsp.at[idx.at[2 * t + 4]], bufb, sgb)

    pltpu.make_async_copy(gsp.at[idx.at[2 * T0 - 2]], bufb, sgb).wait()
    pltpu.async_copy(bufb, acc.at[idx.at[2 * T0 - 1]], ssb, add=True)
    pltpu.make_async_copy(bufa, acc.at[idx.at[2 * T0 - 3]], ssa).wait()
    pltpu.make_async_copy(bufb, acc.at[idx.at[2 * T0 - 1]], ssb).wait()

    @pl.when(extra)
    def _():
        pltpu.async_copy(gsp.at[idx.at[2 * T0]], bufa, sga)
        pltpu.make_async_copy(gsp.at[idx.at[2 * T0]], bufa, sga).wait()
        pltpu.sync_copy(bufa, acc.at[idx.at[2 * T0 + 1]], add=True)


def _prop_scratch(D):
    return [
        pltpu.VMEM((2 * (T0 + 1), 128), jnp.int32),
        pltpu.VMEM((128, D), jnp.float32),
        pltpu.VMEM((128, D), jnp.float32),
        pltpu.SemaphoreType.DMA,
        pltpu.SemaphoreType.DMA,
        pltpu.SemaphoreType.DMA,
        pltpu.SemaphoreType.DMA,
        pltpu.SemaphoreType.DMA,
        pltpu.VMEM_SHARED((NP, D), jnp.float32),
        pltpu.VMEM_SHARED((NP, D), jnp.float32),
    ]


def _make_prop_local2(D):

    @functools.partial(
        pl.kernel,
        out_type=jax.ShapeDtypeStruct((NC, 2, NP, D), jnp.float32),
        mesh=_mesh,
        compiler_params=pltpu.CompilerParams(use_tc_tiling_on_sc=False),
        scratch_types=_prop_scratch(D),
    )
    def _prop(g_hbm, adj_hbm, out_hbm, idx, bufa, bufb,
              sia, sga, sgb, ssa, ssb, gsp, acc):
        c = lax.axis_index("c")
        s = lax.axis_index("s")
        wid = c * NS + s
        base = T0 * wid + jnp.minimum(wid, 4)
        extra = wid < 4

        _stage_idx(adj_hbm, idx, sia, base, extra)

        for p in range(2):
            pltpu.sync_copy(g_hbm.at[p, pl.ds(s * RPT, RPT)],
                            gsp.at[pl.ds(s * RPT, RPT)])
            pltpu.sync_copy(g_hbm.at[p, pl.ds(s * RPT, RPT)],
                            acc.at[pl.ds(s * RPT, RPT)])
            plsc.subcore_barrier()

            _edge_pipeline(gsp, acc, idx, bufa, bufb,
                           sga, sgb, ssa, ssb, extra)

            plsc.subcore_barrier()
            pltpu.sync_copy(acc.at[pl.ds(s * RPT, RPT)],
                            out_hbm.at[c, p, pl.ds(s * RPT, RPT)])
            if p == 0:
                plsc.subcore_barrier()

    return _prop


def _make_prop_local(D):

    @functools.partial(
        pl.kernel,
        out_type=jax.ShapeDtypeStruct((NC, NP, D), jnp.float32),
        mesh=_mesh,
        compiler_params=pltpu.CompilerParams(
            use_tc_tiling_on_sc=(D % 128 == 0)),
        scratch_types=_prop_scratch(D),
    )
    def _prop(g_hbm, adj_hbm, out_hbm, idx, bufa, bufb,
              sia, sga, sgb, ssa, ssb, gsp, acc):
        c = lax.axis_index("c")
        s = lax.axis_index("s")
        wid = c * NS + s
        base = T0 * wid + jnp.minimum(wid, 4)
        extra = wid < 4

        _stage_idx(adj_hbm, idx, sia, base, extra)
        pltpu.sync_copy(g_hbm.at[pl.ds(s * RPT, RPT)],
                        gsp.at[pl.ds(s * RPT, RPT)])
        pltpu.sync_copy(g_hbm.at[pl.ds(s * RPT, RPT)],
                        acc.at[pl.ds(s * RPT, RPT)])
        plsc.subcore_barrier()

        _edge_pipeline(gsp, acc, idx, bufa, bufb, sga, sgb, ssa, ssb, extra)

        plsc.subcore_barrier()
        pltpu.sync_copy(acc.at[pl.ds(s * RPT, RPT)],
                        out_hbm.at[c, pl.ds(s * RPT, RPT)])

    return _prop


_prop128 = _make_prop_local2(NHID // 2)
_prop48 = _make_prop_local(D2P)

BLK = 1024


HH = NHID // 2


def _tc_mm_body(x_ref, w_ref, h_ref):
    h_ref[...] = jnp.dot(x_ref[...], w_ref[...],
                         preferred_element_type=jnp.float32)


_tc_mm = pl.pallas_call(
    _tc_mm_body,
    grid=(NP // BLK,),
    in_specs=[
        pl.BlockSpec((BLK, NFEAT), lambda i: (i, 0)),
        pl.BlockSpec((NFEAT, NHID), lambda i: (0, 0)),
    ],
    out_specs=pl.BlockSpec((BLK, NHID), lambda i: (i, 0)),
    out_shape=jax.ShapeDtypeStruct((NP, NHID), jnp.float32),
)


def _tc_scale_body(d0_ref, d1_ref, h_ref, g_ref, dinv_ref):
    deg = d0_ref[...][:, 0:1] + d1_ref[...][:, 0:1] + 1.0
    dinv = lax.rsqrt(deg)
    g = h_ref[...] * dinv
    g_ref[0] = g[:, :HH]
    g_ref[1] = g[:, HH:]
    dinv_ref[...] = dinv


_tc_scale = pl.pallas_call(
    _tc_scale_body,
    grid=(NP // BLK,),
    in_specs=[
        pl.BlockSpec((BLK, L), lambda i: (i, 0)),
        pl.BlockSpec((BLK, L), lambda i: (i, 0)),
        pl.BlockSpec((BLK, NHID), lambda i: (i, 0)),
    ],
    out_specs=[
        pl.BlockSpec((2, BLK, HH), lambda i: (0, i, 0)),
        pl.BlockSpec((BLK, 1), lambda i: (i, 0)),
    ],
    out_shape=[
        jax.ShapeDtypeStruct((2, NP, HH), jnp.float32),
        jax.ShapeDtypeStruct((NP, 1), jnp.float32),
    ],
)


def _tc_mid_body(a_ref, g1_ref, dinv_ref, b1_ref, w2_ref, g2_ref):
    dinv = dinv_ref[...]
    acc = jnp.concatenate(
        [a_ref[0, 0] + a_ref[1, 0], a_ref[0, 1] + a_ref[1, 1]], axis=1)
    g1 = jnp.concatenate([g1_ref[0], g1_ref[1]], axis=1)
    x1 = jnp.maximum(dinv * (acc - g1) + b1_ref[...], 0.0)
    g2_ref[...] = dinv * jnp.dot(
        x1, w2_ref[...], preferred_element_type=jnp.float32)


_tc_mid = pl.pallas_call(
    _tc_mid_body,
    grid=(NP // BLK,),
    in_specs=[
        pl.BlockSpec((NC, 2, BLK, HH), lambda i: (0, 0, i, 0)),
        pl.BlockSpec((2, BLK, HH), lambda i: (0, i, 0)),
        pl.BlockSpec((BLK, 1), lambda i: (i, 0)),
        pl.BlockSpec((1, NHID), lambda i: (0, 0)),
        pl.BlockSpec((NHID, D2P), lambda i: (0, 0)),
    ],
    out_specs=pl.BlockSpec((BLK, D2P), lambda i: (i, 0)),
    out_shape=jax.ShapeDtypeStruct((NP, D2P), jnp.float32),
)


def _tc_post_body(a_ref, g2_ref, dinv_ref, b2_ref, o_ref):
    dinv = dinv_ref[...]
    o_ref[...] = dinv * (a_ref[0] + a_ref[1] - g2_ref[...]) + b2_ref[...]


_tc_post = pl.pallas_call(
    _tc_post_body,
    grid=(NP // BLK,),
    in_specs=[
        pl.BlockSpec((NC, BLK, D2P), lambda i: (0, i, 0)),
        pl.BlockSpec((BLK, D2P), lambda i: (i, 0)),
        pl.BlockSpec((BLK, 1), lambda i: (i, 0)),
        pl.BlockSpec((1, D2P), lambda i: (0, 0)),
    ],
    out_specs=pl.BlockSpec((BLK, D2P), lambda i: (i, 0)),
    out_shape=jax.ShapeDtypeStruct((NP, D2P), jnp.float32),
)


def kernel(x, adj, W1, b1, W2, b2):
    adjc = adj.astype(jnp.int32)
    xp = jnp.pad(x, ((0, NP - N), (0, 0)))

    degp = _sc_degree(adjc)
    h1 = _tc_mm(xp, W1)
    g1, dinv = _tc_scale(degp[0], degp[1], h1)
    acc1 = _prop128(g1, adjc)

    W2p = jnp.pad(W2, ((0, 0), (0, D2P - NCLASS)))
    b1r = b1.reshape(1, NHID)
    b2p = jnp.pad(b2, (0, D2P - NCLASS)).reshape(1, D2P)

    g2 = _tc_mid(acc1, g1, dinv, b1r, W2p)
    acc2 = _prop48(g2, adjc)
    out = _tc_post(acc2, g2, dinv, b2p)
    return out[:N, :NCLASS]

# --- scband reference (transcript-rebuilt; emitter-appended) ---
"""Pipeline reference for scband-stand-gcn2-22428319219737 (READ-ONLY COPY).

The authoritative reference and input builder live on the scoring server;
editing this copy changes nothing except your own understanding.
"""

import jax, jax.numpy as jnp
import numpy as np

N_NODES = 10000
N_EDGES = 320000
NFEAT = 128
NHID = 128
NCLASS = 40

def setup_inputs(seed: int = 0) -> dict:
    key = jax.random.key(seed)
    k1, k2, k3, k4, k5, k6 = jax.random.split(key, 6)
    x = jax.random.normal(k1, (N_NODES, NFEAT), dtype=jnp.float32)
    adj = jax.random.randint(k2, (2, N_EDGES), 0, N_NODES, dtype=jnp.int64)
    # GCNConv weights (glorot) and biases (zeros like PyG default)
    s1 = (6.0 / (NFEAT + NHID)) ** 0.5
    W1 = jax.random.uniform(k3, (NFEAT, NHID), minval=-s1, maxval=s1, dtype=jnp.float32)
    b1 = jnp.zeros((NHID,), dtype=jnp.float32)
    s2 = (6.0 / (NHID + NCLASS)) ** 0.5
    W2 = jax.random.uniform(k4, (NHID, NCLASS), minval=-s2, maxval=s2, dtype=jnp.float32)
    b2 = jnp.zeros((NCLASS,), dtype=jnp.float32)
    return {"x": x, "adj": adj, "W1": W1, "b1": b1, "W2": W2, "b2": b2}

def gcn_conv(x, edge_index, W, b, num_nodes):
    # x' = D^{-1/2} (A + I) D^{-1/2} X W + b  (PyG GCNConv with add_self_loops=True)
    h = x @ W
    loop = jnp.arange(num_nodes, dtype=edge_index.dtype)
    row = jnp.concatenate([edge_index[0], loop])
    col = jnp.concatenate([edge_index[1], loop])
    deg = jnp.zeros((num_nodes,), dtype=h.dtype).at[col].add(1.0)
    deg_inv_sqrt = jnp.where(deg > 0, deg ** -0.5, 0.0)
    norm = deg_inv_sqrt[row] * deg_inv_sqrt[col]
    msg = h[row] * norm[:, None]
    out = jnp.zeros((num_nodes, h.shape[1]), dtype=h.dtype).at[col].add(msg)
    return out + b

def reference(x, adj, W1, b1, W2, b2):
    # StandGCN2.forward (eval mode: dropout is identity)
    x1 = gcn_conv(x, adj, W1, b1, N_NODES)
    x1 = jax.nn.relu(x1)
    x2 = gcn_conv(x1, adj, W2, b2, N_NODES)
    return x2

if __name__ == "__main__":
    import jax
    _d = setup_inputs()
    print(jax.jit(kernel)(*tuple(_d.values())))

</pallas_src>

<mosaic_0001>
#map = affine_map<(d0, d1) -> (0, 0)>
#map1 = affine_map<(d0, d1) -> (0, 0, 0)>
module attributes {stable_mosaic.version = 14 : i64} {
  func.func @_prop(%arg0: i32, %arg1: i32, %arg2: memref<10240x48xf32, #tpu.memory_space<hbm>>, %arg3: memref<2x320000xi32, #tpu.memory_space<hbm>>, %arg4: memref<2x10240x48xf32, #tpu.memory_space<hbm>>, %arg5: memref<158x128xi32, #tpu.memory_space<vmem>>, %arg6: memref<128x48xf32, #tpu.memory_space<vmem>>, %arg7: memref<128x48xf32, #tpu.memory_space<vmem>>, %arg8: memref<!tpu.dma_semaphore, #tpu.memory_space<semaphore_mem>>, %arg9: memref<!tpu.dma_semaphore, #tpu.memory_space<semaphore_mem>>, %arg10: memref<!tpu.dma_semaphore, #tpu.memory_space<semaphore_mem>>, %arg11: memref<!tpu.dma_semaphore, #tpu.memory_space<semaphore_mem>>, %arg12: memref<!tpu.dma_semaphore, #tpu.memory_space<semaphore_mem>>, %arg13: memref<10240x48xf32, #tpu.memory_space<vmem_shared>>, %arg14: memref<10240x48xf32, #tpu.memory_space<vmem_shared>>) attributes {dimension_semantics = [#tpu.dimension_semantics<core_parallel>, #tpu.dimension_semantics<subcore_parallel>], iteration_bounds = array<i64: 2, 16>, scalar_prefetch = 0 : i64, scratch_operands = 10 : i64, tpu.core_type = #tpu.core_type<sc_vector_subcore>, window_params = [{transform_indices = #map}, {transform_indices = #map}, {transform_indices = #map1}]} {
    %mul3A = arith.constant 16 : i32
    %mul3A_0 = arith.muli %arg0, %mul3A : i32
    %add3A = arith.addi %mul3A_0, %arg1 : i32
    %mul3A_1 = arith.constant 78 : i32
    %mul3A_2 = arith.muli %mul3A_1, %add3A : i32
    %min3A = arith.constant 4 : i32
    %min3A_3 = arith.minsi %add3A, %min3A : i32
    %add3A_4 = arith.addi %mul3A_2, %min3A_3 : i32
    %lt3A = arith.constant 4 : i32
    %lt3A_5 = arith.cmpi slt, %add3A, %lt3A : i32
    %scan3A = arith.constant 0 : i32
    %scan3A_6 = arith.constant 78 : i32
    %scan3A_7 = arith.addi %scan3A, %scan3A_6 : i32
    %scan3A_8 = arith.constant 1 : i32
    scf.for %scan3A_94 = %scan3A to %scan3A_7 step %scan3A_8  : i32 {
      %mul3A_95 = arith.constant 1 : i32
      %mul3A_96 = arith.muli %scan3A_94, %mul3A_95 : i32
      %add3A_97 = arith.constant 0 : i32
      %add3A_98 = arith.addi %add3A_97, %mul3A_96 : i32
      %add3A_99 = arith.addi %add3A_4, %add3A_98 : i32
      %mul3A_100 = arith.constant 128 : i32
      %mul3A_101 = arith.muli %add3A_99, %mul3A_100 : i32
      %mul3A_102 = arith.constant 2 : i32
      %mul3A_103 = arith.muli %mul3A_102, %add3A_98 : i32
      %dma_start3A_104 = arith.constant 0 : i32
      %dma_start3A_105 = tpu.memref_slice %arg5[%mul3A_103, %dma_start3A_104] : memref<158x128xi32, #tpu.memory_space<vmem>> -> memref<2x128xi32, #tpu.memory_space<vmem>>
      %dma_start3A_106 = arith.constant 0 : i32
      %dma_start3A_107 = tpu.memref_slice %arg3[%dma_start3A_106, %mul3A_101] : memref<2x320000xi32, #tpu.memory_space<hbm>> -> memref<2x128xi32, #tpu.memory_space<hbm>>
      %dma_start3A_108 = arith.constant 0 : i32
      %dma_start3A_109 = tpu.memref_slice %arg5[%mul3A_103, %dma_start3A_108] : memref<158x128xi32, #tpu.memory_space<vmem>> -> memref<2x128xi32, #tpu.memory_space<vmem>>
      %dma_start3A_110 = arith.constant 0 : i32
      %dma_start3A_111 = tpu.memref_slice %arg3[%dma_start3A_110, %mul3A_101] : memref<2x320000xi32, #tpu.memory_space<hbm>> -> memref<2x128xi32, #tpu.memory_space<hbm>>
      tpu.enqueue_dma source(%dma_start3A_111 : memref<2x128xi32, #tpu.memory_space<hbm>>) target(%dma_start3A_109 : memref<2x128xi32, #tpu.memory_space<vmem>>) target_semaphore(%arg8 : memref<!tpu.dma_semaphore, #tpu.memory_space<semaphore_mem>>)
    }
    %scan3A_9 = arith.constant 78 : i32
    %convert_element_type3A = arith.extui %lt3A_5 : i1 to i32
    %cond3A = arith.constant 0 : i32
    %cond3A_10 = arith.cmpi ne, %convert_element_type3A, %cond3A : i32
    scf.if %cond3A_10 {
      %add3A_94 = arith.constant 78 : i32
      %add3A_95 = arith.addi %add3A_4, %add3A_94 : i32
      %mul3A_96 = arith.constant 128 : i32
      %mul3A_97 = arith.muli %add3A_95, %mul3A_96 : i32
      %dma_start3A_98 = arith.constant 156 : i32
      %dma_start3A_99 = arith.constant 0 : i32
      %dma_start3A_100 = tpu.memref_slice %arg5[%dma_start3A_98, %dma_start3A_99] : memref<158x128xi32, #tpu.memory_space<vmem>> -> memref<2x128xi32, #tpu.memory_space<vmem>>
      %dma_start3A_101 = arith.constant 0 : i32
      %dma_start3A_102 = tpu.memref_slice %arg3[%dma_start3A_101, %mul3A_97] : memref<2x320000xi32, #tpu.memory_space<hbm>> -> memref<2x128xi32, #tpu.memory_space<hbm>>
      %dma_start3A_103 = arith.constant 156 : i32
      %dma_start3A_104 = arith.constant 0 : i32
      %dma_start3A_105 = tpu.memref_slice %arg5[%dma_start3A_103, %dma_start3A_104] : memref<158x128xi32, #tpu.memory_space<vmem>> -> memref<2x128xi32, #tpu.memory_space<vmem>>
      %dma_start3A_106 = arith.constant 0 : i32
      %dma_start3A_107 = tpu.memref_slice %arg3[%dma_start3A_106, %mul3A_97] : memref<2x320000xi32, #tpu.memory_space<hbm>> -> memref<2x128xi32, #tpu.memory_space<hbm>>
      tpu.enqueue_dma source(%dma_start3A_107 : memref<2x128xi32, #tpu.memory_space<hbm>>) target(%dma_start3A_105 : memref<2x128xi32, #tpu.memory_space<vmem>>) target_semaphore(%arg8 : memref<!tpu.dma_semaphore, #tpu.memory_space<semaphore_mem>>)
    } else {
    }
    %scan3A_11 = arith.constant 0 : i32
    %scan3A_12 = arith.constant 78 : i32
    %scan3A_13 = arith.addi %scan3A_11, %scan3A_12 : i32
    %scan3A_14 = arith.constant 1 : i32
    scf.for %scan3A_94 = %scan3A_11 to %scan3A_13 step %scan3A_14  : i32 {
      %mul3A_95 = arith.constant 1 : i32
      %mul3A_96 = arith.muli %scan3A_94, %mul3A_95 : i32
      %add3A_97 = arith.constant 0 : i32
      %add3A_98 = arith.addi %add3A_97, %mul3A_96 : i32
      %add3A_99 = arith.addi %add3A_4, %add3A_98 : i32
      %mul3A_100 = arith.constant 128 : i32
      %mul3A_101 = arith.muli %add3A_99, %mul3A_100 : i32
      %mul3A_102 = arith.constant 2 : i32
      %mul3A_103 = arith.muli %mul3A_102, %add3A_98 : i32
      %dma_wait3A_104 = arith.constant 0 : i32
      %dma_wait3A_105 = tpu.memref_slice %arg5[%mul3A_103, %dma_wait3A_104] : memref<158x128xi32, #tpu.memory_space<vmem>> -> memref<2x128xi32, #tpu.memory_space<vmem>>
      %dma_wait3A_106 = arith.constant 0 : i32
      %dma_wait3A_107 = tpu.memref_slice %arg3[%dma_wait3A_106, %mul3A_101] : memref<2x320000xi32, #tpu.memory_space<hbm>> -> memref<2x128xi32, #tpu.memory_space<hbm>>
      %dma_wait3A_108 = arith.constant 0 : i32
      %dma_wait3A_109 = tpu.memref_slice %arg5[%mul3A_103, %dma_wait3A_108] : memref<158x128xi32, #tpu.memory_space<vmem>> -> memref<2x128xi32, #tpu.memory_space<vmem>>
      %dma_wait3A_110 = arith.constant 0 : i32
      %dma_wait3A_111 = tpu.memref_slice %arg3[%dma_wait3A_110, %mul3A_101] : memref<2x320000xi32, #tpu.memory_space<hbm>> -> memref<2x128xi32, #tpu.memory_space<hbm>>
      tpu.wait_dma2 semaphore(%arg8 : memref<!tpu.dma_semaphore, #tpu.memory_space<semaphore_mem>>) src(%dma_wait3A_111 : memref<2x128xi32, #tpu.memory_space<hbm>>) dst(%dma_wait3A_109 : memref<2x128xi32, #tpu.memory_space<vmem>>)
    }
    %scan3A_15 = arith.constant 78 : i32
    %convert_element_type3A_16 = arith.extui %lt3A_5 : i1 to i32
    %cond3A_17 = arith.constant 0 : i32
    %cond3A_18 = arith.cmpi ne, %convert_element_type3A_16, %cond3A_17 : i32
    scf.if %cond3A_18 {
      %add3A_94 = arith.constant 78 : i32
      %add3A_95 = arith.addi %add3A_4, %add3A_94 : i32
      %mul3A_96 = arith.constant 128 : i32
      %mul3A_97 = arith.muli %add3A_95, %mul3A_96 : i32
      %dma_wait3A_98 = arith.constant 156 : i32
      %dma_wait3A_99 = arith.constant 0 : i32
      %dma_wait3A_100 = tpu.memref_slice %arg5[%dma_wait3A_98, %dma_wait3A_99] : memref<158x128xi32, #tpu.memory_space<vmem>> -> memref<2x128xi32, #tpu.memory_space<vmem>>
      %dma_wait3A_101 = arith.constant 0 : i32
      %dma_wait3A_102 = tpu.memref_slice %arg3[%dma_wait3A_101, %mul3A_97] : memref<2x320000xi32, #tpu.memory_space<hbm>> -> memref<2x128xi32, #tpu.memory_space<hbm>>
      %dma_wait3A_103 = arith.constant 156 : i32
      %dma_wait3A_104 = arith.constant 0 : i32
      %dma_wait3A_105 = tpu.memref_slice %arg5[%dma_wait3A_103, %dma_wait3A_104] : memref<158x128xi32, #tpu.memory_space<vmem>> -> memref<2x128xi32, #tpu.memory_space<vmem>>
      %dma_wait3A_106 = arith.constant 0 : i32
      %dma_wait3A_107 = tpu.memref_slice %arg3[%dma_wait3A_106, %mul3A_97] : memref<2x320000xi32, #tpu.memory_space<hbm>> -> memref<2x128xi32, #tpu.memory_space<hbm>>
      tpu.wait_dma2 semaphore(%arg8 : memref<!tpu.dma_semaphore, #tpu.memory_space<semaphore_mem>>) src(%dma_wait3A_107 : memref<2x128xi32, #tpu.memory_space<hbm>>) dst(%dma_wait3A_105 : memref<2x128xi32, #tpu.memory_space<vmem>>)
    } else {
    }
    %mul3A_19 = arith.constant 640 : i32
    %mul3A_20 = arith.muli %arg1, %mul3A_19 : i32
    %mul3A_21 = arith.constant 640 : i32
    %mul3A_22 = arith.muli %arg1, %mul3A_21 : i32
    "tpu.region"() ({
      %run_scoped3A = tpu.sem_alloc : memref<!tpu.dma_semaphore, #tpu.memory_space<semaphore_mem>>
      %dma_start3A_94 = arith.constant 0 : i32
      %dma_start3A_95 = tpu.memref_slice %arg13[%mul3A_22, %dma_start3A_94] : memref<10240x48xf32, #tpu.memory_space<vmem_shared>> -> memref<640x48xf32, #tpu.memory_space<vmem_shared>>
      %dma_start3A_96 = arith.constant 0 : i32
      %dma_start3A_97 = tpu.memref_slice %arg2[%mul3A_20, %dma_start3A_96] : memref<10240x48xf32, #tpu.memory_space<hbm>> -> memref<640x48xf32, #tpu.memory_space<hbm>>
      tpu.enqueue_dma source(%dma_start3A_97 : memref<640x48xf32, #tpu.memory_space<hbm>>) target(%dma_start3A_95 : memref<640x48xf32, #tpu.memory_space<vmem_shared>>) target_semaphore(%run_scoped3A : memref<!tpu.dma_semaphore, #tpu.memory_space<semaphore_mem>>)
      %dma_wait3A_98 = arith.constant 0 : i32
      %dma_wait3A_99 = tpu.memref_slice %arg13[%mul3A_22, %dma_wait3A_98] : memref<10240x48xf32, #tpu.memory_space<vmem_shared>> -> memref<640x48xf32, #tpu.memory_space<vmem_shared>>
      %dma_wait3A_100 = arith.constant 0 : i32
      %dma_wait3A_101 = tpu.memref_slice %arg2[%mul3A_20, %dma_wait3A_100] : memref<10240x48xf32, #tpu.memory_space<hbm>> -> memref<640x48xf32, #tpu.memory_space<hbm>>
      tpu.wait_dma2 semaphore(%run_scoped3A : memref<!tpu.dma_semaphore, #tpu.memory_space<semaphore_mem>>) src(%dma_wait3A_101 : memref<640x48xf32, #tpu.memory_space<hbm>>) dst(%dma_wait3A_99 : memref<640x48xf32, #tpu.memory_space<vmem_shared>>)
      tpu.yield
    }) : () -> ()
    %mul3A_23 = arith.constant 640 : i32
    %mul3A_24 = arith.muli %arg1, %mul3A_23 : i32
    %mul3A_25 = arith.constant 640 : i32
    %mul3A_26 = arith.muli %arg1, %mul3A_25 : i32
    "tpu.region"() ({
      %run_scoped3A = tpu.sem_alloc : memref<!tpu.dma_semaphore, #tpu.memory_space<semaphore_mem>>
      %dma_start3A_94 = arith.constant 0 : i32
      %dma_start3A_95 = tpu.memref_slice %arg14[%mul3A_26, %dma_start3A_94] : memref<10240x48xf32, #tpu.memory_space<vmem_shared>> -> memref<640x48xf32, #tpu.memory_space<vmem_shared>>
      %dma_start3A_96 = arith.constant 0 : i32
      %dma_start3A_97 = tpu.memref_slice %arg2[%mul3A_24, %dma_start3A_96] : memref<10240x48xf32, #tpu.memory_space<hbm>> -> memref<640x48xf32, #tpu.memory_space<hbm>>
      tpu.enqueue_dma source(%dma_start3A_97 : memref<640x48xf32, #tpu.memory_space<hbm>>) target(%dma_start3A_95 : memref<640x48xf32, #tpu.memory_space<vmem_shared>>) target_semaphore(%run_scoped3A : memref<!tpu.dma_semaphore, #tpu.memory_space<semaphore_mem>>)
      %dma_wait3A_98 = arith.constant 0 : i32
      %dma_wait3A_99 = tpu.memref_slice %arg14[%mul3A_26, %dma_wait3A_98] : memref<10240x48xf32, #tpu.memory_space<vmem_shared>> -> memref<640x48xf32, #tpu.memory_space<vmem_shared>>
      %dma_wait3A_100 = arith.constant 0 : i32
      %dma_wait3A_101 = tpu.memref_slice %arg2[%mul3A_24, %dma_wait3A_100] : memref<10240x48xf32, #tpu.memory_space<hbm>> -> memref<640x48xf32, #tpu.memory_space<hbm>>
      tpu.wait_dma2 semaphore(%run_scoped3A : memref<!tpu.dma_semaphore, #tpu.memory_space<semaphore_mem>>) src(%dma_wait3A_101 : memref<640x48xf32, #tpu.memory_space<hbm>>) dst(%dma_wait3A_99 : memref<640x48xf32, #tpu.memory_space<vmem_shared>>)
      tpu.yield
    }) : () -> ()
    %barrier3A = arith.constant 0 : index
    tpu.barrier barrier_id(%barrier3A)
    %dma_start3A = arith.constant 0 : i32
    %dma_start3A_27 = arith.constant 0 : i32
    %dma_start3A_28 = tpu.memref_slice %arg5[%dma_start3A, %dma_start3A_27] : memref<158x128xi32, #tpu.memory_space<vmem>> -> memref<1x128xi32, #tpu.memory_space<vmem>>
    %dma_start3A_29 = tpu.memref_squeeze %dma_start3A_28 : memref<1x128xi32, #tpu.memory_space<vmem>> -> memref<128xi32, #tpu.memory_space<vmem>>
    %dma_start3A_30 = arith.constant 0 : i32
    %dma_start3A_31 = arith.constant 0 : i32
    %dma_start3A_32 = tpu.memref_slice %arg13[%dma_start3A_30, %dma_start3A_31] : memref<10240x48xf32, #tpu.memory_space<vmem_shared>> -> memref<10240x48xf32, #tpu.memory_space<vmem_shared>>
    tpu.enqueue_indirect_dma source(%dma_start3A_32 : memref<10240x48xf32, #tpu.memory_space<vmem_shared>>) target(%arg6 : memref<128x48xf32, #tpu.memory_space<vmem>>) offsets(%dma_start3A_29 : memref<128xi32, #tpu.memory_space<vmem>>) semaphore(%arg9 : memref<!tpu.dma_semaphore, #tpu.memory_space<semaphore_mem>>)
    %dma_wait3A = arith.constant 0 : i32
    %dma_wait3A_33 = arith.constant 0 : i32
    %dma_wait3A_34 = tpu.memref_slice %arg5[%dma_wait3A, %dma_wait3A_33] : memref<158x128xi32, #tpu.memory_space<vmem>> -> memref<1x128xi32, #tpu.memory_space<vmem>>
    %dma_wait3A_35 = tpu.memref_squeeze %dma_wait3A_34 : memref<1x128xi32, #tpu.memory_space<vmem>> -> memref<128xi32, #tpu.memory_space<vmem>>
    %dma_wait3A_36 = arith.constant 0 : i32
    %dma_wait3A_37 = arith.constant 0 : i32
    %dma_wait3A_38 = tpu.memref_slice %arg13[%dma_wait3A_36, %dma_wait3A_37] : memref<10240x48xf32, #tpu.memory_space<vmem_shared>> -> memref<10240x48xf32, #tpu.memory_space<vmem_shared>>
    tpu.wait_indirect_dma semaphore(%arg9 : memref<!tpu.dma_semaphore, #tpu.memory_space<semaphore_mem>>) src(%dma_wait3A_38 : memref<10240x48xf32, #tpu.memory_space<vmem_shared>>) dst(%arg6 : memref<128x48xf32, #tpu.memory_space<vmem>>)
    %dma_start3A_39 = arith.constant 1 : i32
    %dma_start3A_40 = arith.constant 0 : i32
    %dma_start3A_41 = tpu.memref_slice %arg5[%dma_start3A_39, %dma_start3A_40] : memref<158x128xi32, #tpu.memory_space<vmem>> -> memref<1x128xi32, #tpu.memory_space<vmem>>
    %dma_start3A_42 = tpu.memref_squeeze %dma_start3A_41 : memref<1x128xi32, #tpu.memory_space<vmem>> -> memref<128xi32, #tpu.memory_space<vmem>>
    %dma_start3A_43 = arith.constant 0 : i32
    %dma_start3A_44 = arith.constant 0 : i32
    %dma_start3A_45 = tpu.memref_slice %arg14[%dma_start3A_43, %dma_start3A_44] : memref<10240x48xf32, #tpu.memory_space<vmem_shared>> -> memref<10240x48xf32, #tpu.memory_space<vmem_shared>>
    tpu.enqueue_indirect_dma source(%arg6 : memref<128x48xf32, #tpu.memory_space<vmem>>) target(%dma_start3A_45 : memref<10240x48xf32, #tpu.memory_space<vmem_shared>>) offsets(%dma_start3A_42 : memref<128xi32, #tpu.memory_space<vmem>>) semaphore(%arg11 : memref<!tpu.dma_semaphore, #tpu.memory_space<semaphore_mem>>) {add = true}
    %dma_start3A_46 = arith.constant 2 : i32
    %dma_start3A_47 = arith.constant 0 : i32
    %dma_start3A_48 = tpu.memref_slice %arg5[%dma_start3A_46, %dma_start3A_47] : memref<158x128xi32, #tpu.memory_space<vmem>> -> memref<1x128xi32, #tpu.memory_space<vmem>>
    %dma_start3A_49 = tpu.memref_squeeze %dma_start3A_48 : memref<1x128xi32, #tpu.memory_space<vmem>> -> memref<128xi32, #tpu.memory_space<vmem>>
    %dma_start3A_50 = arith.constant 0 : i32
    %dma_start3A_51 = arith.constant 0 : i32
    %dma_start3A_52 = tpu.memref_slice %arg13[%dma_start3A_50, %dma_start3A_51] : memref<10240x48xf32, #tpu.memory_space<vmem_shared>> -> memref<10240x48xf32, #tpu.memory_space<vmem_shared>>
    tpu.enqueue_indirect_dma source(%dma_start3A_52 : memref<10240x48xf32, #tpu.memory_space<vmem_shared>>) target(%arg7 : memref<128x48xf32, #tpu.memory_space<vmem>>) offsets(%dma_start3A_49 : memref<128xi32, #tpu.memory_space<vmem>>) semaphore(%arg10 : memref<!tpu.dma_semaphore, #tpu.memory_space<semaphore_mem>>)
    %scan3A_53 = arith.constant 0 : i32
    %scan3A_54 = arith.constant 38 : i32
    %scan3A_55 = arith.addi %scan3A_53, %scan3A_54 : i32
    %scan3A_56 = arith.constant 1 : i32
    scf.for %scan3A_94 = %scan3A_53 to %scan3A_55 step %scan3A_56  : i32 {
      %mul3A_95 = arith.constant 2 : i32
      %mul3A_96 = arith.muli %scan3A_94, %mul3A_95 : i32
      %add3A_97 = arith.constant 1 : i32
      %add3A_98 = arith.addi %add3A_97, %mul3A_96 : i32
      %mul3A_99 = arith.constant 2 : i32
      %mul3A_100 = arith.muli %mul3A_99, %add3A_98 : i32
      %dma_wait3A_101 = arith.constant 0 : i32
      %dma_wait3A_102 = tpu.memref_slice %arg5[%mul3A_100, %dma_wait3A_101] : memref<158x128xi32, #tpu.memory_space<vmem>> -> memref<1x128xi32, #tpu.memory_space<vmem>>
      %dma_wait3A_103 = tpu.memref_squeeze %dma_wait3A_102 : memref<1x128xi32, #tpu.memory_space<vmem>> -> memref<128xi32, #tpu.memory_space<vmem>>
      %dma_wait3A_104 = arith.constant 0 : i32
      %dma_wait3A_105 = arith.constant 0 : i32
      %dma_wait3A_106 = tpu.memref_slice %arg13[%dma_wait3A_104, %dma_wait3A_105] : memref<10240x48xf32, #tpu.memory_space<vmem_shared>> -> memref<10240x48xf32, #tpu.memory_space<vmem_shared>>
      tpu.wait_indirect_dma semaphore(%arg10 : memref<!tpu.dma_semaphore, #tpu.memory_space<semaphore_mem>>) src(%dma_wait3A_106 : memref<10240x48xf32, #tpu.memory_space<vmem_shared>>) dst(%arg7 : memref<128x48xf32, #tpu.memory_space<vmem>>)
      %mul3A_107 = arith.constant 2 : i32
      %mul3A_108 = arith.muli %mul3A_107, %add3A_98 : i32
      %add3A_109 = arith.constant 1 : i32
      %add3A_110 = arith.addi %mul3A_108, %add3A_109 : i32
      %dma_start3A_111 = arith.constant 0 : i32
      %dma_start3A_112 = tpu.memref_slice %arg5[%add3A_110, %dma_start3A_111] : memref<158x128xi32, #tpu.memory_space<vmem>> -> memref<1x128xi32, #tpu.memory_space<vmem>>
      %dma_start3A_113 = tpu.memref_squeeze %dma_start3A_112 : memref<1x128xi32, #tpu.memory_space<vmem>> -> memref<128xi32, #tpu.memory_space<vmem>>
      %dma_start3A_114 = arith.constant 0 : i32
      %dma_start3A_115 = arith.constant 0 : i32
      %dma_start3A_116 = tpu.memref_slice %arg14[%dma_start3A_114, %dma_start3A_115] : memref<10240x48xf32, #tpu.memory_space<vmem_shared>> -> memref<10240x48xf32, #tpu.memory_space<vmem_shared>>
      tpu.enqueue_indirect_dma source(%arg7 : memref<128x48xf32, #tpu.memory_space<vmem>>) target(%dma_start3A_116 : memref<10240x48xf32, #tpu.memory_space<vmem_shared>>) offsets(%dma_start3A_113 : memref<128xi32, #tpu.memory_space<vmem>>) semaphore(%arg12 : memref<!tpu.dma_semaphore, #tpu.memory_space<semaphore_mem>>) {add = true}
      %mul3A_117 = arith.constant 2 : i32
      %mul3A_118 = arith.muli %mul3A_117, %add3A_98 : i32
      %sub3A = arith.constant 1 : i32
      %sub3A_119 = arith.subi %mul3A_118, %sub3A : i32
      %dma_wait3A_120 = arith.constant 0 : i32
      %dma_wait3A_121 = tpu.memref_slice %arg5[%sub3A_119, %dma_wait3A_120] : memref<158x128xi32, #tpu.memory_space<vmem>> -> memref<1x128xi32, #tpu.memory_space<vmem>>
      %dma_wait3A_122 = tpu.memref_squeeze %dma_wait3A_121 : memref<1x128xi32, #tpu.memory_space<vmem>> -> memref<128xi32, #tpu.memory_space<vmem>>
      %dma_wait3A_123 = arith.constant 0 : i32
      %dma_wait3A_124 = arith.constant 0 : i32
      %dma_wait3A_125 = tpu.memref_slice %arg14[%dma_wait3A_123, %dma_wait3A_124] : memref<10240x48xf32, #tpu.memory_space<vmem_shared>> -> memref<10240x48xf32, #tpu.memory_space<vmem_shared>>
      tpu.wait_indirect_dma semaphore(%arg11 : memref<!tpu.dma_semaphore, #tpu.memory_space<semaphore_mem>>) src(%arg6 : memref<128x48xf32, #tpu.memory_space<vmem>>) dst(%dma_wait3A_125 : memref<10240x48xf32, #tpu.memory_space<vmem_shared>>)
      %mul3A_126 = arith.constant 2 : i32
      %mul3A_127 = arith.muli %mul3A_126, %add3A_98 : i32
      %add3A_128 = arith.constant 2 : i32
      %add3A_129 = arith.addi %mul3A_127, %add3A_128 : i32
      %dma_start3A_130 = arith.constant 0 : i32
      %dma_start3A_131 = tpu.memref_slice %arg5[%add3A_129, %dma_start3A_130] : memref<158x128xi32, #tpu.memory_space<vmem>> -> memref<1x128xi32, #tpu.memory_space<vmem>>
      %dma_start3A_132 = tpu.memref_squeeze %dma_start3A_131 : memref<1x128xi32, #tpu.memory_space<vmem>> -> memref<128xi32, #tpu.memory_space<vmem>>
      %dma_start3A_133 = arith.constant 0 : i32
      %dma_start3A_134 = arith.constant 0 : i32
      %dma_start3A_135 = tpu.memref_slice %arg13[%dma_start3A_133, %dma_start3A_134] : memref<10240x48xf32, #tpu.memory_space<vmem_shared>> -> memref<10240x48xf32, #tpu.memory_space<vmem_shared>>
      tpu.enqueue_indirect_dma source(%dma_start3A_135 : memref<10240x48xf32, #tpu.memory_space<vmem_shared>>) target(%arg6 : memref<128x48xf32, #tpu.memory_space<vmem>>) offsets(%dma_start3A_132 : memref<128xi32, #tpu.memory_space<vmem>>) semaphore(%arg9 : memref<!tpu.dma_semaphore, #tpu.memory_space<semaphore_mem>>)
      %mul3A_136 = arith.constant 2 : i32
      %mul3A_137 = arith.muli %mul3A_136, %add3A_98 : i32
      %add3A_138 = arith.constant 2 : i32
      %add3A_139 = arith.addi %mul3A_137, %add3A_138 : i32
      %dma_wait3A_140 = arith.constant 0 : i32
      %dma_wait3A_141 = tpu.memref_slice %arg5[%add3A_139, %dma_wait3A_140] : memref<158x128xi32, #tpu.memory_space<vmem>> -> memref<1x128xi32, #tpu.memory_space<vmem>>
      %dma_wait3A_142 = tpu.memref_squeeze %dma_wait3A_141 : memref<1x128xi32, #tpu.memory_space<vmem>> -> memref<128xi32, #tpu.memory_space<vmem>>
      %dma_wait3A_143 = arith.constant 0 : i32
      %dma_wait3A_144 = arith.constant 0 : i32
      %dma_wait3A_145 = tpu.memref_slice %arg13[%dma_wait3A_143, %dma_wait3A_144] : memref<10240x48xf32, #tpu.memory_space<vmem_shared>> -> memref<10240x48xf32, #tpu.memory_space<vmem_shared>>
      tpu.wait_indirect_dma semaphore(%arg9 : memref<!tpu.dma_semaphore, #tpu.memory_space<semaphore_mem>>) src(%dma_wait3A_145 : memref<10240x48xf32, #tpu.memory_space<vmem_shared>>) dst(%arg6 : memref<128x48xf32, #tpu.memory_space<vmem>>)
      %mul3A_146 = arith.constant 2 : i32
      %mul3A_147 = arith.muli %mul3A_146, %add3A_98 : i32
      %add3A_148 = arith.constant 3 : i32
      %add3A_149 = arith.addi %mul3A_147, %add3A_148 : i32
      %dma_start3A_150 = arith.constant 0 : i32
      %dma_start3A_151 = tpu.memref_slice %arg5[%add3A_149, %dma_start3A_150] : memref<158x128xi32, #tpu.memory_space<vmem>> -> memref<1x128xi32, #tpu.memory_space<vmem>>
      %dma_start3A_152 = tpu.memref_squeeze %dma_start3A_151 : memref<1x128xi32, #tpu.memory_space<vmem>> -> memref<128xi32, #tpu.memory_space<vmem>>
      %dma_start3A_153 = arith.constant 0 : i32
      %dma_start3A_154 = arith.constant 0 : i32
      %dma_start3A_155 = tpu.memref_slice %arg14[%dma_start3A_153, %dma_start3A_154] : memref<10240x48xf32, #tpu.memory_space<vmem_shared>> -> memref<10240x48xf32, #tpu.memory_space<vmem_shared>>
      tpu.enqueue_indirect_dma source(%arg6 : memref<128x48xf32, #tpu.memory_space<vmem>>) target(%dma_start3A_155 : memref<10240x48xf32, #tpu.memory_space<vmem_shared>>) offsets(%dma_start3A_152 : memref<128xi32, #tpu.memory_space<vmem>>) semaphore(%arg11 : memref<!tpu.dma_semaphore, #tpu.memory_space<semaphore_mem>>) {add = true}
      %mul3A_156 = arith.constant 2 : i32
      %mul3A_157 = arith.muli %mul3A_156, %add3A_98 : i32
      %add3A_158 = arith.constant 1 : i32
      %add3A_159 = arith.addi %mul3A_157, %add3A_158 : i32
      %dma_wait3A_160 = arith.constant 0 : i32
      %dma_wait3A_161 = tpu.memref_slice %arg5[%add3A_159, %dma_wait3A_160] : memref<158x128xi32, #tpu.memory_space<vmem>> -> memref<1x128xi32, #tpu.memory_space<vmem>>
      %dma_wait3A_162 = tpu.memref_squeeze %dma_wait3A_161 : memref<1x128xi32, #tpu.memory_space<vmem>> -> memref<128xi32, #tpu.memory_space<vmem>>
      %dma_wait3A_163 = arith.constant 0 : i32
      %dma_wait3A_164 = arith.constant 0 : i32
      %dma_wait3A_165 = tpu.memref_slice %arg14[%dma_wait3A_163, %dma_wait3A_164] : memref<10240x48xf32, #tpu.memory_space<vmem_shared>> -> memref<10240x48xf32, #tpu.memory_space<vmem_shared>>
      tpu.wait_indirect_dma semaphore(%arg12 : memref<!tpu.dma_semaphore, #tpu.memory_space<semaphore_mem>>) src(%arg7 : memref<128x48xf32, #tpu.memory_space<vmem>>) dst(%dma_wait3A_165 : memref<10240x48xf32, #tpu.memory_space<vmem_shared>>)
      %mul3A_166 = arith.constant 2 : i32
      %mul3A_167 = arith.muli %mul3A_166, %add3A_98 : i32
      %add3A_168 = arith.constant 4 : i32
      %add3A_169 = arith.addi %mul3A_167, %add3A_168 : i32
      %dma_start3A_170 = arith.constant 0 : i32
      %dma_start3A_171 = tpu.memref_slice %arg5[%add3A_169, %dma_start3A_170] : memref<158x128xi32, #tpu.memory_space<vmem>> -> memref<1x128xi32, #tpu.memory_space<vmem>>
      %dma_start3A_172 = tpu.memref_squeeze %dma_start3A_171 : memref<1x128xi32, #tpu.memory_space<vmem>> -> memref<128xi32, #tpu.memory_space<vmem>>
      %dma_start3A_173 = arith.constant 0 : i32
      %dma_start3A_174 = arith.constant 0 : i32
      %dma_start3A_175 = tpu.memref_slice %arg13[%dma_start3A_173, %dma_start3A_174] : memref<10240x48xf32, #tpu.memory_space<vmem_shared>> -> memref<10240x48xf32, #tpu.memory_space<vmem_shared>>
      tpu.enqueue_indirect_dma source(%dma_start3A_175 : memref<10240x48xf32, #tpu.memory_space<vmem_shared>>) target(%arg7 : memref<128x48xf32, #tpu.memory_space<vmem>>) offsets(%dma_start3A_172 : memref<128xi32, #tpu.memory_space<vmem>>) semaphore(%arg10 : memref<!tpu.dma_semaphore, #tpu.memory_space<semaphore_mem>>)
    }
    %scan3A_57 = arith.constant 38 : i32
    %dma_wait3A_58 = arith.constant 154 : i32
    %dma_wait3A_59 = arith.constant 0 : i32
    %dma_wait3A_60 = tpu.memref_slice %arg5[%dma_wait3A_58, %dma_wait3A_59] : memref<158x128xi32, #tpu.memory_space<vmem>> -> memref<1x128xi32, #tpu.memory_space<vmem>>
    %dma_wait3A_61 = tpu.memref_squeeze %dma_wait3A_60 : memref<1x128xi32, #tpu.memory_space<vmem>> -> memref<128xi32, #tpu.memory_space<vmem>>
    %dma_wait3A_62 = arith.constant 0 : i32
    %dma_wait3A_63 = arith.constant 0 : i32
    %dma_wait3A_64 = tpu.memref_slice %arg13[%dma_wait3A_62, %dma_wait3A_63] : memref<10240x48xf32, #tpu.memory_space<vmem_shared>> -> memref<10240x48xf32, #tpu.memory_space<vmem_shared>>
    tpu.wait_indirect_dma semaphore(%arg10 : memref<!tpu.dma_semaphore, #tpu.memory_space<semaphore_mem>>) src(%dma_wait3A_64 : memref<10240x48xf32, #tpu.memory_space<vmem_shared>>) dst(%arg7 : memref<128x48xf32, #tpu.memory_space<vmem>>)
    %dma_start3A_65 = arith.constant 155 : i32
    %dma_start3A_66 = arith.constant 0 : i32
    %dma_start3A_67 = tpu.memref_slice %arg5[%dma_start3A_65, %dma_start3A_66] : memref<158x128xi32, #tpu.memory_space<vmem>> -> memref<1x128xi32, #tpu.memory_space<vmem>>
    %dma_start3A_68 = tpu.memref_squeeze %dma_start3A_67 : memref<1x128xi32, #tpu.memory_space<vmem>> -> memref<128xi32, #tpu.memory_space<vmem>>
    %dma_start3A_69 = arith.constant 0 : i32
    %dma_start3A_70 = arith.constant 0 : i32
    %dma_start3A_71 = tpu.memref_slice %arg14[%dma_start3A_69, %dma_start3A_70] : memref<10240x48xf32, #tpu.memory_space<vmem_shared>> -> memref<10240x48xf32, #tpu.memory_space<vmem_shared>>
    tpu.enqueue_indirect_dma source(%arg7 : memref<128x48xf32, #tpu.memory_space<vmem>>) target(%dma_start3A_71 : memref<10240x48xf32, #tpu.memory_space<vmem_shared>>) offsets(%dma_start3A_68 : memref<128xi32, #tpu.memory_space<vmem>>) semaphore(%arg12 : memref<!tpu.dma_semaphore, #tpu.memory_space<semaphore_mem>>) {add = true}
    %dma_wait3A_72 = arith.constant 153 : i32
    %dma_wait3A_73 = arith.constant 0 : i32
    %dma_wait3A_74 = tpu.memref_slice %arg5[%dma_wait3A_72, %dma_wait3A_73] : memref<158x128xi32, #tpu.memory_space<vmem>> -> memref<1x128xi32, #tpu.memory_space<vmem>>
    %dma_wait3A_75 = tpu.memref_squeeze %dma_wait3A_74 : memref<1x128xi32, #tpu.memory_space<vmem>> -> memref<128xi32, #tpu.memory_space<vmem>>
    %dma_wait3A_76 = arith.constant 0 : i32
    %dma_wait3A_77 = arith.constant 0 : i32
    %dma_wait3A_78 = tpu.memref_slice %arg14[%dma_wait3A_76, %dma_wait3A_77] : memref<10240x48xf32, #tpu.memory_space<vmem_shared>> -> memref<10240x48xf32, #tpu.memory_space<vmem_shared>>
    tpu.wait_indirect_dma semaphore(%arg11 : memref<!tpu.dma_semaphore, #tpu.memory_space<semaphore_mem>>) src(%arg6 : memref<128x48xf32, #tpu.memory_space<vmem>>) dst(%dma_wait3A_78 : memref<10240x48xf32, #tpu.memory_space<vmem_shared>>)
    %dma_wait3A_79 = arith.constant 155 : i32
    %dma_wait3A_80 = arith.constant 0 : i32
    %dma_wait3A_81 = tpu.memref_slice %arg5[%dma_wait3A_79, %dma_wait3A_80] : memref<158x128xi32, #tpu.memory_space<vmem>> -> memref<1x128xi32, #tpu.memory_space<vmem>>
    %dma_wait3A_82 = tpu.memref_squeeze %dma_wait3A_81 : memref<1x128xi32, #tpu.memory_space<vmem>> -> memref<128xi32, #tpu.memory_space<vmem>>
    %dma_wait3A_83 = arith.constant 0 : i32
    %dma_wait3A_84 = arith.constant 0 : i32
    %dma_wait3A_85 = tpu.memref_slice %arg14[%dma_wait3A_83, %dma_wait3A_84] : memref<10240x48xf32, #tpu.memory_space<vmem_shared>> -> memref<10240x48xf32, #tpu.memory_space<vmem_shared>>
    tpu.wait_indirect_dma semaphore(%arg12 : memref<!tpu.dma_semaphore, #tpu.memory_space<semaphore_mem>>) src(%arg7 : memref<128x48xf32, #tpu.memory_space<vmem>>) dst(%dma_wait3A_85 : memref<10240x48xf32, #tpu.memory_space<vmem_shared>>)
    %convert_element_type3A_86 = arith.extui %lt3A_5 : i1 to i32
    %cond3A_87 = arith.constant 0 : i32
    %cond3A_88 = arith.cmpi ne, %convert_element_type3A_86, %cond3A_87 : i32
    scf.if %cond3A_88 {
      %dma_start3A_94 = arith.constant 156 : i32
      %dma_start3A_95 = arith.constant 0 : i32
      %dma_start3A_96 = tpu.memref_slice %arg5[%dma_start3A_94, %dma_start3A_95] : memref<158x128xi32, #tpu.memory_space<vmem>> -> memref<1x128xi32, #tpu.memory_space<vmem>>
      %dma_start3A_97 = tpu.memref_squeeze %dma_start3A_96 : memref<1x128xi32, #tpu.memory_space<vmem>> -> memref<128xi32, #tpu.memory_space<vmem>>
      %dma_start3A_98 = arith.constant 0 : i32
      %dma_start3A_99 = arith.constant 0 : i32
      %dma_start3A_100 = tpu.memref_slice %arg13[%dma_start3A_98, %dma_start3A_99] : memref<10240x48xf32, #tpu.memory_space<vmem_shared>> -> memref<10240x48xf32, #tpu.memory_space<vmem_shared>>
      tpu.enqueue_indirect_dma source(%dma_start3A_100 : memref<10240x48xf32, #tpu.memory_space<vmem_shared>>) target(%arg6 : memref<128x48xf32, #tpu.memory_space<vmem>>) offsets(%dma_start3A_97 : memref<128xi32, #tpu.memory_space<vmem>>) semaphore(%arg9 : memref<!tpu.dma_semaphore, #tpu.memory_space<semaphore_mem>>)
      %dma_wait3A_101 = arith.constant 156 : i32
      %dma_wait3A_102 = arith.constant 0 : i32
      %dma_wait3A_103 = tpu.memref_slice %arg5[%dma_wait3A_101, %dma_wait3A_102] : memref<158x128xi32, #tpu.memory_space<vmem>> -> memref<1x128xi32, #tpu.memory_space<vmem>>
      %dma_wait3A_104 = tpu.memref_squeeze %dma_wait3A_103 : memref<1x128xi32, #tpu.memory_space<vmem>> -> memref<128xi32, #tpu.memory_space<vmem>>
      %dma_wait3A_105 = arith.constant 0 : i32
      %dma_wait3A_106 = arith.constant 0 : i32
      %dma_wait3A_107 = tpu.memref_slice %arg13[%dma_wait3A_105, %dma_wait3A_106] : memref<10240x48xf32, #tpu.memory_space<vmem_shared>> -> memref<10240x48xf32, #tpu.memory_space<vmem_shared>>
      tpu.wait_indirect_dma semaphore(%arg9 : memref<!tpu.dma_semaphore, #tpu.memory_space<semaphore_mem>>) src(%dma_wait3A_107 : memref<10240x48xf32, #tpu.memory_space<vmem_shared>>) dst(%arg6 : memref<128x48xf32, #tpu.memory_space<vmem>>)
      %run_scoped3A = arith.constant 157 : i32
      "tpu.region"() ({
        %run_scoped3A_108 = tpu.sem_alloc : memref<!tpu.dma_semaphore, #tpu.memory_space<semaphore_mem>>
        %dma_start3A_109 = arith.constant 0 : i32
        %dma_start3A_110 = tpu.memref_slice %arg5[%run_scoped3A, %dma_start3A_109] : memref<158x128xi32, #tpu.memory_space<vmem>> -> memref<1x128xi32, #tpu.memory_space<vmem>>
        %dma_start3A_111 = tpu.memref_squeeze %dma_start3A_110 : memref<1x128xi32, #tpu.memory_space<vmem>> -> memref<128xi32, #tpu.memory_space<vmem>>
        %dma_start3A_112 = arith.constant 0 : i32
        %dma_start3A_113 = arith.constant 0 : i32
        %dma_start3A_114 = tpu.memref_slice %arg14[%dma_start3A_112, %dma_start3A_113] : memref<10240x48xf32, #tpu.memory_space<vmem_shared>> -> memref<10240x48xf32, #tpu.memory_space<vmem_shared>>
        tpu.enqueue_indirect_dma source(%arg6 : memref<128x48xf32, #tpu.memory_space<vmem>>) target(%dma_start3A_114 : memref<10240x48xf32, #tpu.memory_space<vmem_shared>>) offsets(%dma_start3A_111 : memref<128xi32, #tpu.memory_space<vmem>>) semaphore(%run_scoped3A_108 : memref<!tpu.dma_semaphore, #tpu.memory_space<semaphore_mem>>) {add = true}
        %dma_wait3A_115 = arith.constant 0 : i32
        %dma_wait3A_116 = tpu.memref_slice %arg5[%run_scoped3A, %dma_wait3A_115] : memref<158x128xi32, #tpu.memory_space<vmem>> -> memref<1x128xi32, #tpu.memory_space<vmem>>
        %dma_wait3A_117 = tpu.memref_squeeze %dma_wait3A_116 : memref<1x128xi32, #tpu.memory_space<vmem>> -> memref<128xi32, #tpu.memory_space<vmem>>
        %dma_wait3A_118 = arith.constant 0 : i32
        %dma_wait3A_119 = arith.constant 0 : i32
        %dma_wait3A_120 = tpu.memref_slice %arg14[%dma_wait3A_118, %dma_wait3A_119] : memref<10240x48xf32, #tpu.memory_space<vmem_shared>> -> memref<10240x48xf32, #tpu.memory_space<vmem_shared>>
        tpu.wait_indirect_dma semaphore(%run_scoped3A_108 : memref<!tpu.dma_semaphore, #tpu.memory_space<semaphore_mem>>) src(%arg6 : memref<128x48xf32, #tpu.memory_space<vmem>>) dst(%dma_wait3A_120 : memref<10240x48xf32, #tpu.memory_space<vmem_shared>>)
        tpu.yield
      }) : () -> ()
    } else {
    }
    %barrier3A_89 = arith.constant 0 : index
    tpu.barrier barrier_id(%barrier3A_89)
    %mul3A_90 = arith.constant 640 : i32
    %mul3A_91 = arith.muli %arg1, %mul3A_90 : i32
    %mul3A_92 = arith.constant 640 : i32
    %mul3A_93 = arith.muli %arg1, %mul3A_92 : i32
    "tpu.region"() ({
      %run_scoped3A = tpu.sem_alloc : memref<!tpu.dma_semaphore, #tpu.memory_space<semaphore_mem>>
      %dma_start3A_94 = arith.constant 0 : i32
      %dma_start3A_95 = tpu.memref_slice %arg4[%arg0, %mul3A_93, %dma_start3A_94] : memref<2x10240x48xf32, #tpu.memory_space<hbm>> -> memref<1x640x48xf32, #tpu.memory_space<hbm>>
      %dma_start3A_96 = tpu.memref_squeeze %dma_start3A_95 : memref<1x640x48xf32, #tpu.memory_space<hbm>> -> memref<640x48xf32, #tpu.memory_space<hbm>>
      %dma_start3A_97 = arith.constant 0 : i32
      %dma_start3A_98 = tpu.memref_slice %arg14[%mul3A_91, %dma_start3A_97] : memref<10240x48xf32, #tpu.memory_space<vmem_shared>> -> memref<640x48xf32, #tpu.memory_space<vmem_shared>>
      tpu.enqueue_dma source(%dma_start3A_98 : memref<640x48xf32, #tpu.memory_space<vmem_shared>>) target(%dma_start3A_96 : memref<640x48xf32, #tpu.memory_space<hbm>>) target_semaphore(%run_scoped3A : memref<!tpu.dma_semaphore, #tpu.memory_space<semaphore_mem>>)
      %dma_wait3A_99 = arith.constant 0 : i32
      %dma_wait3A_100 = tpu.memref_slice %arg4[%arg0, %mul3A_93, %dma_wait3A_99] : memref<2x10240x48xf32, #tpu.memory_space<hbm>> -> memref<1x640x48xf32, #tpu.memory_space<hbm>>
      %dma_wait3A_101 = tpu.memref_squeeze %dma_wait3A_100 : memref<1x640x48xf32, #tpu.memory_space<hbm>> -> memref<640x48xf32, #tpu.memory_space<hbm>>
      %dma_wait3A_102 = arith.constant 0 : i32
      %dma_wait3A_103 = tpu.memref_slice %arg14[%mul3A_91, %dma_wait3A_102] : memref<10240x48xf32, #tpu.memory_space<vmem_shared>> -> memref<640x48xf32, #tpu.memory_space<vmem_shared>>
      tpu.wait_dma2 semaphore(%run_scoped3A : memref<!tpu.dma_semaphore, #tpu.memory_space<semaphore_mem>>) src(%dma_wait3A_103 : memref<640x48xf32, #tpu.memory_space<vmem_shared>>) dst(%dma_wait3A_101 : memref<640x48xf32, #tpu.memory_space<hbm>>)
      tpu.yield
    }) : () -> ()
    return
  }
}

#map = affine_map<(d0, d1) -> (0, 0, 0)>
#map1 = affine_map<(d0, d1) -> (0, 0)>
#map2 = affine_map<(d0, d1) -> (0, 0, 0, 0)>
module attributes {stable_mosaic.version = 14 : i64} {
  func.func @_prop(%arg0: i32, %arg1: i32, %arg2: memref<2x10240x64xf32, #tpu.memory_space<hbm>>, %arg3: memref<2x320000xi32, #tpu.memory_space<hbm>>, %arg4: memref<2x2x10240x64xf32, #tpu.memory_space<hbm>>, %arg5: memref<158x128xi32, #tpu.memory_space<vmem>>, %arg6: memref<128x64xf32, #tpu.memory_space<vmem>>, %arg7: memref<128x64xf32, #tpu.memory_space<vmem>>, %arg8: memref<!tpu.dma_semaphore, #tpu.memory_space<semaphore_mem>>, %arg9: memref<!tpu.dma_semaphore, #tpu.memory_space<semaphore_mem>>, %arg10: memref<!tpu.dma_semaphore, #tpu.memory_space<semaphore_mem>>, %arg11: memref<!tpu.dma_semaphore, #tpu.memory_space<semaphore_mem>>, %arg12: memref<!tpu.dma_semaphore, #tpu.memory_space<semaphore_mem>>, %arg13: memref<10240x64xf32, #tpu.memory_space<vmem_shared>>, %arg14: memref<10240x64xf32, #tpu.memory_space<vmem_shared>>) attributes {dimension_semantics = [#tpu.dimension_semantics<core_parallel>, #tpu.dimension_semantics<subcore_parallel>], iteration_bounds = array<i64: 2, 16>, scalar_prefetch = 0 : i64, scratch_operands = 10 : i64, tpu.core_type = #tpu.core_type<sc_vector_subcore>, window_params = [{transform_indices = #map}, {transform_indices = #map1}, {transform_indices = #map2}]} {
    %mul3A = arith.constant 16 : i32
    %mul3A_0 = arith.muli %arg0, %mul3A : i32
    %add3A = arith.addi %mul3A_0, %arg1 : i32
    %mul3A_1 = arith.constant 78 : i32
    %mul3A_2 = arith.muli %mul3A_1, %add3A : i32
    %min3A = arith.constant 4 : i32
    %min3A_3 = arith.minsi %add3A, %min3A : i32
    %add3A_4 = arith.addi %mul3A_2, %min3A_3 : i32
    %lt3A = arith.constant 4 : i32
    %lt3A_5 = arith.cmpi slt, %add3A, %lt3A : i32
    %scan3A = arith.constant 0 : i32
    %scan3A_6 = arith.constant 78 : i32
    %scan3A_7 = arith.addi %scan3A, %scan3A_6 : i32
    %scan3A_8 = arith.constant 1 : i32
    scf.for %scan3A_178 = %scan3A to %scan3A_7 step %scan3A_8  : i32 {
      %mul3A_179 = arith.constant 1 : i32
      %mul3A_180 = arith.muli %scan3A_178, %mul3A_179 : i32
      %add3A_181 = arith.constant 0 : i32
      %add3A_182 = arith.addi %add3A_181, %mul3A_180 : i32
      %add3A_183 = arith.addi %add3A_4, %add3A_182 : i32
      %mul3A_184 = arith.constant 128 : i32
      %mul3A_185 = arith.muli %add3A_183, %mul3A_184 : i32
      %mul3A_186 = arith.constant 2 : i32
      %mul3A_187 = arith.muli %mul3A_186, %add3A_182 : i32
      %dma_start3A_188 = arith.constant 0 : i32
      %dma_start3A_189 = tpu.memref_slice %arg5[%mul3A_187, %dma_start3A_188] : memref<158x128xi32, #tpu.memory_space<vmem>> -> memref<2x128xi32, #tpu.memory_space<vmem>>
      %dma_start3A_190 = arith.constant 0 : i32
      %dma_start3A_191 = tpu.memref_slice %arg3[%dma_start3A_190, %mul3A_185] : memref<2x320000xi32, #tpu.memory_space<hbm>> -> memref<2x128xi32, #tpu.memory_space<hbm>>
      %dma_start3A_192 = arith.constant 0 : i32
      %dma_start3A_193 = tpu.memref_slice %arg5[%mul3A_187, %dma_start3A_192] : memref<158x128xi32, #tpu.memory_space<vmem>> -> memref<2x128xi32, #tpu.memory_space<vmem>>
      %dma_start3A_194 = arith.constant 0 : i32
      %dma_start3A_195 = tpu.memref_slice %arg3[%dma_start3A_194, %mul3A_185] : memref<2x320000xi32, #tpu.memory_space<hbm>> -> memref<2x128xi32, #tpu.memory_space<hbm>>
      tpu.enqueue_dma source(%dma_start3A_195 : memref<2x128xi32, #tpu.memory_space<hbm>>) target(%dma_start3A_193 : memref<2x128xi32, #tpu.memory_space<vmem>>) target_semaphore(%arg8 : memref<!tpu.dma_semaphore, #tpu.memory_space<semaphore_mem>>)
    }
    %scan3A_9 = arith.constant 78 : i32
    %convert_element_type3A = arith.extui %lt3A_5 : i1 to i32
    %cond3A = arith.constant 0 : i32
    %cond3A_10 = arith.cmpi ne, %convert_element_type3A, %cond3A : i32
    scf.if %cond3A_10 {
      %add3A_178 = arith.constant 78 : i32
      %add3A_179 = arith.addi %add3A_4, %add3A_178 : i32
      %mul3A_180 = arith.constant 128 : i32
      %mul3A_181 = arith.muli %add3A_179, %mul3A_180 : i32
      %dma_start3A_182 = arith.constant 156 : i32
      %dma_start3A_183 = arith.constant 0 : i32
      %dma_start3A_184 = tpu.memref_slice %arg5[%dma_start3A_182, %dma_start3A_183] : memref<158x128xi32, #tpu.memory_space<vmem>> -> memref<2x128xi32, #tpu.memory_space<vmem>>
      %dma_start3A_185 = arith.constant 0 : i32
      %dma_start3A_186 = tpu.memref_slice %arg3[%dma_start3A_185, %mul3A_181] : memref<2x320000xi32, #tpu.memory_space<hbm>> -> memref<2x128xi32, #tpu.memory_space<hbm>>
      %dma_start3A_187 = arith.constant 156 : i32
      %dma_start3A_188 = arith.constant 0 : i32
      %dma_start3A_189 = tpu.memref_slice %arg5[%dma_start3A_187, %dma_start3A_188] : memref<158x128xi32, #tpu.memory_space<vmem>> -> memref<2x128xi32, #tpu.memory_space<vmem>>
      %dma_start3A_190 = arith.constant 0 : i32
      %dma_start3A_191 = tpu.memref_slice %arg3[%dma_start3A_190, %mul3A_181] : memref<2x320000xi32, #tpu.memory_space<hbm>> -> memref<2x128xi32, #tpu.memory_space<hbm>>
      tpu.enqueue_dma source(%dma_start3A_191 : memref<2x128xi32, #tpu.memory_space<hbm>>) target(%dma_start3A_189 : memref<2x128xi32, #tpu.memory_space<vmem>>) target_semaphore(%arg8 : memref<!tpu.dma_semaphore, #tpu.memory_space<semaphore_mem>>)
    } else {
    }
    %scan3A_11 = arith.constant 0 : i32
    %scan3A_12 = arith.constant 78 : i32
    %scan3A_13 = arith.addi %scan3A_11, %scan3A_12 : i32
    %scan3A_14 = arith.constant 1 : i32
    scf.for %scan3A_178 = %scan3A_11 to %scan3A_13 step %scan3A_14  : i32 {
      %mul3A_179 = arith.constant 1 : i32
      %mul3A_180 = arith.muli %scan3A_178, %mul3A_179 : i32
      %add3A_181 = arith.constant 0 : i32
      %add3A_182 = arith.addi %add3A_181, %mul3A_180 : i32
      %add3A_183 = arith.addi %add3A_4, %add3A_182 : i32
      %mul3A_184 = arith.constant 128 : i32
      %mul3A_185 = arith.muli %add3A_183, %mul3A_184 : i32
      %mul3A_186 = arith.constant 2 : i32
      %mul3A_187 = arith.muli %mul3A_186, %add3A_182 : i32
      %dma_wait3A_188 = arith.constant 0 : i32
      %dma_wait3A_189 = tpu.memref_slice %arg5[%mul3A_187, %dma_wait3A_188] : memref<158x128xi32, #tpu.memory_space<vmem>> -> memref<2x128xi32, #tpu.memory_space<vmem>>
      %dma_wait3A_190 = arith.constant 0 : i32
      %dma_wait3A_191 = tpu.memref_slice %arg3[%dma_wait3A_190, %mul3A_185] : memref<2x320000xi32, #tpu.memory_space<hbm>> -> memref<2x128xi32, #tpu.memory_space<hbm>>
      %dma_wait3A_192 = arith.constant 0 : i32
      %dma_wait3A_193 = tpu.memref_slice %arg5[%mul3A_187, %dma_wait3A_192] : memref<158x128xi32, #tpu.memory_space<vmem>> -> memref<2x128xi32, #tpu.memory_space<vmem>>
      %dma_wait3A_194 = arith.constant 0 : i32
      %dma_wait3A_195 = tpu.memref_slice %arg3[%dma_wait3A_194, %mul3A_185] : memref<2x320000xi32, #tpu.memory_space<hbm>> -> memref<2x128xi32, #tpu.memory_space<hbm>>
      tpu.wait_dma2 semaphore(%arg8 : memref<!tpu.dma_semaphore, #tpu.memory_space<semaphore_mem>>) src(%dma_wait3A_195 : memref<2x128xi32, #tpu.memory_space<hbm>>) dst(%dma_wait3A_193 : memref<2x128xi32, #tpu.memory_space<vmem>>)
    }
    %scan3A_15 = arith.constant 78 : i32
    %convert_element_type3A_16 = arith.extui %lt3A_5 : i1 to i32
    %cond3A_17 = arith.constant 0 : i32
    %cond3A_18 = arith.cmpi ne, %convert_element_type3A_16, %cond3A_17 : i32
    scf.if %cond3A_18 {
      %add3A_178 = arith.constant 78 : i32
      %add3A_179 = arith.addi %add3A_4, %add3A_178 : i32
      %mul3A_180 = arith.constant 128 : i32
      %mul3A_181 = arith.muli %add3A_179, %mul3A_180 : i32
      %dma_wait3A_182 = arith.constant 156 : i32
      %dma_wait3A_183 = arith.constant 0 : i32
      %dma_wait3A_184 = tpu.memref_slice %arg5[%dma_wait3A_182, %dma_wait3A_183] : memref<158x128xi32, #tpu.memory_space<vmem>> -> memref<2x128xi32, #tpu.memory_space<vmem>>
      %dma_wait3A_185 = arith.constant 0 : i32
      %dma_wait3A_186 = tpu.memref_slice %arg3[%dma_wait3A_185, %mul3A_181] : memref<2x320000xi32, #tpu.memory_space<hbm>> -> memref<2x128xi32, #tpu.memory_space<hbm>>
      %dma_wait3A_187 = arith.constant 156 : i32
      %dma_wait3A_188 = arith.constant 0 : i32
      %dma_wait3A_189 = tpu.memref_slice %arg5[%dma_wait3A_187, %dma_wait3A_188] : memref<158x128xi32, #tpu.memory_space<vmem>> -> memref<2x128xi32, #tpu.memory_space<vmem>>
      %dma_wait3A_190 = arith.constant 0 : i32
      %dma_wait3A_191 = tpu.memref_slice %arg3[%dma_wait3A_190, %mul3A_181] : memref<2x320000xi32, #tpu.memory_space<hbm>> -> memref<2x128xi32, #tpu.memory_space<hbm>>
      tpu.wait_dma2 semaphore(%arg8 : memref<!tpu.dma_semaphore, #tpu.memory_space<semaphore_mem>>) src(%dma_wait3A_191 : memref<2x128xi32, #tpu.memory_space<hbm>>) dst(%dma_wait3A_189 : memref<2x128xi32, #tpu.memory_space<vmem>>)
    } else {
    }
    %mul3A_19 = arith.constant 640 : i32
    %mul3A_20 = arith.muli %arg1, %mul3A_19 : i32
    %mul3A_21 = arith.constant 640 : i32
    %mul3A_22 = arith.muli %arg1, %mul3A_21 : i32
    %run_scoped3A = arith.constant 0 : i32
    "tpu.region"() ({
      %run_scoped3A_178 = tpu.sem_alloc : memref<!tpu.dma_semaphore, #tpu.memory_space<semaphore_mem>>
      %dma_start3A_179 = arith.constant 0 : i32
      %dma_start3A_180 = tpu.memref_slice %arg13[%mul3A_22, %dma_start3A_179] : memref<10240x64xf32, #tpu.memory_space<vmem_shared>> -> memref<640x64xf32, #tpu.memory_space<vmem_shared>>
      %dma_start3A_181 = arith.constant 0 : i32
      %dma_start3A_182 = tpu.memref_slice %arg2[%run_scoped3A, %mul3A_20, %dma_start3A_181] : memref<2x10240x64xf32, #tpu.memory_space<hbm>> -> memref<1x640x64xf32, #tpu.memory_space<hbm>>
      %dma_start3A_183 = tpu.memref_squeeze %dma_start3A_182 : memref<1x640x64xf32, #tpu.memory_space<hbm>> -> memref<640x64xf32, #tpu.memory_space<hbm>>
      tpu.enqueue_dma source(%dma_start3A_183 : memref<640x64xf32, #tpu.memory_space<hbm>>) target(%dma_start3A_180 : memref<640x64xf32, #tpu.memory_space<vmem_shared>>) target_semaphore(%run_scoped3A_178 : memref<!tpu.dma_semaphore, #tpu.memory_space<semaphore_mem>>)
      %dma_wait3A_184 = arith.constant 0 : i32
      %dma_wait3A_185 = tpu.memref_slice %arg13[%mul3A_22, %dma_wait3A_184] : memref<10240x64xf32, #tpu.memory_space<vmem_shared>> -> memref<640x64xf32, #tpu.memory_space<vmem_shared>>
      %dma_wait3A_186 = arith.constant 0 : i32
      %dma_wait3A_187 = tpu.memref_slice %arg2[%run_scoped3A, %mul3A_20, %dma_wait3A_186] : memref<2x10240x64xf32, #tpu.memory_space<hbm>> -> memref<1x640x64xf32, #tpu.memory_space<hbm>>
      %dma_wait3A_188 = tpu.memref_squeeze %dma_wait3A_187 : memref<1x640x64xf32, #tpu.memory_space<hbm>> -> memref<640x64xf32, #tpu.memory_space<hbm>>
      tpu.wait_dma2 semaphore(%run_scoped3A_178 : memref<!tpu.dma_semaphore, #tpu.memory_space<semaphore_mem>>) src(%dma_wait3A_188 : memref<640x64xf32, #tpu.memory_space<hbm>>) dst(%dma_wait3A_185 : memref<640x64xf32, #tpu.memory_space<vmem_shared>>)
      tpu.yield
    }) : () -> ()
    %mul3A_23 = arith.constant 640 : i32
    %mul3A_24 = arith.muli %arg1, %mul3A_23 : i32
    %mul3A_25 = arith.constant 640 : i32
    %mul3A_26 = arith.muli %arg1, %mul3A_25 : i32
    %run_scoped3A_27 = arith.constant 0 : i32
    "tpu.region"() ({
      %run_scoped3A_178 = tpu.sem_alloc : memref<!tpu.dma_semaphore, #tpu.memory_space<semaphore_mem>>
      %dma_start3A_179 = arith.constant 0 : i32
      %dma_start3A_180 = tpu.memref_slice %arg14[%mul3A_26, %dma_start3A_179] : memref<10240x64xf32, #tpu.memory_space<vmem_shared>> -> memref<640x64xf32, #tpu.memory_space<vmem_shared>>
      %dma_start3A_181 = arith.constant 0 : i32
      %dma_start3A_182 = tpu.memref_slice %arg2[%run_scoped3A_27, %mul3A_24, %dma_start3A_181] : memref<2x10240x64xf32, #tpu.memory_space<hbm>> -> memref<1x640x64xf32, #tpu.memory_space<hbm>>
      %dma_start3A_183 = tpu.memref_squeeze %dma_start3A_182 : memref<1x640x64xf32, #tpu.memory_space<hbm>> -> memref<640x64xf32, #tpu.memory_space<hbm>>
      tpu.enqueue_dma source(%dma_start3A_183 : memref<640x64xf32, #tpu.memory_space<hbm>>) target(%dma_start3A_180 : memref<640x64xf32, #tpu.memory_space<vmem_shared>>) target_semaphore(%run_scoped3A_178 : memref<!tpu.dma_semaphore, #tpu.memory_space<semaphore_mem>>)
      %dma_wait3A_184 = arith.constant 0 : i32
      %dma_wait3A_185 = tpu.memref_slice %arg14[%mul3A_26, %dma_wait3A_184] : memref<10240x64xf32, #tpu.memory_space<vmem_shared>> -> memref<640x64xf32, #tpu.memory_space<vmem_shared>>
      %dma_wait3A_186 = arith.constant 0 : i32
      %dma_wait3A_187 = tpu.memref_slice %arg2[%run_scoped3A_27, %mul3A_24, %dma_wait3A_186] : memref<2x10240x64xf32, #tpu.memory_space<hbm>> -> memref<1x640x64xf32, #tpu.memory_space<hbm>>
      %dma_wait3A_188 = tpu.memref_squeeze %dma_wait3A_187 : memref<1x640x64xf32, #tpu.memory_space<hbm>> -> memref<640x64xf32, #tpu.memory_space<hbm>>
      tpu.wait_dma2 semaphore(%run_scoped3A_178 : memref<!tpu.dma_semaphore, #tpu.memory_space<semaphore_mem>>) src(%dma_wait3A_188 : memref<640x64xf32, #tpu.memory_space<hbm>>) dst(%dma_wait3A_185 : memref<640x64xf32, #tpu.memory_space<vmem_shared>>)
      tpu.yield
    }) : () -> ()
    %barrier3A = arith.constant 0 : index
    tpu.barrier barrier_id(%barrier3A)
    %dma_start3A = arith.constant 0 : i32
    %dma_start3A_28 = arith.constant 0 : i32
    %dma_start3A_29 = tpu.memref_slice %arg5[%dma_start3A, %dma_start3A_28] : memref<158x128xi32, #tpu.memory_space<vmem>> -> memref<1x128xi32, #tpu.memory_space<vmem>>
    %dma_start3A_30 = tpu.memref_squeeze %dma_start3A_29 : memref<1x128xi32, #tpu.memory_space<vmem>> -> memref<128xi32, #tpu.memory_space<vmem>>
    %dma_start3A_31 = arith.constant 0 : i32
    %dma_start3A_32 = arith.constant 0 : i32
    %dma_start3A_33 = tpu.memref_slice %arg13[%dma_start3A_31, %dma_start3A_32] : memref<10240x64xf32, #tpu.memory_space<vmem_shared>> -> memref<10240x64xf32, #tpu.memory_space<vmem_shared>>
    tpu.enqueue_indirect_dma source(%dma_start3A_33 : memref<10240x64xf32, #tpu.memory_space<vmem_shared>>) target(%arg6 : memref<128x64xf32, #tpu.memory_space<vmem>>) offsets(%dma_start3A_30 : memref<128xi32, #tpu.memory_space<vmem>>) semaphore(%arg9 : memref<!tpu.dma_semaphore, #tpu.memory_space<semaphore_mem>>)
    %dma_wait3A = arith.constant 0 : i32
    %dma_wait3A_34 = arith.constant 0 : i32
    %dma_wait3A_35 = tpu.memref_slice %arg5[%dma_wait3A, %dma_wait3A_34] : memref<158x128xi32, #tpu.memory_space<vmem>> -> memref<1x128xi32, #tpu.memory_space<vmem>>
    %dma_wait3A_36 = tpu.memref_squeeze %dma_wait3A_35 : memref<1x128xi32, #tpu.memory_space<vmem>> -> memref<128xi32, #tpu.memory_space<vmem>>
    %dma_wait3A_37 = arith.constant 0 : i32
    %dma_wait3A_38 = arith.constant 0 : i32
    %dma_wait3A_39 = tpu.memref_slice %arg13[%dma_wait3A_37, %dma_wait3A_38] : memref<10240x64xf32, #tpu.memory_space<vmem_shared>> -> memref<10240x64xf32, #tpu.memory_space<vmem_shared>>
    tpu.wait_indirect_dma semaphore(%arg9 : memref<!tpu.dma_semaphore, #tpu.memory_space<semaphore_mem>>) src(%dma_wait3A_39 : memref<10240x64xf32, #tpu.memory_space<vmem_shared>>) dst(%arg6 : memref<128x64xf32, #tpu.memory_space<vmem>>)
    %dma_start3A_40 = arith.constant 1 : i32
    %dma_start3A_41 = arith.constant 0 : i32
    %dma_start3A_42 = tpu.memref_slice %arg5[%dma_start3A_40, %dma_start3A_41] : memref<158x128xi32, #tpu.memory_space<vmem>> -> memref<1x128xi32, #tpu.memory_space<vmem>>
    %dma_start3A_43 = tpu.memref_squeeze %dma_start3A_42 : memref<1x128xi32, #tpu.memory_space<vmem>> -> memref<128xi32, #tpu.memory_space<vmem>>
    %dma_start3A_44 = arith.constant 0 : i32
    %dma_start3A_45 = arith.constant 0 : i32
    %dma_start3A_46 = tpu.memref_slice %arg14[%dma_start3A_44, %dma_start3A_45] : memref<10240x64xf32, #tpu.memory_space<vmem_shared>> -> memref<10240x64xf32, #tpu.memory_space<vmem_shared>>
    tpu.enqueue_indirect_dma source(%arg6 : memref<128x64xf32, #tpu.memory_space<vmem>>) target(%dma_start3A_46 : memref<10240x64xf32, #tpu.memory_space<vmem_shared>>) offsets(%dma_start3A_43 : memref<128xi32, #tpu.memory_space<vmem>>) semaphore(%arg11 : memref<!tpu.dma_semaphore, #tpu.memory_space<semaphore_mem>>) {add = true}
    %dma_start3A_47 = arith.constant 2 : i32
    %dma_start3A_48 = arith.constant 0 : i32
    %dma_start3A_49 = tpu.memref_slice %arg5[%dma_start3A_47, %dma_start3A_48] : memref<158x128xi32, #tpu.memory_space<vmem>> -> memref<1x128xi32, #tpu.memory_space<vmem>>
    %dma_start3A_50 = tpu.memref_squeeze %dma_start3A_49 : memref<1x128xi32, #tpu.memory_space<vmem>> -> memref<128xi32, #tpu.memory_space<vmem>>
    %dma_start3A_51 = arith.constant 0 : i32
    %dma_start3A_52 = arith.constant 0 : i32
    %dma_start3A_53 = tpu.memref_slice %arg13[%dma_start3A_51, %dma_start3A_52] : memref<10240x64xf32, #tpu.memory_space<vmem_shared>> -> memref<10240x64xf32, #tpu.memory_space<vmem_shared>>
    tpu.enqueue_indirect_dma source(%dma_start3A_53 : memref<10240x64xf32, #tpu.memory_space<vmem_shared>>) target(%arg7 : memref<128x64xf32, #tpu.memory_space<vmem>>) offsets(%dma_start3A_50 : memref<128xi32, #tpu.memory_space<vmem>>) semaphore(%arg10 : memref<!tpu.dma_semaphore, #tpu.memory_space<semaphore_mem>>)
    %scan3A_54 = arith.constant 0 : i32
    %scan3A_55 = arith.constant 38 : i32
    %scan3A_56 = arith.addi %scan3A_54, %scan3A_55 : i32
    %scan3A_57 = arith.constant 1 : i32
    scf.for %scan3A_178 = %scan3A_54 to %scan3A_56 step %scan3A_57  : i32 {
      %mul3A_179 = arith.constant 2 : i32
      %mul3A_180 = arith.muli %scan3A_178, %mul3A_179 : i32
      %add3A_181 = arith.constant 1 : i32
      %add3A_182 = arith.addi %add3A_181, %mul3A_180 : i32
      %mul3A_183 = arith.constant 2 : i32
      %mul3A_184 = arith.muli %mul3A_183, %add3A_182 : i32
      %dma_wait3A_185 = arith.constant 0 : i32
      %dma_wait3A_186 = tpu.memref_slice %arg5[%mul3A_184, %dma_wait3A_185] : memref<158x128xi32, #tpu.memory_space<vmem>> -> memref<1x128xi32, #tpu.memory_space<vmem>>
      %dma_wait3A_187 = tpu.memref_squeeze %dma_wait3A_186 : memref<1x128xi32, #tpu.memory_space<vmem>> -> memref<128xi32, #tpu.memory_space<vmem>>
      %dma_wait3A_188 = arith.constant 0 : i32
      %dma_wait3A_189 = arith.constant 0 : i32
      %dma_wait3A_190 = tpu.memref_slice %arg13[%dma_wait3A_188, %dma_wait3A_189] : memref<10240x64xf32, #tpu.memory_space<vmem_shared>> -> memref<10240x64xf32, #tpu.memory_space<vmem_shared>>
      tpu.wait_indirect_dma semaphore(%arg10 : memref<!tpu.dma_semaphore, #tpu.memory_space<semaphore_mem>>) src(%dma_wait3A_190 : memref<10240x64xf32, #tpu.memory_space<vmem_shared>>) dst(%arg7 : memref<128x64xf32, #tpu.memory_space<vmem>>)
      %mul3A_191 = arith.constant 2 : i32
      %mul3A_192 = arith.muli %mul3A_191, %add3A_182 : i32
      %add3A_193 = arith.constant 1 : i32
      %add3A_194 = arith.addi %mul3A_192, %add3A_193 : i32
      %dma_start3A_195 = arith.constant 0 : i32
      %dma_start3A_196 = tpu.memref_slice %arg5[%add3A_194, %dma_start3A_195] : memref<158x128xi32, #tpu.memory_space<vmem>> -> memref<1x128xi32, #tpu.memory_space<vmem>>
      %dma_start3A_197 = tpu.memref_squeeze %dma_start3A_196 : memref<1x128xi32, #tpu.memory_space<vmem>> -> memref<128xi32, #tpu.memory_space<vmem>>
      %dma_start3A_198 = arith.constant 0 : i32
      %dma_start3A_199 = arith.constant 0 : i32
      %dma_start3A_200 = tpu.memref_slice %arg14[%dma_start3A_198, %dma_start3A_199] : memref<10240x64xf32, #tpu.memory_space<vmem_shared>> -> memref<10240x64xf32, #tpu.memory_space<vmem_shared>>
      tpu.enqueue_indirect_dma source(%arg7 : memref<128x64xf32, #tpu.memory_space<vmem>>) target(%dma_start3A_200 : memref<10240x64xf32, #tpu.memory_space<vmem_shared>>) offsets(%dma_start3A_197 : memref<128xi32, #tpu.memory_space<vmem>>) semaphore(%arg12 : memref<!tpu.dma_semaphore, #tpu.memory_space<semaphore_mem>>) {add = true}
      %mul3A_201 = arith.constant 2 : i32
      %mul3A_202 = arith.muli %mul3A_201, %add3A_182 : i32
      %sub3A = arith.constant 1 : i32
      %sub3A_203 = arith.subi %mul3A_202, %sub3A : i32
      %dma_wait3A_204 = arith.constant 0 : i32
      %dma_wait3A_205 = tpu.memref_slice %arg5[%sub3A_203, %dma_wait3A_204] : memref<158x128xi32, #tpu.memory_space<vmem>> -> memref<1x128xi32, #tpu.memory_space<vmem>>
      %dma_wait3A_206 = tpu.memref_squeeze %dma_wait3A_205 : memref<1x128xi32, #tpu.memory_space<vmem>> -> memref<128xi32, #tpu.memory_space<vmem>>
      %dma_wait3A_207 = arith.constant 0 : i32
      %dma_wait3A_208 = arith.constant 0 : i32
      %dma_wait3A_209 = tpu.memref_slice %arg14[%dma_wait3A_207, %dma_wait3A_208] : memref<10240x64xf32, #tpu.memory_space<vmem_shared>> -> memref<10240x64xf32, #tpu.memory_space<vmem_shared>>
      tpu.wait_indirect_dma semaphore(%arg11 : memref<!tpu.dma_semaphore, #tpu.memory_space<semaphore_mem>>) src(%arg6 : memref<128x64xf32, #tpu.memory_space<vmem>>) dst(%dma_wait3A_209 : memref<10240x64xf32, #tpu.memory_space<vmem_shared>>)
      %mul3A_210 = arith.constant 2 : i32
      %mul3A_211 = arith.muli %mul3A_210, %add3A_182 : i32
      %add3A_212 = arith.constant 2 : i32
      %add3A_213 = arith.addi %mul3A_211, %add3A_212 : i32
      %dma_start3A_214 = arith.constant 0 : i32
      %dma_start3A_215 = tpu.memref_slice %arg5[%add3A_213, %dma_start3A_214] : memref<158x128xi32, #tpu.memory_space<vmem>> -> memref<1x128xi32, #tpu.memory_space<vmem>>
      %dma_start3A_216 = tpu.memref_squeeze %dma_start3A_215 : memref<1x128xi32, #tpu.memory_space<vmem>> -> memref<128xi32, #tpu.memory_space<vmem>>
      %dma_start3A_217 = arith.constant 0 : i32
      %dma_start3A_218 = arith.constant 0 : i32
      %dma_start3A_219 = tpu.memref_slice %arg13[%dma_start3A_217, %dma_start3A_218] : memref<10240x64xf32, #tpu.memory_space<vmem_shared>> -> memref<10240x64xf32, #tpu.memory_space<vmem_shared>>
      tpu.enqueue_indirect_dma source(%dma_start3A_219 : memref<10240x64xf32, #tpu.memory_space<vmem_shared>>) target(%arg6 : memref<128x64xf32, #tpu.memory_space<vmem>>) offsets(%dma_start3A_216 : memref<128xi32, #tpu.memory_space<vmem>>) semaphore(%arg9 : memref<!tpu.dma_semaphore, #tpu.memory_space<semaphore_mem>>)
      %mul3A_220 = arith.constant 2 : i32
      %mul3A_221 = arith.muli %mul3A_220, %add3A_182 : i32
      %add3A_222 = arith.constant 2 : i32
      %add3A_223 = arith.addi %mul3A_221, %add3A_222 : i32
      %dma_wait3A_224 = arith.constant 0 : i32
      %dma_wait3A_225 = tpu.memref_slice %arg5[%add3A_223, %dma_wait3A_224] : memref<158x128xi32, #tpu.memory_space<vmem>> -> memref<1x128xi32, #tpu.memory_space<vmem>>
      %dma_wait3A_226 = tpu.memref_squeeze %dma_wait3A_225 : memref<1x128xi32, #tpu.memory_space<vmem>> -> memref<128xi32, #tpu.memory_space<vmem>>
      %dma_wait3A_227 = arith.constant 0 : i32
      %dma_wait3A_228 = arith.constant 0 : i32
      %dma_wait3A_229 = tpu.memref_slice %arg13[%dma_wait3A_227, %dma_wait3A_228] : memref<10240x64xf32, #tpu.memory_space<vmem_shared>> -> memref<10240x64xf32, #tpu.memory_space<vmem_shared>>
      tpu.wait_indirect_dma semaphore(%arg9 : memref<!tpu.dma_semaphore, #tpu.memory_space<semaphore_mem>>) src(%dma_wait3A_229 : memref<10240x64xf32, #tpu.memory_space<vmem_shared>>) dst(%arg6 : memref<128x64xf32, #tpu.memory_space<vmem>>)
      %mul3A_230 = arith.constant 2 : i32
      %mul3A_231 = arith.muli %mul3A_230, %add3A_182 : i32
      %add3A_232 = arith.constant 3 : i32
      %add3A_233 = arith.addi %mul3A_231, %add3A_232 : i32
      %dma_start3A_234 = arith.constant 0 : i32
      %dma_start3A_235 = tpu.memref_slice %arg5[%add3A_233, %dma_start3A_234] : memref<158x128xi32, #tpu.memory_space<vmem>> -> memref<1x128xi32, #tpu.memory_space<vmem>>
      %dma_start3A_236 = tpu.memref_squeeze %dma_start3A_235 : memref<1x128xi32, #tpu.memory_space<vmem>> -> memref<128xi32, #tpu.memory_space<vmem>>
      %dma_start3A_237 = arith.constant 0 : i32
      %dma_start3A_238 = arith.constant 0 : i32
      %dma_start3A_239 = tpu.memref_slice %arg14[%dma_start3A_237, %dma_start3A_238] : memref<10240x64xf32, #tpu.memory_space<vmem_shared>> -> memref<10240x64xf32, #tpu.memory_space<vmem_shared>>
      tpu.enqueue_indirect_dma source(%arg6 : memref<128x64xf32, #tpu.memory_space<vmem>>) target(%dma_start3A_239 : memref<10240x64xf32, #tpu.memory_space<vmem_shared>>) offsets(%dma_start3A_236 : memref<128xi32, #tpu.memory_space<vmem>>) semaphore(%arg11 : memref<!tpu.dma_semaphore, #tpu.memory_space<semaphore_mem>>) {add = true}
      %mul3A_240 = arith.constant 2 : i32
      %mul3A_241 = arith.muli %mul3A_240, %add3A_182 : i32
      %add3A_242 = arith.constant 1 : i32
      %add3A_243 = arith.addi %mul3A_241, %add3A_242 : i32
      %dma_wait3A_244 = arith.constant 0 : i32
      %dma_wait3A_245 = tpu.memref_slice %arg5[%add3A_243, %dma_wait3A_244] : memref<158x128xi32, #tpu.memory_space<vmem>> -> memref<1x128xi32, #tpu.memory_space<vmem>>
      %dma_wait3A_246 = tpu.memref_squeeze %dma_wait3A_245 : memref<1x128xi32, #tpu.memory_space<vmem>> -> memref<128xi32, #tpu.memory_space<vmem>>
      %dma_wait3A_247 = arith.constant 0 : i32
      %dma_wait3A_248 = arith.constant 0 : i32
      %dma_wait3A_249 = tpu.memref_slice %arg14[%dma_wait3A_247, %dma_wait3A_248] : memref<10240x64xf32, #tpu.memory_space<vmem_shared>> -> memref<10240x64xf32, #tpu.memory_space<vmem_shared>>
      tpu.wait_indirect_dma semaphore(%arg12 : memref<!tpu.dma_semaphore, #tpu.memory_space<semaphore_mem>>) src(%arg7 : memref<128x64xf32, #tpu.memory_space<vmem>>) dst(%dma_wait3A_249 : memref<10240x64xf32, #tpu.memory_space<vmem_shared>>)
      %mul3A_250 = arith.constant 2 : i32
      %mul3A_251 = arith.muli %mul3A_250, %add3A_182 : i32
      %add3A_252 = arith.constant 4 : i32
      %add3A_253 = arith.addi %mul3A_251, %add3A_252 : i32
      %dma_start3A_254 = arith.constant 0 : i32
      %dma_start3A_255 = tpu.memref_slice %arg5[%add3A_253, %dma_start3A_254] : memref<158x128xi32, #tpu.memory_space<vmem>> -> memref<1x128xi32, #tpu.memory_space<vmem>>
      %dma_start3A_256 = tpu.memref_squeeze %dma_start3A_255 : memref<1x128xi32, #tpu.memory_space<vmem>> -> memref<128xi32, #tpu.memory_space<vmem>>
      %dma_start3A_257 = arith.constant 0 : i32
      %dma_start3A_258 = arith.constant 0 : i32
      %dma_start3A_259 = tpu.memref_slice %arg13[%dma_start3A_257, %dma_start3A_258] : memref<10240x64xf32, #tpu.memory_space<vmem_shared>> -> memref<10240x64xf32, #tpu.memory_space<vmem_shared>>
      tpu.enqueue_indirect_dma source(%dma_start3A_259 : memref<10240x64xf32, #tpu.memory_space<vmem_shared>>) target(%arg7 : memref<128x64xf32, #tpu.memory_space<vmem>>) offsets(%dma_start3A_256 : memref<128xi32, #tpu.memory_space<vmem>>) semaphore(%arg10 : memref<!tpu.dma_semaphore, #tpu.memory_space<semaphore_mem>>)
    }
    %scan3A_58 = arith.constant 38 : i32
    %dma_wait3A_59 = arith.constant 154 : i32
    %dma_wait3A_60 = arith.constant 0 : i32
    %dma_wait3A_61 = tpu.memref_slice %arg5[%dma_wait3A_59, %dma_wait3A_60] : memref<158x128xi32, #tpu.memory_space<vmem>> -> memref<1x128xi32, #tpu.memory_space<vmem>>
    %dma_wait3A_62 = tpu.memref_squeeze %dma_wait3A_61 : memref<1x128xi32, #tpu.memory_space<vmem>> -> memref<128xi32, #tpu.memory_space<vmem>>
    %dma_wait3A_63 = arith.constant 0 : i32
    %dma_wait3A_64 = arith.constant 0 : i32
    %dma_wait3A_65 = tpu.memref_slice %arg13[%dma_wait3A_63, %dma_wait3A_64] : memref<10240x64xf32, #tpu.memory_space<vmem_shared>> -> memref<10240x64xf32, #tpu.memory_space<vmem_shared>>
    tpu.wait_indirect_dma semaphore(%arg10 : memref<!tpu.dma_semaphore, #tpu.memory_space<semaphore_mem>>) src(%dma_wait3A_65 : memref<10240x64xf32, #tpu.memory_space<vmem_shared>>) dst(%arg7 : memref<128x64xf32, #tpu.memory_space<vmem>>)
    %dma_start3A_66 = arith.constant 155 : i32
    %dma_start3A_67 = arith.constant 0 : i32
    %dma_start3A_68 = tpu.memref_slice %arg5[%dma_start3A_66, %dma_start3A_67] : memref<158x128xi32, #tpu.memory_space<vmem>> -> memref<1x128xi32, #tpu.memory_space<vmem>>
    %dma_start3A_69 = tpu.memref_squeeze %dma_start3A_68 : memref<1x128xi32, #tpu.memory_space<vmem>> -> memref<128xi32, #tpu.memory_space<vmem>>
    %dma_start3A_70 = arith.constant 0 : i32
    %dma_start3A_71 = arith.constant 0 : i32
    %dma_start3A_72 = tpu.memref_slice %arg14[%dma_start3A_70, %dma_start3A_71] : memref<10240x64xf32, #tpu.memory_space<vmem_shared>> -> memref<10240x64xf32, #tpu.memory_space<vmem_shared>>
    tpu.enqueue_indirect_dma source(%arg7 : memref<128x64xf32, #tpu.memory_space<vmem>>) target(%dma_start3A_72 : memref<10240x64xf32, #tpu.memory_space<vmem_shared>>) offsets(%dma_start3A_69 : memref<128xi32, #tpu.memory_space<vmem>>) semaphore(%arg12 : memref<!tpu.dma_semaphore, #tpu.memory_space<semaphore_mem>>) {add = true}
    %dma_wait3A_73 = arith.constant 153 : i32
    %dma_wait3A_74 = arith.constant 0 : i32
    %dma_wait3A_75 = tpu.memref_slice %arg5[%dma_wait3A_73, %dma_wait3A_74] : memref<158x128xi32, #tpu.memory_space<vmem>> -> memref<1x128xi32, #tpu.memory_space<vmem>>
    %dma_wait3A_76 = tpu.memref_squeeze %dma_wait3A_75 : memref<1x128xi32, #tpu.memory_space<vmem>> -> memref<128xi32, #tpu.memory_space<vmem>>
    %dma_wait3A_77 = arith.constant 0 : i32
    %dma_wait3A_78 = arith.constant 0 : i32
    %dma_wait3A_79 = tpu.memref_slice %arg14[%dma_wait3A_77, %dma_wait3A_78] : memref<10240x64xf32, #tpu.memory_space<vmem_shared>> -> memref<10240x64xf32, #tpu.memory_space<vmem_shared>>
    tpu.wait_indirect_dma semaphore(%arg11 : memref<!tpu.dma_semaphore, #tpu.memory_space<semaphore_mem>>) src(%arg6 : memref<128x64xf32, #tpu.memory_space<vmem>>) dst(%dma_wait3A_79 : memref<10240x64xf32, #tpu.memory_space<vmem_shared>>)
    %dma_wait3A_80 = arith.constant 155 : i32
    %dma_wait3A_81 = arith.constant 0 : i32
    %dma_wait3A_82 = tpu.memref_slice %arg5[%dma_wait3A_80, %dma_wait3A_81] : memref<158x128xi32, #tpu.memory_space<vmem>> -> memref<1x128xi32, #tpu.memory_space<vmem>>
    %dma_wait3A_83 = tpu.memref_squeeze %dma_wait3A_82 : memref<1x128xi32, #tpu.memory_space<vmem>> -> memref<128xi32, #tpu.memory_space<vmem>>
    %dma_wait3A_84 = arith.constant 0 : i32
    %dma_wait3A_85 = arith.constant 0 : i32
    %dma_wait3A_86 = tpu.memref_slice %arg14[%dma_wait3A_84, %dma_wait3A_85] : memref<10240x64xf32, #tpu.memory_space<vmem_shared>> -> memref<10240x64xf32, #tpu.memory_space<vmem_shared>>
    tpu.wait_indirect_dma semaphore(%arg12 : memref<!tpu.dma_semaphore, #tpu.memory_space<semaphore_mem>>) src(%arg7 : memref<128x64xf32, #tpu.memory_space<vmem>>) dst(%dma_wait3A_86 : memref<10240x64xf32, #tpu.memory_space<vmem_shared>>)
    %convert_element_type3A_87 = arith.extui %lt3A_5 : i1 to i32
    %cond3A_88 = arith.constant 0 : i32
    %cond3A_89 = arith.cmpi ne, %convert_element_type3A_87, %cond3A_88 : i32
    scf.if %cond3A_89 {
      %dma_start3A_178 = arith.constant 156 : i32
      %dma_start3A_179 = arith.constant 0 : i32
      %dma_start3A_180 = tpu.memref_slice %arg5[%dma_start3A_178, %dma_start3A_179] : memref<158x128xi32, #tpu.memory_space<vmem>> -> memref<1x128xi32, #tpu.memory_space<vmem>>
      %dma_start3A_181 = tpu.memref_squeeze %dma_start3A_180 : memref<1x128xi32, #tpu.memory_space<vmem>> -> memref<128xi32, #tpu.memory_space<vmem>>
      %dma_start3A_182 = arith.constant 0 : i32
      %dma_start3A_183 = arith.constant 0 : i32
      %dma_start3A_184 = tpu.memref_slice %arg13[%dma_start3A_182, %dma_start3A_183] : memref<10240x64xf32, #tpu.memory_space<vmem_shared>> -> memref<10240x64xf32, #tpu.memory_space<vmem_shared>>
      tpu.enqueue_indirect_dma source(%dma_start3A_184 : memref<10240x64xf32, #tpu.memory_space<vmem_shared>>) target(%arg6 : memref<128x64xf32, #tpu.memory_space<vmem>>) offsets(%dma_start3A_181 : memref<128xi32, #tpu.memory_space<vmem>>) semaphore(%arg9 : memref<!tpu.dma_semaphore, #tpu.memory_space<semaphore_mem>>)
      %dma_wait3A_185 = arith.constant 156 : i32
      %dma_wait3A_186 = arith.constant 0 : i32
      %dma_wait3A_187 = tpu.memref_slice %arg5[%dma_wait3A_185, %dma_wait3A_186] : memref<158x128xi32, #tpu.memory_space<vmem>> -> memref<1x128xi32, #tpu.memory_space<vmem>>
      %dma_wait3A_188 = tpu.memref_squeeze %dma_wait3A_187 : memref<1x128xi32, #tpu.memory_space<vmem>> -> memref<128xi32, #tpu.memory_space<vmem>>
      %dma_wait3A_189 = arith.constant 0 : i32
      %dma_wait3A_190 = arith.constant 0 : i32
      %dma_wait3A_191 = tpu.memref_slice %arg13[%dma_wait3A_189, %dma_wait3A_190] : memref<10240x64xf32, #tpu.memory_space<vmem_shared>> -> memref<10240x64xf32, #tpu.memory_space<vmem_shared>>
      tpu.wait_indirect_dma semaphore(%arg9 : memref<!tpu.dma_semaphore, #tpu.memory_space<semaphore_mem>>) src(%dma_wait3A_191 : memref<10240x64xf32, #tpu.memory_space<vmem_shared>>) dst(%arg6 : memref<128x64xf32, #tpu.memory_space<vmem>>)
      %run_scoped3A_192 = arith.constant 157 : i32
      "tpu.region"() ({
        %run_scoped3A_193 = tpu.sem_alloc : memref<!tpu.dma_semaphore, #tpu.memory_space<semaphore_mem>>
        %dma_start3A_194 = arith.constant 0 : i32
        %dma_start3A_195 = tpu.memref_slice %arg5[%run_scoped3A_192, %dma_start3A_194] : memref<158x128xi32, #tpu.memory_space<vmem>> -> memref<1x128xi32, #tpu.memory_space<vmem>>
        %dma_start3A_196 = tpu.memref_squeeze %dma_start3A_195 : memref<1x128xi32, #tpu.memory_space<vmem>> -> memref<128xi32, #tpu.memory_space<vmem>>
        %dma_start3A_197 = arith.constant 0 : i32
        %dma_start3A_198 = arith.constant 0 : i32
        %dma_start3A_199 = tpu.memref_slice %arg14[%dma_start3A_197, %dma_start3A_198] : memref<10240x64xf32, #tpu.memory_space<vmem_shared>> -> memref<10240x64xf32, #tpu.memory_space<vmem_shared>>
        tpu.enqueue_indirect_dma source(%arg6 : memref<128x64xf32, #tpu.memory_space<vmem>>) target(%dma_start3A_199 : memref<10240x64xf32, #tpu.memory_space<vmem_shared>>) offsets(%dma_start3A_196 : memref<128xi32, #tpu.memory_space<vmem>>) semaphore(%run_scoped3A_193 : memref<!tpu.dma_semaphore, #tpu.memory_space<semaphore_mem>>) {add = true}
        %dma_wait3A_200 = arith.constant 0 : i32
        %dma_wait3A_201 = tpu.memref_slice %arg5[%run_scoped3A_192, %dma_wait3A_200] : memref<158x128xi32, #tpu.memory_space<vmem>> -> memref<1x128xi32, #tpu.memory_space<vmem>>
        %dma_wait3A_202 = tpu.memref_squeeze %dma_wait3A_201 : memref<1x128xi32, #tpu.memory_space<vmem>> -> memref<128xi32, #tpu.memory_space<vmem>>
        %dma_wait3A_203 = arith.constant 0 : i32
        %dma_wait3A_204 = arith.constant 0 : i32
        %dma_wait3A_205 = tpu.memref_slice %arg14[%dma_wait3A_203, %dma_wait3A_204] : memref<10240x64xf32, #tpu.memory_space<vmem_shared>> -> memref<10240x64xf32, #tpu.memory_space<vmem_shared>>
        tpu.wait_indirect_dma semaphore(%run_scoped3A_193 : memref<!tpu.dma_semaphore, #tpu.memory_space<semaphore_mem>>) src(%arg6 : memref<128x64xf32, #tpu.memory_space<vmem>>) dst(%dma_wait3A_205 : memref<10240x64xf32, #tpu.memory_space<vmem_shared>>)
        tpu.yield
      }) : () -> ()
    } else {
    }
    %barrier3A_90 = arith.constant 0 : index
    tpu.barrier barrier_id(%barrier3A_90)
    %mul3A_91 = arith.constant 640 : i32
    %mul3A_92 = arith.muli %arg1, %mul3A_91 : i32
    %mul3A_93 = arith.constant 640 : i32
    %mul3A_94 = arith.muli %arg1, %mul3A_93 : i32
    %run_scoped3A_95 = arith.constant 0 : i32
    "tpu.region"() ({
      %run_scoped3A_178 = tpu.sem_alloc : memref<!tpu.dma_semaphore, #tpu.memory_space<semaphore_mem>>
      %dma_start3A_179 = arith.constant 0 : i32
      %dma_start3A_180 = tpu.memref_slice %arg4[%arg0, %run_scoped3A_95, %mul3A_94, %dma_start3A_179] : memref<2x2x10240x64xf32, #tpu.memory_space<hbm>> -> memref<1x1x640x64xf32, #tpu.memory_space<hbm>>
      %dma_start3A_181 = tpu.memref_squeeze %dma_start3A_180 : memref<1x1x640x64xf32, #tpu.memory_space<hbm>> -> memref<640x64xf32, #tpu.memory_space<hbm>>
      %dma_start3A_182 = arith.constant 0 : i32
      %dma_start3A_183 = tpu.memref_slice %arg14[%mul3A_92, %dma_start3A_182] : memref<10240x64xf32, #tpu.memory_space<vmem_shared>> -> memref<640x64xf32, #tpu.memory_space<vmem_shared>>
      tpu.enqueue_dma source(%dma_start3A_183 : memref<640x64xf32, #tpu.memory_space<vmem_shared>>) target(%dma_start3A_181 : memref<640x64xf32, #tpu.memory_space<hbm>>) target_semaphore(%run_scoped3A_178 : memref<!tpu.dma_semaphore, #tpu.memory_space<semaphore_mem>>)
      %dma_wait3A_184 = arith.constant 0 : i32
      %dma_wait3A_185 = tpu.memref_slice %arg4[%arg0, %run_scoped3A_95, %mul3A_94, %dma_wait3A_184] : memref<2x2x10240x64xf32, #tpu.memory_space<hbm>> -> memref<1x1x640x64xf32, #tpu.memory_space<hbm>>
      %dma_wait3A_186 = tpu.memref_squeeze %dma_wait3A_185 : memref<1x1x640x64xf32, #tpu.memory_space<hbm>> -> memref<640x64xf32, #tpu.memory_space<hbm>>
      %dma_wait3A_187 = arith.constant 0 : i32
      %dma_wait3A_188 = tpu.memref_slice %arg14[%mul3A_92, %dma_wait3A_187] : memref<10240x64xf32, #tpu.memory_space<vmem_shared>> -> memref<640x64xf32, #tpu.memory_space<vmem_shared>>
      tpu.wait_dma2 semaphore(%run_scoped3A_178 : memref<!tpu.dma_semaphore, #tpu.memory_space<semaphore_mem>>) src(%dma_wait3A_188 : memref<640x64xf32, #tpu.memory_space<vmem_shared>>) dst(%dma_wait3A_186 : memref<640x64xf32, #tpu.memory_space<hbm>>)
      tpu.yield
    }) : () -> ()
    %barrier3A_96 = arith.constant 0 : index
    tpu.barrier barrier_id(%barrier3A_96)
    %mul3A_97 = arith.constant 640 : i32
    %mul3A_98 = arith.muli %arg1, %mul3A_97 : i32
    %mul3A_99 = arith.constant 640 : i32
    %mul3A_100 = arith.muli %arg1, %mul3A_99 : i32
    %run_scoped3A_101 = arith.constant 1 : i32
    "tpu.region"() ({
      %run_scoped3A_178 = tpu.sem_alloc : memref<!tpu.dma_semaphore, #tpu.memory_space<semaphore_mem>>
      %dma_start3A_179 = arith.constant 0 : i32
      %dma_start3A_180 = tpu.memref_slice %arg13[%mul3A_100, %dma_start3A_179] : memref<10240x64xf32, #tpu.memory_space<vmem_shared>> -> memref<640x64xf32, #tpu.memory_space<vmem_shared>>
      %dma_start3A_181 = arith.constant 0 : i32
      %dma_start3A_182 = tpu.memref_slice %arg2[%run_scoped3A_101, %mul3A_98, %dma_start3A_181] : memref<2x10240x64xf32, #tpu.memory_space<hbm>> -> memref<1x640x64xf32, #tpu.memory_space<hbm>>
      %dma_start3A_183 = tpu.memref_squeeze %dma_start3A_182 : memref<1x640x64xf32, #tpu.memory_space<hbm>> -> memref<640x64xf32, #tpu.memory_space<hbm>>
      tpu.enqueue_dma source(%dma_start3A_183 : memref<640x64xf32, #tpu.memory_space<hbm>>) target(%dma_start3A_180 : memref<640x64xf32, #tpu.memory_space<vmem_shared>>) target_semaphore(%run_scoped3A_178 : memref<!tpu.dma_semaphore, #tpu.memory_space<semaphore_mem>>)
      %dma_wait3A_184 = arith.constant 0 : i32
      %dma_wait3A_185 = tpu.memref_slice %arg13[%mul3A_100, %dma_wait3A_184] : memref<10240x64xf32, #tpu.memory_space<vmem_shared>> -> memref<640x64xf32, #tpu.memory_space<vmem_shared>>
      %dma_wait3A_186 = arith.constant 0 : i32
      %dma_wait3A_187 = tpu.memref_slice %arg2[%run_scoped3A_101, %mul3A_98, %dma_wait3A_186] : memref<2x10240x64xf32, #tpu.memory_space<hbm>> -> memref<1x640x64xf32, #tpu.memory_space<hbm>>
      %dma_wait3A_188 = tpu.memref_squeeze %dma_wait3A_187 : memref<1x640x64xf32, #tpu.memory_space<hbm>> -> memref<640x64xf32, #tpu.memory_space<hbm>>
      tpu.wait_dma2 semaphore(%run_scoped3A_178 : memref<!tpu.dma_semaphore, #tpu.memory_space<semaphore_mem>>) src(%dma_wait3A_188 : memref<640x64xf32, #tpu.memory_space<hbm>>) dst(%dma_wait3A_185 : memref<640x64xf32, #tpu.memory_space<vmem_shared>>)
      tpu.yield
    }) : () -> ()
    %mul3A_102 = arith.constant 640 : i32
    %mul3A_103 = arith.muli %arg1, %mul3A_102 : i32
    %mul3A_104 = arith.constant 640 : i32
    %mul3A_105 = arith.muli %arg1, %mul3A_104 : i32
    %run_scoped3A_106 = arith.constant 1 : i32
    "tpu.region"() ({
      %run_scoped3A_178 = tpu.sem_alloc : memref<!tpu.dma_semaphore, #tpu.memory_space<semaphore_mem>>
      %dma_start3A_179 = arith.constant 0 : i32
      %dma_start3A_180 = tpu.memref_slice %arg14[%mul3A_105, %dma_start3A_179] : memref<10240x64xf32, #tpu.memory_space<vmem_shared>> -> memref<640x64xf32, #tpu.memory_space<vmem_shared>>
      %dma_start3A_181 = arith.constant 0 : i32
      %dma_start3A_182 = tpu.memref_slice %arg2[%run_scoped3A_106, %mul3A_103, %dma_start3A_181] : memref<2x10240x64xf32, #tpu.memory_space<hbm>> -> memref<1x640x64xf32, #tpu.memory_space<hbm>>
      %dma_start3A_183 = tpu.memref_squeeze %dma_start3A_182 : memref<1x640x64xf32, #tpu.memory_space<hbm>> -> memref<640x64xf32, #tpu.memory_space<hbm>>
      tpu.enqueue_dma source(%dma_start3A_183 : memref<640x64xf32, #tpu.memory_space<hbm>>) target(%dma_start3A_180 : memref<640x64xf32, #tpu.memory_space<vmem_shared>>) target_semaphore(%run_scoped3A_178 : memref<!tpu.dma_semaphore, #tpu.memory_space<semaphore_mem>>)
      %dma_wait3A_184 = arith.constant 0 : i32
      %dma_wait3A_185 = tpu.memref_slice %arg14[%mul3A_105, %dma_wait3A_184] : memref<10240x64xf32, #tpu.memory_space<vmem_shared>> -> memref<640x64xf32, #tpu.memory_space<vmem_shared>>
      %dma_wait3A_186 = arith.constant 0 : i32
      %dma_wait3A_187 = tpu.memref_slice %arg2[%run_scoped3A_106, %mul3A_103, %dma_wait3A_186] : memref<2x10240x64xf32, #tpu.memory_space<hbm>> -> memref<1x640x64xf32, #tpu.memory_space<hbm>>
      %dma_wait3A_188 = tpu.memref_squeeze %dma_wait3A_187 : memref<1x640x64xf32, #tpu.memory_space<hbm>> -> memref<640x64xf32, #tpu.memory_space<hbm>>
      tpu.wait_dma2 semaphore(%run_scoped3A_178 : memref<!tpu.dma_semaphore, #tpu.memory_space<semaphore_mem>>) src(%dma_wait3A_188 : memref<640x64xf32, #tpu.memory_space<hbm>>) dst(%dma_wait3A_185 : memref<640x64xf32, #tpu.memory_space<vmem_shared>>)
      tpu.yield
    }) : () -> ()
    %barrier3A_107 = arith.constant 0 : index
    tpu.barrier barrier_id(%barrier3A_107)
    %dma_start3A_108 = arith.constant 0 : i32
    %dma_start3A_109 = arith.constant 0 : i32
    %dma_start3A_110 = tpu.memref_slice %arg5[%dma_start3A_108, %dma_start3A_109] : memref<158x128xi32, #tpu.memory_space<vmem>> -> memref<1x128xi32, #tpu.memory_space<vmem>>
    %dma_start3A_111 = tpu.memref_squeeze %dma_start3A_110 : memref<1x128xi32, #tpu.memory_space<vmem>> -> memref<128xi32, #tpu.memory_space<vmem>>
    %dma_start3A_112 = arith.constant 0 : i32
    %dma_start3A_113 = arith.constant 0 : i32
    %dma_start3A_114 = tpu.memref_slice %arg13[%dma_start3A_112, %dma_start3A_113] : memref<10240x64xf32, #tpu.memory_space<vmem_shared>> -> memref<10240x64xf32, #tpu.memory_space<vmem_shared>>
    tpu.enqueue_indirect_dma source(%dma_start3A_114 : memref<10240x64xf32, #tpu.memory_space<vmem_shared>>) target(%arg6 : memref<128x64xf32, #tpu.memory_space<vmem>>) offsets(%dma_start3A_111 : memref<128xi32, #tpu.memory_space<vmem>>) semaphore(%arg9 : memref<!tpu.dma_semaphore, #tpu.memory_space<semaphore_mem>>)
    %dma_wait3A_115 = arith.constant 0 : i32
    %dma_wait3A_116 = arith.constant 0 : i32
    %dma_wait3A_117 = tpu.memref_slice %arg5[%dma_wait3A_115, %dma_wait3A_116] : memref<158x128xi32, #tpu.memory_space<vmem>> -> memref<1x128xi32, #tpu.memory_space<vmem>>
    %dma_wait3A_118 = tpu.memref_squeeze %dma_wait3A_117 : memref<1x128xi32, #tpu.memory_space<vmem>> -> memref<128xi32, #tpu.memory_space<vmem>>
    %dma_wait3A_119 = arith.constant 0 : i32
    %dma_wait3A_120 = arith.constant 0 : i32
    %dma_wait3A_121 = tpu.memref_slice %arg13[%dma_wait3A_119, %dma_wait3A_120] : memref<10240x64xf32, #tpu.memory_space<vmem_shared>> -> memref<10240x64xf32, #tpu.memory_space<vmem_shared>>
    tpu.wait_indirect_dma semaphore(%arg9 : memref<!tpu.dma_semaphore, #tpu.memory_space<semaphore_mem>>) src(%dma_wait3A_121 : memref<10240x64xf32, #tpu.memory_space<vmem_shared>>) dst(%arg6 : memref<128x64xf32, #tpu.memory_space<vmem>>)
    %dma_start3A_122 = arith.constant 1 : i32
    %dma_start3A_123 = arith.constant 0 : i32
    %dma_start3A_124 = tpu.memref_slice %arg5[%dma_start3A_122, %dma_start3A_123] : memref<158x128xi32, #tpu.memory_space<vmem>> -> memref<1x128xi32, #tpu.memory_space<vmem>>
    %dma_start3A_125 = tpu.memref_squeeze %dma_start3A_124 : memref<1x128xi32, #tpu.memory_space<vmem>> -> memref<128xi32, #tpu.memory_space<vmem>>
    %dma_start3A_126 = arith.constant 0 : i32
    %dma_start3A_127 = arith.constant 0 : i32
    %dma_start3A_128 = tpu.memref_slice %arg14[%dma_start3A_126, %dma_start3A_127] : memref<10240x64xf32, #tpu.memory_space<vmem_shared>> -> memref<10240x64xf32, #tpu.memory_space<vmem_shared>>
    tpu.enqueue_indirect_dma source(%arg6 : memref<128x64xf32, #tpu.memory_space<vmem>>) target(%dma_start3A_128 : memref<10240x64xf32, #tpu.memory_space<vmem_shared>>) offsets(%dma_start3A_125 : memref<128xi32, #tpu.memory_space<vmem>>) semaphore(%arg11 : memref<!tpu.dma_semaphore, #tpu.memory_space<semaphore_mem>>) {add = true}
    %dma_start3A_129 = arith.constant 2 : i32
    %dma_start3A_130 = arith.constant 0 : i32
    %dma_start3A_131 = tpu.memref_slice %arg5[%dma_start3A_129, %dma_start3A_130] : memref<158x128xi32, #tpu.memory_space<vmem>> -> memref<1x128xi32, #tpu.memory_space<vmem>>
    %dma_start3A_132 = tpu.memref_squeeze %dma_start3A_131 : memref<1x128xi32, #tpu.memory_space<vmem>> -> memref<128xi32, #tpu.memory_space<vmem>>
    %dma_start3A_133 = arith.constant 0 : i32
    %dma_start3A_134 = arith.constant 0 : i32
    %dma_start3A_135 = tpu.memref_slice %arg13[%dma_start3A_133, %dma_start3A_134] : memref<10240x64xf32, #tpu.memory_space<vmem_shared>> -> memref<10240x64xf32, #tpu.memory_space<vmem_shared>>
    tpu.enqueue_indirect_dma source(%dma_start3A_135 : memref<10240x64xf32, #tpu.memory_space<vmem_shared>>) target(%arg7 : memref<128x64xf32, #tpu.memory_space<vmem>>) offsets(%dma_start3A_132 : memref<128xi32, #tpu.memory_space<vmem>>) semaphore(%arg10 : memref<!tpu.dma_semaphore, #tpu.memory_space<semaphore_mem>>)
    %scan3A_136 = arith.constant 0 : i32
    %scan3A_137 = arith.constant 38 : i32
    %scan3A_138 = arith.addi %scan3A_136, %scan3A_137 : i32
    %scan3A_139 = arith.constant 1 : i32
    scf.for %scan3A_178 = %scan3A_136 to %scan3A_138 step %scan3A_139  : i32 {
      %mul3A_179 = arith.constant 2 : i32
      %mul3A_180 = arith.muli %scan3A_178, %mul3A_179 : i32
      %add3A_181 = arith.constant 1 : i32
      %add3A_182 = arith.addi %add3A_181, %mul3A_180 : i32
      %mul3A_183 = arith.constant 2 : i32
      %mul3A_184 = arith.muli %mul3A_183, %add3A_182 : i32
      %dma_wait3A_185 = arith.constant 0 : i32
      %dma_wait3A_186 = tpu.memref_slice %arg5[%mul3A_184, %dma_wait3A_185] : memref<158x128xi32, #tpu.memory_space<vmem>> -> memref<1x128xi32, #tpu.memory_space<vmem>>
      %dma_wait3A_187 = tpu.memref_squeeze %dma_wait3A_186 : memref<1x128xi32, #tpu.memory_space<vmem>> -> memref<128xi32, #tpu.memory_space<vmem>>
      %dma_wait3A_188 = arith.constant 0 : i32
      %dma_wait3A_189 = arith.constant 0 : i32
      %dma_wait3A_190 = tpu.memref_slice %arg13[%dma_wait3A_188, %dma_wait3A_189] : memref<10240x64xf32, #tpu.memory_space<vmem_shared>> -> memref<10240x64xf32, #tpu.memory_space<vmem_shared>>
      tpu.wait_indirect_dma semaphore(%arg10 : memref<!tpu.dma_semaphore, #tpu.memory_space<semaphore_mem>>) src(%dma_wait3A_190 : memref<10240x64xf32, #tpu.memory_space<vmem_shared>>) dst(%arg7 : memref<128x64xf32, #tpu.memory_space<vmem>>)
      %mul3A_191 = arith.constant 2 : i32
      %mul3A_192 = arith.muli %mul3A_191, %add3A_182 : i32
      %add3A_193 = arith.constant 1 : i32
      %add3A_194 = arith.addi %mul3A_192, %add3A_193 : i32
      %dma_start3A_195 = arith.constant 0 : i32
      %dma_start3A_196 = tpu.memref_slice %arg5[%add3A_194, %dma_start3A_195] : memref<158x128xi32, #tpu.memory_space<vmem>> -> memref<1x128xi32, #tpu.memory_space<vmem>>
      %dma_start3A_197 = tpu.memref_squeeze %dma_start3A_196 : memref<1x128xi32, #tpu.memory_space<vmem>> -> memref<128xi32, #tpu.memory_space<vmem>>
      %dma_start3A_198 = arith.constant 0 : i32
      %dma_start3A_199 = arith.constant 0 : i32
      %dma_start3A_200 = tpu.memref_slice %arg14[%dma_start3A_198, %dma_start3A_199] : memref<10240x64xf32, #tpu.memory_space<vmem_shared>> -> memref<10240x64xf32, #tpu.memory_space<vmem_shared>>
      tpu.enqueue_indirect_dma source(%arg7 : memref<128x64xf32, #tpu.memory_space<vmem>>) target(%dma_start3A_200 : memref<10240x64xf32, #tpu.memory_space<vmem_shared>>) offsets(%dma_start3A_197 : memref<128xi32, #tpu.memory_space<vmem>>) semaphore(%arg12 : memref<!tpu.dma_semaphore, #tpu.memory_space<semaphore_mem>>) {add = true}
      %mul3A_201 = arith.constant 2 : i32
      %mul3A_202 = arith.muli %mul3A_201, %add3A_182 : i32
      %sub3A = arith.constant 1 : i32
      %sub3A_203 = arith.subi %mul3A_202, %sub3A : i32
      %dma_wait3A_204 = arith.constant 0 : i32
      %dma_wait3A_205 = tpu.memref_slice %arg5[%sub3A_203, %dma_wait3A_204] : memref<158x128xi32, #tpu.memory_space<vmem>> -> memref<1x128xi32, #tpu.memory_space<vmem>>
      %dma_wait3A_206 = tpu.memref_squeeze %dma_wait3A_205 : memref<1x128xi32, #tpu.memory_space<vmem>> -> memref<128xi32, #tpu.memory_space<vmem>>
      %dma_wait3A_207 = arith.constant 0 : i32
      %dma_wait3A_208 = arith.constant 0 : i32
      %dma_wait3A_209 = tpu.memref_slice %arg14[%dma_wait3A_207, %dma_wait3A_208] : memref<10240x64xf32, #tpu.memory_space<vmem_shared>> -> memref<10240x64xf32, #tpu.memory_space<vmem_shared>>
      tpu.wait_indirect_dma semaphore(%arg11 : memref<!tpu.dma_semaphore, #tpu.memory_space<semaphore_mem>>) src(%arg6 : memref<128x64xf32, #tpu.memory_space<vmem>>) dst(%dma_wait3A_209 : memref<10240x64xf32, #tpu.memory_space<vmem_shared>>)
      %mul3A_210 = arith.constant 2 : i32
      %mul3A_211 = arith.muli %mul3A_210, %add3A_182 : i32
      %add3A_212 = arith.constant 2 : i32
      %add3A_213 = arith.addi %mul3A_211, %add3A_212 : i32
      %dma_start3A_214 = arith.constant 0 : i32
      %dma_start3A_215 = tpu.memref_slice %arg5[%add3A_213, %dma_start3A_214] : memref<158x128xi32, #tpu.memory_space<vmem>> -> memref<1x128xi32, #tpu.memory_space<vmem>>
      %dma_start3A_216 = tpu.memref_squeeze %dma_start3A_215 : memref<1x128xi32, #tpu.memory_space<vmem>> -> memref<128xi32, #tpu.memory_space<vmem>>
      %dma_start3A_217 = arith.constant 0 : i32
      %dma_start3A_218 = arith.constant 0 : i32
      %dma_start3A_219 = tpu.memref_slice %arg13[%dma_start3A_217, %dma_start3A_218] : memref<10240x64xf32, #tpu.memory_space<vmem_shared>> -> memref<10240x64xf32, #tpu.memory_space<vmem_shared>>
      tpu.enqueue_indirect_dma source(%dma_start3A_219 : memref<10240x64xf32, #tpu.memory_space<vmem_shared>>) target(%arg6 : memref<128x64xf32, #tpu.memory_space<vmem>>) offsets(%dma_start3A_216 : memref<128xi32, #tpu.memory_space<vmem>>) semaphore(%arg9 : memref<!tpu.dma_semaphore, #tpu.memory_space<semaphore_mem>>)
      %mul3A_220 = arith.constant 2 : i32
      %mul3A_221 = arith.muli %mul3A_220, %add3A_182 : i32
      %add3A_222 = arith.constant 2 : i32
      %add3A_223 = arith.addi %mul3A_221, %add3A_222 : i32
      %dma_wait3A_224 = arith.constant 0 : i32
      %dma_wait3A_225 = tpu.memref_slice %arg5[%add3A_223, %dma_wait3A_224] : memref<158x128xi32, #tpu.memory_space<vmem>> -> memref<1x128xi32, #tpu.memory_space<vmem>>
      %dma_wait3A_226 = tpu.memref_squeeze %dma_wait3A_225 : memref<1x128xi32, #tpu.memory_space<vmem>> -> memref<128xi32, #tpu.memory_space<vmem>>
      %dma_wait3A_227 = arith.constant 0 : i32
      %dma_wait3A_228 = arith.constant 0 : i32
      %dma_wait3A_229 = tpu.memref_slice %arg13[%dma_wait3A_227, %dma_wait3A_228] : memref<10240x64xf32, #tpu.memory_space<vmem_shared>> -> memref<10240x64xf32, #tpu.memory_space<vmem_shared>>
      tpu.wait_indirect_dma semaphore(%arg9 : memref<!tpu.dma_semaphore, #tpu.memory_space<semaphore_mem>>) src(%dma_wait3A_229 : memref<10240x64xf32, #tpu.memory_space<vmem_shared>>) dst(%arg6 : memref<128x64xf32, #tpu.memory_space<vmem>>)
      %mul3A_230 = arith.constant 2 : i32
      %mul3A_231 = arith.muli %mul3A_230, %add3A_182 : i32
      %add3A_232 = arith.constant 3 : i32
      %add3A_233 = arith.addi %mul3A_231, %add3A_232 : i32
      %dma_start3A_234 = arith.constant 0 : i32
      %dma_start3A_235 = tpu.memref_slice %arg5[%add3A_233, %dma_start3A_234] : memref<158x128xi32, #tpu.memory_space<vmem>> -> memref<1x128xi32, #tpu.memory_space<vmem>>
      %dma_start3A_236 = tpu.memref_squeeze %dma_start3A_235 : memref<1x128xi32, #tpu.memory_space<vmem>> -> memref<128xi32, #tpu.memory_space<vmem>>
      %dma_start3A_237 = arith.constant 0 : i32
      %dma_start3A_238 = arith.constant 0 : i32
      %dma_start3A_239 = tpu.memref_slice %arg14[%dma_start3A_237, %dma_start3A_238] : memref<10240x64xf32, #tpu.memory_space<vmem_shared>> -> memref<10240x64xf32, #tpu.memory_space<vmem_shared>>
      tpu.enqueue_indirect_dma source(%arg6 : memref<128x64xf32, #tpu.memory_space<vmem>>) target(%dma_start3A_239 : memref<10240x64xf32, #tpu.memory_space<vmem_shared>>) offsets(%dma_start3A_236 : memref<128xi32, #tpu.memory_space<vmem>>) semaphore(%arg11 : memref<!tpu.dma_semaphore, #tpu.memory_space<semaphore_mem>>) {add = true}
      %mul3A_240 = arith.constant 2 : i32
      %mul3A_241 = arith.muli %mul3A_240, %add3A_182 : i32
      %add3A_242 = arith.constant 1 : i32
      %add3A_243 = arith.addi %mul3A_241, %add3A_242 : i32
      %dma_wait3A_244 = arith.constant 0 : i32
      %dma_wait3A_245 = tpu.memref_slice %arg5[%add3A_243, %dma_wait3A_244] : memref<158x128xi32, #tpu.memory_space<vmem>> -> memref<1x128xi32, #tpu.memory_space<vmem>>
      %dma_wait3A_246 = tpu.memref_squeeze %dma_wait3A_245 : memref<1x128xi32, #tpu.memory_space<vmem>> -> memref<128xi32, #tpu.memory_space<vmem>>
      %dma_wait3A_247 = arith.constant 0 : i32
      %dma_wait3A_248 = arith.constant 0 : i32
      %dma_wait3A_249 = tpu.memref_slice %arg14[%dma_wait3A_247, %dma_wait3A_248] : memref<10240x64xf32, #tpu.memory_space<vmem_shared>> -> memref<10240x64xf32, #tpu.memory_space<vmem_shared>>
      tpu.wait_indirect_dma semaphore(%arg12 : memref<!tpu.dma_semaphore, #tpu.memory_space<semaphore_mem>>) src(%arg7 : memref<128x64xf32, #tpu.memory_space<vmem>>) dst(%dma_wait3A_249 : memref<10240x64xf32, #tpu.memory_space<vmem_shared>>)
      %mul3A_250 = arith.constant 2 : i32
      %mul3A_251 = arith.muli %mul3A_250, %add3A_182 : i32
      %add3A_252 = arith.constant 4 : i32
      %add3A_253 = arith.addi %mul3A_251, %add3A_252 : i32
      %dma_start3A_254 = arith.constant 0 : i32
      %dma_start3A_255 = tpu.memref_slice %arg5[%add3A_253, %dma_start3A_254] : memref<158x128xi32, #tpu.memory_space<vmem>> -> memref<1x128xi32, #tpu.memory_space<vmem>>
      %dma_start3A_256 = tpu.memref_squeeze %dma_start3A_255 : memref<1x128xi32, #tpu.memory_space<vmem>> -> memref<128xi32, #tpu.memory_space<vmem>>
      %dma_start3A_257 = arith.constant 0 : i32
      %dma_start3A_258 = arith.constant 0 : i32
      %dma_start3A_259 = tpu.memref_slice %arg13[%dma_start3A_257, %dma_start3A_258] : memref<10240x64xf32, #tpu.memory_space<vmem_shared>> -> memref<10240x64xf32, #tpu.memory_space<vmem_shared>>
      tpu.enqueue_indirect_dma source(%dma_start3A_259 : memref<10240x64xf32, #tpu.memory_space<vmem_shared>>) target(%arg7 : memref<128x64xf32, #tpu.memory_space<vmem>>) offsets(%dma_start3A_256 : memref<128xi32, #tpu.memory_space<vmem>>) semaphore(%arg10 : memref<!tpu.dma_semaphore, #tpu.memory_space<semaphore_mem>>)
    }
    %scan3A_140 = arith.constant 38 : i32
    %dma_wait3A_141 = arith.constant 154 : i32
    %dma_wait3A_142 = arith.constant 0 : i32
    %dma_wait3A_143 = tpu.memref_slice %arg5[%dma_wait3A_141, %dma_wait3A_142] : memref<158x128xi32, #tpu.memory_space<vmem>> -> memref<1x128xi32, #tpu.memory_space<vmem>>
    %dma_wait3A_144 = tpu.memref_squeeze %dma_wait3A_143 : memref<1x128xi32, #tpu.memory_space<vmem>> -> memref<128xi32, #tpu.memory_space<vmem>>
    %dma_wait3A_145 = arith.constant 0 : i32
    %dma_wait3A_146 = arith.constant 0 : i32
    %dma_wait3A_147 = tpu.memref_slice %arg13[%dma_wait3A_145, %dma_wait3A_146] : memref<10240x64xf32, #tpu.memory_space<vmem_shared>> -> memref<10240x64xf32, #tpu.memory_space<vmem_shared>>
    tpu.wait_indirect_dma semaphore(%arg10 : memref<!tpu.dma_semaphore, #tpu.memory_space<semaphore_mem>>) src(%dma_wait3A_147 : memref<10240x64xf32, #tpu.memory_space<vmem_shared>>) dst(%arg7 : memref<128x64xf32, #tpu.memory_space<vmem>>)
    %dma_start3A_148 = arith.constant 155 : i32
    %dma_start3A_149 = arith.constant 0 : i32
    %dma_start3A_150 = tpu.memref_slice %arg5[%dma_start3A_148, %dma_start3A_149] : memref<158x128xi32, #tpu.memory_space<vmem>> -> memref<1x128xi32, #tpu.memory_space<vmem>>
    %dma_start3A_151 = tpu.memref_squeeze %dma_start3A_150 : memref<1x128xi32, #tpu.memory_space<vmem>> -> memref<128xi32, #tpu.memory_space<vmem>>
    %dma_start3A_152 = arith.constant 0 : i32
    %dma_start3A_153 = arith.constant 0 : i32
    %dma_start3A_154 = tpu.memref_slice %arg14[%dma_start3A_152, %dma_start3A_153] : memref<10240x64xf32, #tpu.memory_space<vmem_shared>> -> memref<10240x64xf32, #tpu.memory_space<vmem_shared>>
    tpu.enqueue_indirect_dma source(%arg7 : memref<128x64xf32, #tpu.memory_space<vmem>>) target(%dma_start3A_154 : memref<10240x64xf32, #tpu.memory_space<vmem_shared>>) offsets(%dma_start3A_151 : memref<128xi32, #tpu.memory_space<vmem>>) semaphore(%arg12 : memref<!tpu.dma_semaphore, #tpu.memory_space<semaphore_mem>>) {add = true}
    %dma_wait3A_155 = arith.constant 153 : i32
    %dma_wait3A_156 = arith.constant 0 : i32
    %dma_wait3A_157 = tpu.memref_slice %arg5[%dma_wait3A_155, %dma_wait3A_156] : memref<158x128xi32, #tpu.memory_space<vmem>> -> memref<1x128xi32, #tpu.memory_space<vmem>>
    %dma_wait3A_158 = tpu.memref_squeeze %dma_wait3A_157 : memref<1x128xi32, #tpu.memory_space<vmem>> -> memref<128xi32, #tpu.memory_space<vmem>>
    %dma_wait3A_159 = arith.constant 0 : i32
    %dma_wait3A_160 = arith.constant 0 : i32
    %dma_wait3A_161 = tpu.memref_slice %arg14[%dma_wait3A_159, %dma_wait3A_160] : memref<10240x64xf32, #tpu.memory_space<vmem_shared>> -> memref<10240x64xf32, #tpu.memory_space<vmem_shared>>
    tpu.wait_indirect_dma semaphore(%arg11 : memref<!tpu.dma_semaphore, #tpu.memory_space<semaphore_mem>>) src(%arg6 : memref<128x64xf32, #tpu.memory_space<vmem>>) dst(%dma_wait3A_161 : memref<10240x64xf32, #tpu.memory_space<vmem_shared>>)
    %dma_wait3A_162 = arith.constant 155 : i32
    %dma_wait3A_163 = arith.constant 0 : i32
    %dma_wait3A_164 = tpu.memref_slice %arg5[%dma_wait3A_162, %dma_wait3A_163] : memref<158x128xi32, #tpu.memory_space<vmem>> -> memref<1x128xi32, #tpu.memory_space<vmem>>
    %dma_wait3A_165 = tpu.memref_squeeze %dma_wait3A_164 : memref<1x128xi32, #tpu.memory_space<vmem>> -> memref<128xi32, #tpu.memory_space<vmem>>
    %dma_wait3A_166 = arith.constant 0 : i32
    %dma_wait3A_167 = arith.constant 0 : i32
    %dma_wait3A_168 = tpu.memref_slice %arg14[%dma_wait3A_166, %dma_wait3A_167] : memref<10240x64xf32, #tpu.memory_space<vmem_shared>> -> memref<10240x64xf32, #tpu.memory_space<vmem_shared>>
    tpu.wait_indirect_dma semaphore(%arg12 : memref<!tpu.dma_semaphore, #tpu.memory_space<semaphore_mem>>) src(%arg7 : memref<128x64xf32, #tpu.memory_space<vmem>>) dst(%dma_wait3A_168 : memref<10240x64xf32, #tpu.memory_space<vmem_shared>>)
    %convert_element_type3A_169 = arith.extui %lt3A_5 : i1 to i32
    %cond3A_170 = arith.constant 0 : i32
    %cond3A_171 = arith.cmpi ne, %convert_element_type3A_169, %cond3A_170 : i32
    scf.if %cond3A_171 {
      %dma_start3A_178 = arith.constant 156 : i32
      %dma_start3A_179 = arith.constant 0 : i32
      %dma_start3A_180 = tpu.memref_slice %arg5[%dma_start3A_178, %dma_start3A_179] : memref<158x128xi32, #tpu.memory_space<vmem>> -> memref<1x128xi32, #tpu.memory_space<vmem>>
      %dma_start3A_181 = tpu.memref_squeeze %dma_start3A_180 : memref<1x128xi32, #tpu.memory_space<vmem>> -> memref<128xi32, #tpu.memory_space<vmem>>
      %dma_start3A_182 = arith.constant 0 : i32
      %dma_start3A_183 = arith.constant 0 : i32
      %dma_start3A_184 = tpu.memref_slice %arg13[%dma_start3A_182, %dma_start3A_183] : memref<10240x64xf32, #tpu.memory_space<vmem_shared>> -> memref<10240x64xf32, #tpu.memory_space<vmem_shared>>
      tpu.enqueue_indirect_dma source(%dma_start3A_184 : memref<10240x64xf32, #tpu.memory_space<vmem_shared>>) target(%arg6 : memref<128x64xf32, #tpu.memory_space<vmem>>) offsets(%dma_start3A_181 : memref<128xi32, #tpu.memory_space<vmem>>) semaphore(%arg9 : memref<!tpu.dma_semaphore, #tpu.memory_space<semaphore_mem>>)
      %dma_wait3A_185 = arith.constant 156 : i32
      %dma_wait3A_186 = arith.constant 0 : i32
      %dma_wait3A_187 = tpu.memref_slice %arg5[%dma_wait3A_185, %dma_wait3A_186] : memref<158x128xi32, #tpu.memory_space<vmem>> -> memref<1x128xi32, #tpu.memory_space<vmem>>
      %dma_wait3A_188 = tpu.memref_squeeze %dma_wait3A_187 : memref<1x128xi32, #tpu.memory_space<vmem>> -> memref<128xi32, #tpu.memory_space<vmem>>
      %dma_wait3A_189 = arith.constant 0 : i32
      %dma_wait3A_190 = arith.constant 0 : i32
      %dma_wait3A_191 = tpu.memref_slice %arg13[%dma_wait3A_189, %dma_wait3A_190] : memref<10240x64xf32, #tpu.memory_space<vmem_shared>> -> memref<10240x64xf32, #tpu.memory_space<vmem_shared>>
      tpu.wait_indirect_dma semaphore(%arg9 : memref<!tpu.dma_semaphore, #tpu.memory_space<semaphore_mem>>) src(%dma_wait3A_191 : memref<10240x64xf32, #tpu.memory_space<vmem_shared>>) dst(%arg6 : memref<128x64xf32, #tpu.memory_space<vmem>>)
      %run_scoped3A_192 = arith.constant 157 : i32
      "tpu.region"() ({
        %run_scoped3A_193 = tpu.sem_alloc : memref<!tpu.dma_semaphore, #tpu.memory_space<semaphore_mem>>
        %dma_start3A_194 = arith.constant 0 : i32
        %dma_start3A_195 = tpu.memref_slice %arg5[%run_scoped3A_192, %dma_start3A_194] : memref<158x128xi32, #tpu.memory_space<vmem>> -> memref<1x128xi32, #tpu.memory_space<vmem>>
        %dma_start3A_196 = tpu.memref_squeeze %dma_start3A_195 : memref<1x128xi32, #tpu.memory_space<vmem>> -> memref<128xi32, #tpu.memory_space<vmem>>
        %dma_start3A_197 = arith.constant 0 : i32
        %dma_start3A_198 = arith.constant 0 : i32
        %dma_start3A_199 = tpu.memref_slice %arg14[%dma_start3A_197, %dma_start3A_198] : memref<10240x64xf32, #tpu.memory_space<vmem_shared>> -> memref<10240x64xf32, #tpu.memory_space<vmem_shared>>
        tpu.enqueue_indirect_dma source(%arg6 : memref<128x64xf32, #tpu.memory_space<vmem>>) target(%dma_start3A_199 : memref<10240x64xf32, #tpu.memory_space<vmem_shared>>) offsets(%dma_start3A_196 : memref<128xi32, #tpu.memory_space<vmem>>) semaphore(%run_scoped3A_193 : memref<!tpu.dma_semaphore, #tpu.memory_space<semaphore_mem>>) {add = true}
        %dma_wait3A_200 = arith.constant 0 : i32
        %dma_wait3A_201 = tpu.memref_slice %arg5[%run_scoped3A_192, %dma_wait3A_200] : memref<158x128xi32, #tpu.memory_space<vmem>> -> memref<1x128xi32, #tpu.memory_space<vmem>>
        %dma_wait3A_202 = tpu.memref_squeeze %dma_wait3A_201 : memref<1x128xi32, #tpu.memory_space<vmem>> -> memref<128xi32, #tpu.memory_space<vmem>>
        %dma_wait3A_203 = arith.constant 0 : i32
        %dma_wait3A_204 = arith.constant 0 : i32
        %dma_wait3A_205 = tpu.memref_slice %arg14[%dma_wait3A_203, %dma_wait3A_204] : memref<10240x64xf32, #tpu.memory_space<vmem_shared>> -> memref<10240x64xf32, #tpu.memory_space<vmem_shared>>
        tpu.wait_indirect_dma semaphore(%run_scoped3A_193 : memref<!tpu.dma_semaphore, #tpu.memory_space<semaphore_mem>>) src(%arg6 : memref<128x64xf32, #tpu.memory_space<vmem>>) dst(%dma_wait3A_205 : memref<10240x64xf32, #tpu.memory_space<vmem_shared>>)
        tpu.yield
      }) : () -> ()
    } else {
    }
    %barrier3A_172 = arith.constant 0 : index
    tpu.barrier barrier_id(%barrier3A_172)
    %mul3A_173 = arith.constant 640 : i32
    %mul3A_174 = arith.muli %arg1, %mul3A_173 : i32
    %mul3A_175 = arith.constant 640 : i32
    %mul3A_176 = arith.muli %arg1, %mul3A_175 : i32
    %run_scoped3A_177 = arith.constant 1 : i32
    "tpu.region"() ({
      %run_scoped3A_178 = tpu.sem_alloc : memref<!tpu.dma_semaphore, #tpu.memory_space<semaphore_mem>>
      %dma_start3A_179 = arith.constant 0 : i32
      %dma_start3A_180 = tpu.memref_slice %arg4[%arg0, %run_scoped3A_177, %mul3A_176, %dma_start3A_179] : memref<2x2x10240x64xf32, #tpu.memory_space<hbm>> -> memref<1x1x640x64xf32, #tpu.memory_space<hbm>>
      %dma_start3A_181 = tpu.memref_squeeze %dma_start3A_180 : memref<1x1x640x64xf32, #tpu.memory_space<hbm>> -> memref<640x64xf32, #tpu.memory_space<hbm>>
      %dma_start3A_182 = arith.constant 0 : i32
      %dma_start3A_183 = tpu.memref_slice %arg14[%mul3A_174, %dma_start3A_182] : memref<10240x64xf32, #tpu.memory_space<vmem_shared>> -> memref<640x64xf32, #tpu.memory_space<vmem_shared>>
      tpu.enqueue_dma source(%dma_start3A_183 : memref<640x64xf32, #tpu.memory_space<vmem_shared>>) target(%dma_start3A_181 : memref<640x64xf32, #tpu.memory_space<hbm>>) target_semaphore(%run_scoped3A_178 : memref<!tpu.dma_semaphore, #tpu.memory_space<semaphore_mem>>)
      %dma_wait3A_184 = arith.constant 0 : i32
      %dma_wait3A_185 = tpu.memref_slice %arg4[%arg0, %run_scoped3A_177, %mul3A_176, %dma_wait3A_184] : memref<2x2x10240x64xf32, #tpu.memory_space<hbm>> -> memref<1x1x640x64xf32, #tpu.memory_space<hbm>>
      %dma_wait3A_186 = tpu.memref_squeeze %dma_wait3A_185 : memref<1x1x640x64xf32, #tpu.memory_space<hbm>> -> memref<640x64xf32, #tpu.memory_space<hbm>>
      %dma_wait3A_187 = arith.constant 0 : i32
      %dma_wait3A_188 = tpu.memref_slice %arg14[%mul3A_174, %dma_wait3A_187] : memref<10240x64xf32, #tpu.memory_space<vmem_shared>> -> memref<640x64xf32, #tpu.memory_space<vmem_shared>>
      tpu.wait_dma2 semaphore(%run_scoped3A_178 : memref<!tpu.dma_semaphore, #tpu.memory_space<semaphore_mem>>) src(%dma_wait3A_188 : memref<640x64xf32, #tpu.memory_space<vmem_shared>>) dst(%dma_wait3A_186 : memref<640x64xf32, #tpu.memory_space<hbm>>)
      tpu.yield
    }) : () -> ()
    return
  }
}

#map = affine_map<(d0, d1) -> (0, 0)>
#map1 = affine_map<(d0, d1) -> (0, 0, 0)>
module attributes {stable_mosaic.version = 14 : i64} {
  func.func @_sc_degree(%arg0: i32, %arg1: i32, %arg2: memref<2x320000xi32, #tpu.memory_space<hbm>>, %arg3: memref<2x10240x16xf32, #tpu.memory_space<hbm>>, %arg4: memref<158x128xi32, #tpu.memory_space<vmem>>, %arg5: memref<128x16xf32, #tpu.memory_space<vmem>>, %arg6: memref<!tpu.dma_semaphore, #tpu.memory_space<semaphore_mem>>, %arg7: memref<!tpu.dma_semaphore, #tpu.memory_space<semaphore_mem>>, %arg8: memref<10240x16xf32, #tpu.memory_space<vmem_shared>>) attributes {dimension_semantics = [#tpu.dimension_semantics<core_parallel>, #tpu.dimension_semantics<subcore_parallel>], iteration_bounds = array<i64: 2, 16>, scalar_prefetch = 0 : i64, scratch_operands = 5 : i64, tpu.core_type = #tpu.core_type<sc_vector_subcore>, window_params = [{transform_indices = #map}, {transform_indices = #map1}]} {
    %mul3A = arith.constant 16 : i32
    %mul3A_0 = arith.muli %arg0, %mul3A : i32
    %add3A = arith.addi %mul3A_0, %arg1 : i32
    %mul3A_1 = arith.constant 78 : i32
    %mul3A_2 = arith.muli %mul3A_1, %add3A : i32
    %min3A = arith.constant 4 : i32
    %min3A_3 = arith.minsi %add3A, %min3A : i32
    %add3A_4 = arith.addi %mul3A_2, %min3A_3 : i32
    %lt3A = arith.constant 4 : i32
    %lt3A_5 = arith.cmpi slt, %add3A, %lt3A : i32
    %scan3A = arith.constant 0 : i32
    %scan3A_6 = arith.constant 128 : i32
    %scan3A_7 = arith.addi %scan3A, %scan3A_6 : i32
    %scan3A_8 = arith.constant 1 : i32
    scf.for %scan3A_55 = %scan3A to %scan3A_7 step %scan3A_8  : i32 {
      %mul3A_56 = arith.constant 1 : i32
      %mul3A_57 = arith.muli %scan3A_55, %mul3A_56 : i32
      %add3A_58 = arith.constant 0 : i32
      %add3A_59 = arith.addi %add3A_58, %mul3A_57 : i32
      %broadcast_in_dim3A = arith.constant 0.000000e+00 : f32
      %broadcast_in_dim3A_60 = vector.broadcast %broadcast_in_dim3A : f32 to vector<16xf32>
      %swap3A = arith.index_cast %add3A_59 : i32 to index
      %swap3A_61 = arith.constant 0 : index
      %swap3A_62 = tpu.vector_load %arg5[%swap3A, %swap3A_61] {strides = array<i32>} : memref<128x16xf32, #tpu.memory_space<vmem>>, vector<1x16xf32>,
      %swap3A_63 = vector.shape_cast %swap3A_62 : vector<1x16xf32> to vector<16xf32>
      %swap3A_64 = vector.shape_cast %broadcast_in_dim3A_60 : vector<16xf32> to vector<1x16xf32>
      tpu.vector_store %arg5[%swap3A, %swap3A_61], %swap3A_64 {strides = array<i32>} : memref<128x16xf32, #tpu.memory_space<vmem>>, vector<1x16xf32>,
    }
    %scan3A_9 = arith.constant 128 : i32
    %scan3A_10 = arith.constant 0 : i32
    %scan3A_11 = arith.constant 5 : i32
    %scan3A_12 = arith.addi %scan3A_10, %scan3A_11 : i32
    %scan3A_13 = arith.constant 1 : i32
    scf.for %scan3A_55 = %scan3A_10 to %scan3A_12 step %scan3A_13  : i32 {
      %mul3A_56 = arith.constant 1 : i32
      %mul3A_57 = arith.muli %scan3A_55, %mul3A_56 : i32
      %add3A_58 = arith.constant 0 : i32
      %add3A_59 = arith.addi %add3A_58, %mul3A_57 : i32
      %mul3A_60 = arith.constant 640 : i32
      %mul3A_61 = arith.muli %arg1, %mul3A_60 : i32
      %mul3A_62 = arith.constant 128 : i32
      %mul3A_63 = arith.muli %add3A_59, %mul3A_62 : i32
      %add3A_64 = arith.addi %mul3A_61, %mul3A_63 : i32
      "tpu.region"() ({
        %run_scoped3A = tpu.sem_alloc : memref<!tpu.dma_semaphore, #tpu.memory_space<semaphore_mem>>
        %dma_start3A = arith.constant 0 : i32
        %dma_start3A_65 = tpu.memref_slice %arg8[%add3A_64, %dma_start3A] : memref<10240x16xf32, #tpu.memory_space<vmem_shared>> -> memref<128x16xf32, #tpu.memory_space<vmem_shared>>
        %dma_start3A_66 = arith.constant 0 : i32
        %dma_start3A_67 = tpu.memref_slice %arg8[%add3A_64, %dma_start3A_66] : memref<10240x16xf32, #tpu.memory_space<vmem_shared>> -> memref<128x16xf32, #tpu.memory_space<vmem_shared>>
        tpu.enqueue_dma source(%arg5 : memref<128x16xf32, #tpu.memory_space<vmem>>) target(%dma_start3A_67 : memref<128x16xf32, #tpu.memory_space<vmem_shared>>) target_semaphore(%run_scoped3A : memref<!tpu.dma_semaphore, #tpu.memory_space<semaphore_mem>>)
        %dma_wait3A = arith.constant 0 : i32
        %dma_wait3A_68 = tpu.memref_slice %arg8[%add3A_64, %dma_wait3A] : memref<10240x16xf32, #tpu.memory_space<vmem_shared>> -> memref<128x16xf32, #tpu.memory_space<vmem_shared>>
        %dma_wait3A_69 = arith.constant 0 : i32
        %dma_wait3A_70 = tpu.memref_slice %arg8[%add3A_64, %dma_wait3A_69] : memref<10240x16xf32, #tpu.memory_space<vmem_shared>> -> memref<128x16xf32, #tpu.memory_space<vmem_shared>>
        tpu.wait_dma2 semaphore(%run_scoped3A : memref<!tpu.dma_semaphore, #tpu.memory_space<semaphore_mem>>) src(%arg5 : memref<128x16xf32, #tpu.memory_space<vmem>>) dst(%dma_wait3A_70 : memref<128x16xf32, #tpu.memory_space<vmem_shared>>)
        tpu.yield
      }) : () -> ()
    }
    %scan3A_14 = arith.constant 5 : i32
    %scan3A_15 = arith.constant 0 : i32
    %scan3A_16 = arith.constant 128 : i32
    %scan3A_17 = arith.addi %scan3A_15, %scan3A_16 : i32
    %scan3A_18 = arith.constant 1 : i32
    scf.for %scan3A_55 = %scan3A_15 to %scan3A_17 step %scan3A_18  : i32 {
      %mul3A_56 = arith.constant 1 : i32
      %mul3A_57 = arith.muli %scan3A_55, %mul3A_56 : i32
      %add3A_58 = arith.constant 0 : i32
      %add3A_59 = arith.addi %add3A_58, %mul3A_57 : i32
      %broadcast_in_dim3A = arith.constant 1.000000e+00 : f32
      %broadcast_in_dim3A_60 = vector.broadcast %broadcast_in_dim3A : f32 to vector<16xf32>
      %swap3A = arith.index_cast %add3A_59 : i32 to index
      %swap3A_61 = arith.constant 0 : index
      %swap3A_62 = tpu.vector_load %arg5[%swap3A, %swap3A_61] {strides = array<i32>} : memref<128x16xf32, #tpu.memory_space<vmem>>, vector<1x16xf32>,
      %swap3A_63 = vector.shape_cast %swap3A_62 : vector<1x16xf32> to vector<16xf32>
      %swap3A_64 = vector.shape_cast %broadcast_in_dim3A_60 : vector<16xf32> to vector<1x16xf32>
      tpu.vector_store %arg5[%swap3A, %swap3A_61], %swap3A_64 {strides = array<i32>} : memref<128x16xf32, #tpu.memory_space<vmem>>, vector<1x16xf32>,
    }
    %scan3A_19 = arith.constant 128 : i32
    %scan3A_20 = arith.constant 0 : i32
    %scan3A_21 = arith.constant 78 : i32
    %scan3A_22 = arith.addi %scan3A_20, %scan3A_21 : i32
    %scan3A_23 = arith.constant 1 : i32
    scf.for %scan3A_55 = %scan3A_20 to %scan3A_22 step %scan3A_23  : i32 {
      %mul3A_56 = arith.constant 1 : i32
      %mul3A_57 = arith.muli %scan3A_55, %mul3A_56 : i32
      %add3A_58 = arith.constant 0 : i32
      %add3A_59 = arith.addi %add3A_58, %mul3A_57 : i32
      %add3A_60 = arith.addi %add3A_4, %add3A_59 : i32
      %mul3A_61 = arith.constant 128 : i32
      %mul3A_62 = arith.muli %add3A_60, %mul3A_61 : i32
      %mul3A_63 = arith.constant 2 : i32
      %mul3A_64 = arith.muli %mul3A_63, %add3A_59 : i32
      %dma_start3A = arith.constant 0 : i32
      %dma_start3A_65 = tpu.memref_slice %arg4[%mul3A_64, %dma_start3A] : memref<158x128xi32, #tpu.memory_space<vmem>> -> memref<2x128xi32, #tpu.memory_space<vmem>>
      %dma_start3A_66 = arith.constant 0 : i32
      %dma_start3A_67 = tpu.memref_slice %arg2[%dma_start3A_66, %mul3A_62] : memref<2x320000xi32, #tpu.memory_space<hbm>> -> memref<2x128xi32, #tpu.memory_space<hbm>>
      %dma_start3A_68 = arith.constant 0 : i32
      %dma_start3A_69 = tpu.memref_slice %arg4[%mul3A_64, %dma_start3A_68] : memref<158x128xi32, #tpu.memory_space<vmem>> -> memref<2x128xi32, #tpu.memory_space<vmem>>
      %dma_start3A_70 = arith.constant 0 : i32
      %dma_start3A_71 = tpu.memref_slice %arg2[%dma_start3A_70, %mul3A_62] : memref<2x320000xi32, #tpu.memory_space<hbm>> -> memref<2x128xi32, #tpu.memory_space<hbm>>
      tpu.enqueue_dma source(%dma_start3A_71 : memref<2x128xi32, #tpu.memory_space<hbm>>) target(%dma_start3A_69 : memref<2x128xi32, #tpu.memory_space<vmem>>) target_semaphore(%arg6 : memref<!tpu.dma_semaphore, #tpu.memory_space<semaphore_mem>>)
    }
    %scan3A_24 = arith.constant 78 : i32
    %convert_element_type3A = arith.extui %lt3A_5 : i1 to i32
    %cond3A = arith.constant 0 : i32
    %cond3A_25 = arith.cmpi ne, %convert_element_type3A, %cond3A : i32
    scf.if %cond3A_25 {
      %add3A_55 = arith.constant 78 : i32
      %add3A_56 = arith.addi %add3A_4, %add3A_55 : i32
      %mul3A_57 = arith.constant 128 : i32
      %mul3A_58 = arith.muli %add3A_56, %mul3A_57 : i32
      %dma_start3A = arith.constant 156 : i32
      %dma_start3A_59 = arith.constant 0 : i32
      %dma_start3A_60 = tpu.memref_slice %arg4[%dma_start3A, %dma_start3A_59] : memref<158x128xi32, #tpu.memory_space<vmem>> -> memref<2x128xi32, #tpu.memory_space<vmem>>
      %dma_start3A_61 = arith.constant 0 : i32
      %dma_start3A_62 = tpu.memref_slice %arg2[%dma_start3A_61, %mul3A_58] : memref<2x320000xi32, #tpu.memory_space<hbm>> -> memref<2x128xi32, #tpu.memory_space<hbm>>
      %dma_start3A_63 = arith.constant 156 : i32
      %dma_start3A_64 = arith.constant 0 : i32
      %dma_start3A_65 = tpu.memref_slice %arg4[%dma_start3A_63, %dma_start3A_64] : memref<158x128xi32, #tpu.memory_space<vmem>> -> memref<2x128xi32, #tpu.memory_space<vmem>>
      %dma_start3A_66 = arith.constant 0 : i32
      %dma_start3A_67 = tpu.memref_slice %arg2[%dma_start3A_66, %mul3A_58] : memref<2x320000xi32, #tpu.memory_space<hbm>> -> memref<2x128xi32, #tpu.memory_space<hbm>>
      tpu.enqueue_dma source(%dma_start3A_67 : memref<2x128xi32, #tpu.memory_space<hbm>>) target(%dma_start3A_65 : memref<2x128xi32, #tpu.memory_space<vmem>>) target_semaphore(%arg6 : memref<!tpu.dma_semaphore, #tpu.memory_space<semaphore_mem>>)
    } else {
    }
    %scan3A_26 = arith.constant 0 : i32
    %scan3A_27 = arith.constant 78 : i32
    %scan3A_28 = arith.addi %scan3A_26, %scan3A_27 : i32
    %scan3A_29 = arith.constant 1 : i32
    scf.for %scan3A_55 = %scan3A_26 to %scan3A_28 step %scan3A_29  : i32 {
      %mul3A_56 = arith.constant 1 : i32
      %mul3A_57 = arith.muli %scan3A_55, %mul3A_56 : i32
      %add3A_58 = arith.constant 0 : i32
      %add3A_59 = arith.addi %add3A_58, %mul3A_57 : i32
      %add3A_60 = arith.addi %add3A_4, %add3A_59 : i32
      %mul3A_61 = arith.constant 128 : i32
      %mul3A_62 = arith.muli %add3A_60, %mul3A_61 : i32
      %mul3A_63 = arith.constant 2 : i32
      %mul3A_64 = arith.muli %mul3A_63, %add3A_59 : i32
      %dma_wait3A = arith.constant 0 : i32
      %dma_wait3A_65 = tpu.memref_slice %arg4[%mul3A_64, %dma_wait3A] : memref<158x128xi32, #tpu.memory_space<vmem>> -> memref<2x128xi32, #tpu.memory_space<vmem>>
      %dma_wait3A_66 = arith.constant 0 : i32
      %dma_wait3A_67 = tpu.memref_slice %arg2[%dma_wait3A_66, %mul3A_62] : memref<2x320000xi32, #tpu.memory_space<hbm>> -> memref<2x128xi32, #tpu.memory_space<hbm>>
      %dma_wait3A_68 = arith.constant 0 : i32
      %dma_wait3A_69 = tpu.memref_slice %arg4[%mul3A_64, %dma_wait3A_68] : memref<158x128xi32, #tpu.memory_space<vmem>> -> memref<2x128xi32, #tpu.memory_space<vmem>>
      %dma_wait3A_70 = arith.constant 0 : i32
      %dma_wait3A_71 = tpu.memref_slice %arg2[%dma_wait3A_70, %mul3A_62] : memref<2x320000xi32, #tpu.memory_space<hbm>> -> memref<2x128xi32, #tpu.memory_space<hbm>>
      tpu.wait_dma2 semaphore(%arg6 : memref<!tpu.dma_semaphore, #tpu.memory_space<semaphore_mem>>) src(%dma_wait3A_71 : memref<2x128xi32, #tpu.memory_space<hbm>>) dst(%dma_wait3A_69 : memref<2x128xi32, #tpu.memory_space<vmem>>)
    }
    %scan3A_30 = arith.constant 78 : i32
    %convert_element_type3A_31 = arith.extui %lt3A_5 : i1 to i32
    %cond3A_32 = arith.constant 0 : i32
    %cond3A_33 = arith.cmpi ne, %convert_element_type3A_31, %cond3A_32 : i32
    scf.if %cond3A_33 {
      %add3A_55 = arith.constant 78 : i32
      %add3A_56 = arith.addi %add3A_4, %add3A_55 : i32
      %mul3A_57 = arith.constant 128 : i32
      %mul3A_58 = arith.muli %add3A_56, %mul3A_57 : i32
      %dma_wait3A = arith.constant 156 : i32
      %dma_wait3A_59 = arith.constant 0 : i32
      %dma_wait3A_60 = tpu.memref_slice %arg4[%dma_wait3A, %dma_wait3A_59] : memref<158x128xi32, #tpu.memory_space<vmem>> -> memref<2x128xi32, #tpu.memory_space<vmem>>
      %dma_wait3A_61 = arith.constant 0 : i32
      %dma_wait3A_62 = tpu.memref_slice %arg2[%dma_wait3A_61, %mul3A_58] : memref<2x320000xi32, #tpu.memory_space<hbm>> -> memref<2x128xi32, #tpu.memory_space<hbm>>
      %dma_wait3A_63 = arith.constant 156 : i32
      %dma_wait3A_64 = arith.constant 0 : i32
      %dma_wait3A_65 = tpu.memref_slice %arg4[%dma_wait3A_63, %dma_wait3A_64] : memref<158x128xi32, #tpu.memory_space<vmem>> -> memref<2x128xi32, #tpu.memory_space<vmem>>
      %dma_wait3A_66 = arith.constant 0 : i32
      %dma_wait3A_67 = tpu.memref_slice %arg2[%dma_wait3A_66, %mul3A_58] : memref<2x320000xi32, #tpu.memory_space<hbm>> -> memref<2x128xi32, #tpu.memory_space<hbm>>
      tpu.wait_dma2 semaphore(%arg6 : memref<!tpu.dma_semaphore, #tpu.memory_space<semaphore_mem>>) src(%dma_wait3A_67 : memref<2x128xi32, #tpu.memory_space<hbm>>) dst(%dma_wait3A_65 : memref<2x128xi32, #tpu.memory_space<vmem>>)
    } else {
    }
    %barrier3A = arith.constant 0 : index
    tpu.barrier barrier_id(%barrier3A)
    %scan3A_34 = arith.constant 0 : i32
    %scan3A_35 = arith.constant 78 : i32
    %scan3A_36 = arith.addi %scan3A_34, %scan3A_35 : i32
    %scan3A_37 = arith.constant 1 : i32
    scf.for %scan3A_55 = %scan3A_34 to %scan3A_36 step %scan3A_37  : i32 {
      %mul3A_56 = arith.constant 1 : i32
      %mul3A_57 = arith.muli %scan3A_55, %mul3A_56 : i32
      %add3A_58 = arith.constant 0 : i32
      %add3A_59 = arith.addi %add3A_58, %mul3A_57 : i32
      %mul3A_60 = arith.constant 2 : i32
      %mul3A_61 = arith.muli %mul3A_60, %add3A_59 : i32
      %add3A_62 = arith.constant 1 : i32
      %add3A_63 = arith.addi %mul3A_61, %add3A_62 : i32
      %dma_start3A = arith.constant 0 : i32
      %dma_start3A_64 = tpu.memref_slice %arg4[%add3A_63, %dma_start3A] : memref<158x128xi32, #tpu.memory_space<vmem>> -> memref<1x128xi32, #tpu.memory_space<vmem>>
      %dma_start3A_65 = tpu.memref_squeeze %dma_start3A_64 : memref<1x128xi32, #tpu.memory_space<vmem>> -> memref<128xi32, #tpu.memory_space<vmem>>
      %dma_start3A_66 = arith.constant 0 : i32
      %dma_start3A_67 = arith.constant 0 : i32
      %dma_start3A_68 = tpu.memref_slice %arg8[%dma_start3A_66, %dma_start3A_67] : memref<10240x16xf32, #tpu.memory_space<vmem_shared>> -> memref<10240x16xf32, #tpu.memory_space<vmem_shared>>
      tpu.enqueue_indirect_dma source(%arg5 : memref<128x16xf32, #tpu.memory_space<vmem>>) target(%dma_start3A_68 : memref<10240x16xf32, #tpu.memory_space<vmem_shared>>) offsets(%dma_start3A_65 : memref<128xi32, #tpu.memory_space<vmem>>) semaphore(%arg7 : memref<!tpu.dma_semaphore, #tpu.memory_space<semaphore_mem>>) {add = true}
    }
    %scan3A_38 = arith.constant 78 : i32
    %convert_element_type3A_39 = arith.extui %lt3A_5 : i1 to i32
    %cond3A_40 = arith.constant 0 : i32
    %cond3A_41 = arith.cmpi ne, %convert_element_type3A_39, %cond3A_40 : i32
    scf.if %cond3A_41 {
      %dma_start3A = arith.constant 157 : i32
      %dma_start3A_55 = arith.constant 0 : i32
      %dma_start3A_56 = tpu.memref_slice %arg4[%dma_start3A, %dma_start3A_55] : memref<158x128xi32, #tpu.memory_space<vmem>> -> memref<1x128xi32, #tpu.memory_space<vmem>>
      %dma_start3A_57 = tpu.memref_squeeze %dma_start3A_56 : memref<1x128xi32, #tpu.memory_space<vmem>> -> memref<128xi32, #tpu.memory_space<vmem>>
      %dma_start3A_58 = arith.constant 0 : i32
      %dma_start3A_59 = arith.constant 0 : i32
      %dma_start3A_60 = tpu.memref_slice %arg8[%dma_start3A_58, %dma_start3A_59] : memref<10240x16xf32, #tpu.memory_space<vmem_shared>> -> memref<10240x16xf32, #tpu.memory_space<vmem_shared>>
      tpu.enqueue_indirect_dma source(%arg5 : memref<128x16xf32, #tpu.memory_space<vmem>>) target(%dma_start3A_60 : memref<10240x16xf32, #tpu.memory_space<vmem_shared>>) offsets(%dma_start3A_57 : memref<128xi32, #tpu.memory_space<vmem>>) semaphore(%arg7 : memref<!tpu.dma_semaphore, #tpu.memory_space<semaphore_mem>>) {add = true}
    } else {
    }
    %scan3A_42 = arith.constant 0 : i32
    %scan3A_43 = arith.constant 78 : i32
    %scan3A_44 = arith.addi %scan3A_42, %scan3A_43 : i32
    %scan3A_45 = arith.constant 1 : i32
    scf.for %scan3A_55 = %scan3A_42 to %scan3A_44 step %scan3A_45  : i32 {
      %mul3A_56 = arith.constant 1 : i32
      %mul3A_57 = arith.muli %scan3A_55, %mul3A_56 : i32
      %add3A_58 = arith.constant 0 : i32
      %add3A_59 = arith.addi %add3A_58, %mul3A_57 : i32
      %mul3A_60 = arith.constant 2 : i32
      %mul3A_61 = arith.muli %mul3A_60, %add3A_59 : i32
      %add3A_62 = arith.constant 1 : i32
      %add3A_63 = arith.addi %mul3A_61, %add3A_62 : i32
      %dma_wait3A = arith.constant 0 : i32
      %dma_wait3A_64 = tpu.memref_slice %arg4[%add3A_63, %dma_wait3A] : memref<158x128xi32, #tpu.memory_space<vmem>> -> memref<1x128xi32, #tpu.memory_space<vmem>>
      %dma_wait3A_65 = tpu.memref_squeeze %dma_wait3A_64 : memref<1x128xi32, #tpu.memory_space<vmem>> -> memref<128xi32, #tpu.memory_space<vmem>>
      %dma_wait3A_66 = arith.constant 0 : i32
      %dma_wait3A_67 = arith.constant 0 : i32
      %dma_wait3A_68 = tpu.memref_slice %arg8[%dma_wait3A_66, %dma_wait3A_67] : memref<10240x16xf32, #tpu.memory_space<vmem_shared>> -> memref<10240x16xf32, #tpu.memory_space<vmem_shared>>
      tpu.wait_indirect_dma semaphore(%arg7 : memref<!tpu.dma_semaphore, #tpu.memory_space<semaphore_mem>>) src(%arg5 : memref<128x16xf32, #tpu.memory_space<vmem>>) dst(%dma_wait3A_68 : memref<10240x16xf32, #tpu.memory_space<vmem_shared>>)
    }
    %scan3A_46 = arith.constant 78 : i32
    %convert_element_type3A_47 = arith.extui %lt3A_5 : i1 to i32
    %cond3A_48 = arith.constant 0 : i32
    %cond3A_49 = arith.cmpi ne, %convert_element_type3A_47, %cond3A_48 : i32
    scf.if %cond3A_49 {
      %dma_wait3A = arith.constant 157 : i32
      %dma_wait3A_55 = arith.constant 0 : i32
      %dma_wait3A_56 = tpu.memref_slice %arg4[%dma_wait3A, %dma_wait3A_55] : memref<158x128xi32, #tpu.memory_space<vmem>> -> memref<1x128xi32, #tpu.memory_space<vmem>>
      %dma_wait3A_57 = tpu.memref_squeeze %dma_wait3A_56 : memref<1x128xi32, #tpu.memory_space<vmem>> -> memref<128xi32, #tpu.memory_space<vmem>>
      %dma_wait3A_58 = arith.constant 0 : i32
      %dma_wait3A_59 = arith.constant 0 : i32
      %dma_wait3A_60 = tpu.memref_slice %arg8[%dma_wait3A_58, %dma_wait3A_59] : memref<10240x16xf32, #tpu.memory_space<vmem_shared>> -> memref<10240x16xf32, #tpu.memory_space<vmem_shared>>
      tpu.wait_indirect_dma semaphore(%arg7 : memref<!tpu.dma_semaphore, #tpu.memory_space<semaphore_mem>>) src(%arg5 : memref<128x16xf32, #tpu.memory_space<vmem>>) dst(%dma_wait3A_60 : memref<10240x16xf32, #tpu.memory_space<vmem_shared>>)
    } else {
    }
    %barrier3A_50 = arith.constant 0 : index
    tpu.barrier barrier_id(%barrier3A_50)
    %mul3A_51 = arith.constant 640 : i32
    %mul3A_52 = arith.muli %arg1, %mul3A_51 : i32
    %mul3A_53 = arith.constant 640 : i32
    %mul3A_54 = arith.muli %arg1, %mul3A_53 : i32
    "tpu.region"() ({
      %run_scoped3A = tpu.sem_alloc : memref<!tpu.dma_semaphore, #tpu.memory_space<semaphore_mem>>
      %dma_start3A = arith.constant 0 : i32
      %dma_start3A_55 = tpu.memref_slice %arg3[%arg0, %mul3A_54, %dma_start3A] : memref<2x10240x16xf32, #tpu.memory_space<hbm>> -> memref<1x640x16xf32, #tpu.memory_space<hbm>>
      %dma_start3A_56 = tpu.memref_squeeze %dma_start3A_55 : memref<1x640x16xf32, #tpu.memory_space<hbm>> -> memref<640x16xf32, #tpu.memory_space<hbm>>
      %dma_start3A_57 = arith.constant 0 : i32
      %dma_start3A_58 = tpu.memref_slice %arg8[%mul3A_52, %dma_start3A_57] : memref<10240x16xf32, #tpu.memory_space<vmem_shared>> -> memref<640x16xf32, #tpu.memory_space<vmem_shared>>
      tpu.enqueue_dma source(%dma_start3A_58 : memref<640x16xf32, #tpu.memory_space<vmem_shared>>) target(%dma_start3A_56 : memref<640x16xf32, #tpu.memory_space<hbm>>) target_semaphore(%run_scoped3A : memref<!tpu.dma_semaphore, #tpu.memory_space<semaphore_mem>>)
      %dma_wait3A = arith.constant 0 : i32
      %dma_wait3A_59 = tpu.memref_slice %arg3[%arg0, %mul3A_54, %dma_wait3A] : memref<2x10240x16xf32, #tpu.memory_space<hbm>> -> memref<1x640x16xf32, #tpu.memory_space<hbm>>
      %dma_wait3A_60 = tpu.memref_squeeze %dma_wait3A_59 : memref<1x640x16xf32, #tpu.memory_space<hbm>> -> memref<640x16xf32, #tpu.memory_space<hbm>>
      %dma_wait3A_61 = arith.constant 0 : i32
      %dma_wait3A_62 = tpu.memref_slice %arg8[%mul3A_52, %dma_wait3A_61] : memref<10240x16xf32, #tpu.memory_space<vmem_shared>> -> memref<640x16xf32, #tpu.memory_space<vmem_shared>>
      tpu.wait_dma2 semaphore(%run_scoped3A : memref<!tpu.dma_semaphore, #tpu.memory_space<semaphore_mem>>) src(%dma_wait3A_62 : memref<640x16xf32, #tpu.memory_space<vmem_shared>>) dst(%dma_wait3A_60 : memref<640x16xf32, #tpu.memory_space<hbm>>)
      tpu.yield
    }) : () -> ()
    return
  }
}

module attributes {stable_mosaic.version = 14 : i64} {
  func.func @_tc_mm_body(%arg0: i32, %arg1: memref<1024x128xf32, #tpu.memory_space<vmem>>, %arg2: memref<128x128xf32, #tpu.memory_space<vmem>>, %arg3: memref<1024x128xf32, #tpu.memory_space<vmem>>) attributes {dimension_semantics = [#tpu.dimension_semantics<arbitrary>], iteration_bounds = array<i64: 10>, scalar_prefetch = 0 : i64, scratch_operands = 0 : i64, tpu.core_type = #tpu.core_type<tc>, window_params = [{transform_indices = @transform_0, window_bounds = array<i64: 1024, 128>}, {pipeline_mode = #tpu.pipeline_mode<synchronous>, transform_indices = @transform_1, window_bounds = array<i64: 128, 128>}, {transform_indices = @transform_2, window_bounds = array<i64: 1024, 128>}]} {
    %get3A = arith.constant 0 : index
    %get3A_0 = arith.constant 0 : index
    %get3A_1 = vector.load %arg1[%get3A, %get3A_0] : memref<1024x128xf32, #tpu.memory_space<vmem>>, vector<1024x128xf32>
    %get3A_2 = arith.constant 0 : index
    %get3A_3 = arith.constant 0 : index
    %get3A_4 = vector.load %arg2[%get3A_2, %get3A_3] : memref<128x128xf32, #tpu.memory_space<vmem>>, vector<128x128xf32>
    %dot_general3A = arith.constant dense<0.000000e+00> : vector<1024x128xf32>
    %dot_general3A_5 = tpu.matmul %get3A_1, %get3A_4, %dot_general3A {dimension_numbers = #tpu.dot_dimension_numbers<[1], [0], [0], [1], [0, 0, 1, 1], [], []>, transpose_lhs_hint = false} : vector<1024x128xf32>, vector<128x128xf32>, vector<1024x128xf32> -> vector<1024x128xf32>
    %swap3A = arith.constant 0 : index
    %swap3A_6 = arith.constant 0 : index
    %swap3A_7 = vector.load %arg3[%swap3A, %swap3A_6] : memref<1024x128xf32, #tpu.memory_space<vmem>>, vector<1024x128xf32>
    tpu.vector_store %arg3[%swap3A, %swap3A_6], %dot_general3A_5 {strides = array<i32>} : memref<1024x128xf32, #tpu.memory_space<vmem>>, vector<1024x128xf32>,
    return
  }
  func.func @transform_0(%arg0: i32) -> (i32, i32) {
    %c0_i32 = arith.constant 0 : i32
    %c0_i32_0 = arith.constant 0 : i32
    return %arg0, %c0_i32 : i32, i32
  }
  func.func @transform_1(%arg0: i32) -> (i32, i32) {
    %c0_i32 = arith.constant 0 : i32
    %c0_i32_0 = arith.constant 0 : i32
    %c0_i32_1 = arith.constant 0 : i32
    return %c0_i32, %c0_i32_0 : i32, i32
  }
  func.func @transform_2(%arg0: i32) -> (i32, i32) {
    %c0_i32 = arith.constant 0 : i32
    %c0_i32_0 = arith.constant 0 : i32
    return %arg0, %c0_i32 : i32, i32
  }
}

module attributes {stable_mosaic.version = 14 : i64} {
  func.func @_tc_scale_body(%arg0: i32, %arg1: memref<1024x16xf32, #tpu.memory_space<vmem>>, %arg2: memref<1024x16xf32, #tpu.memory_space<vmem>>, %arg3: memref<1024x128xf32, #tpu.memory_space<vmem>>, %arg4: memref<2x1024x64xf32, #tpu.memory_space<vmem>>, %arg5: memref<1024x1xf32, #tpu.memory_space<vmem>>) attributes {dimension_semantics = [#tpu.dimension_semantics<arbitrary>], iteration_bounds = array<i64: 10>, scalar_prefetch = 0 : i64, scratch_operands = 0 : i64, tpu.core_type = #tpu.core_type<tc>, window_params = [{transform_indices = @transform_0, window_bounds = array<i64: 1024, 16>}, {transform_indices = @transform_1, window_bounds = array<i64: 1024, 16>}, {transform_indices = @transform_2, window_bounds = array<i64: 1024, 128>}, {transform_indices = @transform_3, window_bounds = array<i64: 2, 1024, 64>}, {transform_indices = @transform_4, window_bounds = array<i64: 1024, 1>}]} {
    %get3A = arith.constant 0 : index
    %get3A_0 = arith.constant 0 : index
    %get3A_1 = vector.load %arg1[%get3A, %get3A_0] : memref<1024x16xf32, #tpu.memory_space<vmem>>, vector<1024x16xf32>
    %slice3A = vector.extract_strided_slice %get3A_1 {offsets = [0, 0], sizes = [1024, 1], strides = [1, 1]} : vector<1024x16xf32> to vector<1024x1xf32>
    %get3A_2 = arith.constant 0 : index
    %get3A_3 = arith.constant 0 : index
    %get3A_4 = vector.load %arg2[%get3A_2, %get3A_3] : memref<1024x16xf32, #tpu.memory_space<vmem>>, vector<1024x16xf32>
    %slice3A_5 = vector.extract_strided_slice %get3A_4 {offsets = [0, 0], sizes = [1024, 1], strides = [1, 1]} : vector<1024x16xf32> to vector<1024x1xf32>
    %add3A = arith.addf %slice3A, %slice3A_5 : vector<1024x1xf32>
    %add3A_6 = arith.constant 1.000000e+00 : f32
    %add3A_7 = vector.broadcast %add3A_6 : f32 to vector<1024x1xf32>
    %add3A_8 = arith.addf %add3A, %add3A_7 : vector<1024x1xf32>
    %rsqrt3A = math.rsqrt %add3A_8 : vector<1024x1xf32>
    %get3A_9 = arith.constant 0 : index
    %get3A_10 = arith.constant 0 : index
    %get3A_11 = vector.load %arg3[%get3A_9, %get3A_10] : memref<1024x128xf32, #tpu.memory_space<vmem>>, vector<1024x128xf32>
    %mul3A = vector.broadcast %rsqrt3A : vector<1024x1xf32> to vector<1024x128xf32>
    %mul3A_12 = arith.mulf %get3A_11, %mul3A : vector<1024x128xf32>
    %slice3A_13 = vector.extract_strided_slice %mul3A_12 {offsets = [0, 0], sizes = [1024, 64], strides = [1, 1]} : vector<1024x128xf32> to vector<1024x64xf32>
    %swap3A = arith.constant 0 : index
    %swap3A_14 = arith.constant 0 : index
    %swap3A_15 = arith.constant 0 : index
    %swap3A_16 = vector.load %arg4[%swap3A, %swap3A_14, %swap3A_15] : memref<2x1024x64xf32, #tpu.memory_space<vmem>>, vector<1x1024x64xf32>
    %swap3A_17 = vector.shape_cast %swap3A_16 : vector<1x1024x64xf32> to vector<1024x64xf32>
    %swap3A_18 = vector.shape_cast %slice3A_13 : vector<1024x64xf32> to vector<1x1024x64xf32>
    tpu.vector_store %arg4[%swap3A, %swap3A_14, %swap3A_15], %swap3A_18 {strides = array<i32>} : memref<2x1024x64xf32, #tpu.memory_space<vmem>>, vector<1x1024x64xf32>,
    %slice3A_19 = vector.extract_strided_slice %mul3A_12 {offsets = [0, 64], sizes = [1024, 64], strides = [1, 1]} : vector<1024x128xf32> to vector<1024x64xf32>
    %swap3A_20 = arith.constant 1 : index
    %swap3A_21 = arith.constant 0 : index
    %swap3A_22 = arith.constant 0 : index
    %swap3A_23 = vector.load %arg4[%swap3A_20, %swap3A_21, %swap3A_22] : memref<2x1024x64xf32, #tpu.memory_space<vmem>>, vector<1x1024x64xf32>
    %swap3A_24 = vector.shape_cast %swap3A_23 : vector<1x1024x64xf32> to vector<1024x64xf32>
    %swap3A_25 = vector.shape_cast %slice3A_19 : vector<1024x64xf32> to vector<1x1024x64xf32>
    tpu.vector_store %arg4[%swap3A_20, %swap3A_21, %swap3A_22], %swap3A_25 {strides = array<i32>} : memref<2x1024x64xf32, #tpu.memory_space<vmem>>, vector<1x1024x64xf32>,
    %swap3A_26 = arith.constant 0 : index
    %swap3A_27 = arith.constant 0 : index
    %swap3A_28 = vector.load %arg5[%swap3A_26, %swap3A_27] : memref<1024x1xf32, #tpu.memory_space<vmem>>, vector<1024x1xf32>
    tpu.vector_store %arg5[%swap3A_26, %swap3A_27], %rsqrt3A {strides = array<i32>} : memref<1024x1xf32, #tpu.memory_space<vmem>>, vector<1024x1xf32>,
    return
  }
  func.func @transform_0(%arg0: i32) -> (i32, i32) {
    %c0_i32 = arith.constant 0 : i32
    %c0_i32_0 = arith.constant 0 : i32
    return %arg0, %c0_i32 : i32, i32
  }
  func.func @transform_1(%arg0: i32) -> (i32, i32) {
    %c0_i32 = arith.constant 0 : i32
    %c0_i32_0 = arith.constant 0 : i32
    return %arg0, %c0_i32 : i32, i32
  }
  func.func @transform_2(%arg0: i32) -> (i32, i32) {
    %c0_i32 = arith.constant 0 : i32
    %c0_i32_0 = arith.constant 0 : i32
    return %arg0, %c0_i32 : i32, i32
  }
  func.func @transform_3(%arg0: i32) -> (i32, i32, i32) {
    %c0_i32 = arith.constant 0 : i32
    %c0_i32_0 = arith.constant 0 : i32
    %c0_i32_1 = arith.constant 0 : i32
    return %c0_i32, %arg0, %c0_i32_0 : i32, i32, i32
  }
  func.func @transform_4(%arg0: i32) -> (i32, i32) {
    %c0_i32 = arith.constant 0 : i32
    %c0_i32_0 = arith.constant 0 : i32
    return %arg0, %c0_i32 : i32, i32
  }
}

module attributes {stable_mosaic.version = 14 : i64} {
  func.func @_tc_mid_body(%arg0: i32, %arg1: memref<2x2x1024x64xf32, #tpu.memory_space<vmem>>, %arg2: memref<2x1024x64xf32, #tpu.memory_space<vmem>>, %arg3: memref<1024x1xf32, #tpu.memory_space<vmem>>, %arg4: memref<1x128xf32, #tpu.memory_space<vmem>>, %arg5: memref<128x48xf32, #tpu.memory_space<vmem>>, %arg6: memref<1024x48xf32, #tpu.memory_space<vmem>>) attributes {dimension_semantics = [#tpu.dimension_semantics<arbitrary>], iteration_bounds = array<i64: 10>, scalar_prefetch = 0 : i64, scratch_operands = 0 : i64, tpu.core_type = #tpu.core_type<tc>, window_params = [{transform_indices = @transform_0, window_bounds = array<i64: 2, 2, 1024, 64>}, {transform_indices = @transform_1, window_bounds = array<i64: 2, 1024, 64>}, {transform_indices = @transform_2, window_bounds = array<i64: 1024, 1>}, {pipeline_mode = #tpu.pipeline_mode<synchronous>, transform_indices = @transform_3, window_bounds = array<i64: 1, 128>}, {pipeline_mode = #tpu.pipeline_mode<synchronous>, transform_indices = @transform_4, window_bounds = array<i64: 128, 48>}, {transform_indices = @transform_5, window_bounds = array<i64: 1024, 48>}]} {
    %get3A = arith.constant 0 : index
    %get3A_0 = arith.constant 0 : index
    %get3A_1 = vector.load %arg3[%get3A, %get3A_0] : memref<1024x1xf32, #tpu.memory_space<vmem>>, vector<1024x1xf32>
    %get3A_2 = arith.constant 0 : index
    %get3A_3 = arith.constant 0 : index
    %get3A_4 = arith.constant 0 : index
    %get3A_5 = arith.constant 0 : index
    %get3A_6 = vector.load %arg1[%get3A_2, %get3A_3, %get3A_4, %get3A_5] : memref<2x2x1024x64xf32, #tpu.memory_space<vmem>>, vector<1x1x1024x64xf32>
    %get3A_7 = vector.shape_cast %get3A_6 : vector<1x1x1024x64xf32> to vector<1024x64xf32>
    %get3A_8 = arith.constant 1 : index
    %get3A_9 = arith.constant 0 : index
    %get3A_10 = arith.constant 0 : index
    %get3A_11 = arith.constant 0 : index
    %get3A_12 = vector.load %arg1[%get3A_8, %get3A_9, %get3A_10, %get3A_11] : memref<2x2x1024x64xf32, #tpu.memory_space<vmem>>, vector<1x1x1024x64xf32>
    %get3A_13 = vector.shape_cast %get3A_12 : vector<1x1x1024x64xf32> to vector<1024x64xf32>
    %add3A = arith.addf %get3A_7, %get3A_13 : vector<1024x64xf32>
    %get3A_14 = arith.constant 0 : index
    %get3A_15 = arith.constant 1 : index
    %get3A_16 = arith.constant 0 : index
    %get3A_17 = arith.constant 0 : index
    %get3A_18 = vector.load %arg1[%get3A_14, %get3A_15, %get3A_16, %get3A_17] : memref<2x2x1024x64xf32, #tpu.memory_space<vmem>>, vector<1x1x1024x64xf32>
    %get3A_19 = vector.shape_cast %get3A_18 : vector<1x1x1024x64xf32> to vector<1024x64xf32>
    %get3A_20 = arith.constant 1 : index
    %get3A_21 = arith.constant 1 : index
    %get3A_22 = arith.constant 0 : index
    %get3A_23 = arith.constant 0 : index
    %get3A_24 = vector.load %arg1[%get3A_20, %get3A_21, %get3A_22, %get3A_23] : memref<2x2x1024x64xf32, #tpu.memory_space<vmem>>, vector<1x1x1024x64xf32>
    %get3A_25 = vector.shape_cast %get3A_24 : vector<1x1x1024x64xf32> to vector<1024x64xf32>
    %add3A_26 = arith.addf %get3A_19, %get3A_25 : vector<1024x64xf32>
    %concatenate3A = tpu.concatenate %add3A, %add3A_26 in 1 : vector<1024x64xf32>, vector<1024x64xf32> -> vector<1024x128xf32>
    %get3A_27 = arith.constant 0 : index
    %get3A_28 = arith.constant 0 : index
    %get3A_29 = arith.constant 0 : index
    %get3A_30 = vector.load %arg2[%get3A_27, %get3A_28, %get3A_29] : memref<2x1024x64xf32, #tpu.memory_space<vmem>>, vector<1x1024x64xf32>
    %get3A_31 = vector.shape_cast %get3A_30 : vector<1x1024x64xf32> to vector<1024x64xf32>
    %get3A_32 = arith.constant 1 : index
    %get3A_33 = arith.constant 0 : index
    %get3A_34 = arith.constant 0 : index
    %get3A_35 = vector.load %arg2[%get3A_32, %get3A_33, %get3A_34] : memref<2x1024x64xf32, #tpu.memory_space<vmem>>, vector<1x1024x64xf32>
    %get3A_36 = vector.shape_cast %get3A_35 : vector<1x1024x64xf32> to vector<1024x64xf32>
    %concatenate3A_37 = tpu.concatenate %get3A_31, %get3A_36 in 1 : vector<1024x64xf32>, vector<1024x64xf32> -> vector<1024x128xf32>
    %sub3A = arith.subf %concatenate3A, %concatenate3A_37 : vector<1024x128xf32>
    %mul3A = vector.broadcast %get3A_1 : vector<1024x1xf32> to vector<1024x128xf32>
    %mul3A_38 = arith.mulf %mul3A, %sub3A : vector<1024x128xf32>
    %get3A_39 = arith.constant 0 : index
    %get3A_40 = arith.constant 0 : index
    %get3A_41 = vector.load %arg4[%get3A_39, %get3A_40] : memref<1x128xf32, #tpu.memory_space<vmem>>, vector<1x128xf32>
    %add3A_42 = vector.broadcast %get3A_41 : vector<1x128xf32> to vector<1024x128xf32>
    %add3A_43 = arith.addf %mul3A_38, %add3A_42 : vector<1024x128xf32>
    %max3A = arith.constant 0.000000e+00 : f32
    %max3A_44 = vector.broadcast %max3A : f32 to vector<1024x128xf32>
    %max3A_45 = arith.maximumf %add3A_43, %max3A_44 : vector<1024x128xf32>
    %get3A_46 = arith.constant 0 : index
    %get3A_47 = arith.constant 0 : index
    %get3A_48 = vector.load %arg5[%get3A_46, %get3A_47] : memref<128x48xf32, #tpu.memory_space<vmem>>, vector<128x48xf32>
    %dot_general3A = arith.constant dense<0.000000e+00> : vector<1024x48xf32>
    %dot_general3A_49 = tpu.matmul %max3A_45, %get3A_48, %dot_general3A {dimension_numbers = #tpu.dot_dimension_numbers<[1], [0], [0], [1], [0, 0, 1, 1], [], []>, transpose_lhs_hint = false} : vector<1024x128xf32>, vector<128x48xf32>, vector<1024x48xf32> -> vector<1024x48xf32>
    %mul3A_50 = vector.broadcast %get3A_1 : vector<1024x1xf32> to vector<1024x48xf32>
    %mul3A_51 = arith.mulf %mul3A_50, %dot_general3A_49 : vector<1024x48xf32>
    %swap3A = arith.constant 0 : index
    %swap3A_52 = arith.constant 0 : index
    %swap3A_53 = vector.load %arg6[%swap3A, %swap3A_52] : memref<1024x48xf32, #tpu.memory_space<vmem>>, vector<1024x48xf32>
    tpu.vector_store %arg6[%swap3A, %swap3A_52], %mul3A_51 {strides = array<i32>} : memref<1024x48xf32, #tpu.memory_space<vmem>>, vector<1024x48xf32>,
    return
  }
  func.func @transform_0(%arg0: i32) -> (i32, i32, i32, i32) {
    %c0_i32 = arith.constant 0 : i32
    %c0_i32_0 = arith.constant 0 : i32
    %c0_i32_1 = arith.constant 0 : i32
    %c0_i32_2 = arith.constant 0 : i32
    return %c0_i32, %c0_i32_0, %arg0, %c0_i32_1 : i32, i32, i32, i32
  }
  func.func @transform_1(%arg0: i32) -> (i32, i32, i32) {
    %c0_i32 = arith.constant 0 : i32
    %c0_i32_0 = arith.constant 0 : i32
    %c0_i32_1 = arith.constant 0 : i32
    return %c0_i32, %arg0, %c0_i32_0 : i32, i32, i32
  }
  func.func @transform_2(%arg0: i32) -> (i32, i32) {
    %c0_i32 = arith.constant 0 : i32
    %c0_i32_0 = arith.constant 0 : i32
    return %arg0, %c0_i32 : i32, i32
  }
  func.func @transform_3(%arg0: i32) -> (i32, i32) {
    %c0_i32 = arith.constant 0 : i32
    %c0_i32_0 = arith.constant 0 : i32
    %c0_i32_1 = arith.constant 0 : i32
    return %c0_i32, %c0_i32_0 : i32, i32
  }
  func.func @transform_4(%arg0: i32) -> (i32, i32) {
    %c0_i32 = arith.constant 0 : i32
    %c0_i32_0 = arith.constant 0 : i32
    %c0_i32_1 = arith.constant 0 : i32
    return %c0_i32, %c0_i32_0 : i32, i32
  }
  func.func @transform_5(%arg0: i32) -> (i32, i32) {
    %c0_i32 = arith.constant 0 : i32
    %c0_i32_0 = arith.constant 0 : i32
    return %arg0, %c0_i32 : i32, i32
  }
}

module attributes {stable_mosaic.version = 14 : i64} {
  func.func @_tc_post_body(%arg0: i32, %arg1: memref<2x1024x48xf32, #tpu.memory_space<vmem>>, %arg2: memref<1024x48xf32, #tpu.memory_space<vmem>>, %arg3: memref<1024x1xf32, #tpu.memory_space<vmem>>, %arg4: memref<1x48xf32, #tpu.memory_space<vmem>>, %arg5: memref<1024x48xf32, #tpu.memory_space<vmem>>) attributes {dimension_semantics = [#tpu.dimension_semantics<arbitrary>], iteration_bounds = array<i64: 10>, scalar_prefetch = 0 : i64, scratch_operands = 0 : i64, tpu.core_type = #tpu.core_type<tc>, window_params = [{transform_indices = @transform_0, window_bounds = array<i64: 2, 1024, 48>}, {transform_indices = @transform_1, window_bounds = array<i64: 1024, 48>}, {transform_indices = @transform_2, window_bounds = array<i64: 1024, 1>}, {pipeline_mode = #tpu.pipeline_mode<synchronous>, transform_indices = @transform_3, window_bounds = array<i64: 1, 48>}, {transform_indices = @transform_4, window_bounds = array<i64: 1024, 48>}]} {
    %get3A = arith.constant 0 : index
    %get3A_0 = arith.constant 0 : index
    %get3A_1 = vector.load %arg3[%get3A, %get3A_0] : memref<1024x1xf32, #tpu.memory_space<vmem>>, vector<1024x1xf32>
    %get3A_2 = arith.constant 0 : index
    %get3A_3 = arith.constant 0 : index
    %get3A_4 = arith.constant 0 : index
    %get3A_5 = vector.load %arg1[%get3A_2, %get3A_3, %get3A_4] : memref<2x1024x48xf32, #tpu.memory_space<vmem>>, vector<1x1024x48xf32>
    %get3A_6 = vector.shape_cast %get3A_5 : vector<1x1024x48xf32> to vector<1024x48xf32>
    %get3A_7 = arith.constant 1 : index
    %get3A_8 = arith.constant 0 : index
    %get3A_9 = arith.constant 0 : index
    %get3A_10 = vector.load %arg1[%get3A_7, %get3A_8, %get3A_9] : memref<2x1024x48xf32, #tpu.memory_space<vmem>>, vector<1x1024x48xf32>
    %get3A_11 = vector.shape_cast %get3A_10 : vector<1x1024x48xf32> to vector<1024x48xf32>
    %add3A = arith.addf %get3A_6, %get3A_11 : vector<1024x48xf32>
    %get3A_12 = arith.constant 0 : index
    %get3A_13 = arith.constant 0 : index
    %get3A_14 = vector.load %arg2[%get3A_12, %get3A_13] : memref<1024x48xf32, #tpu.memory_space<vmem>>, vector<1024x48xf32>
    %sub3A = arith.subf %add3A, %get3A_14 : vector<1024x48xf32>
    %mul3A = vector.broadcast %get3A_1 : vector<1024x1xf32> to vector<1024x48xf32>
    %mul3A_15 = arith.mulf %mul3A, %sub3A : vector<1024x48xf32>
    %get3A_16 = arith.constant 0 : index
    %get3A_17 = arith.constant 0 : index
    %get3A_18 = vector.load %arg4[%get3A_16, %get3A_17] : memref<1x48xf32, #tpu.memory_space<vmem>>, vector<1x48xf32>
    %add3A_19 = vector.broadcast %get3A_18 : vector<1x48xf32> to vector<1024x48xf32>
    %add3A_20 = arith.addf %mul3A_15, %add3A_19 : vector<1024x48xf32>
    %swap3A = arith.constant 0 : index
    %swap3A_21 = arith.constant 0 : index
    %swap3A_22 = vector.load %arg5[%swap3A, %swap3A_21] : memref<1024x48xf32, #tpu.memory_space<vmem>>, vector<1024x48xf32>
    tpu.vector_store %arg5[%swap3A, %swap3A_21], %add3A_20 {strides = array<i32>} : memref<1024x48xf32, #tpu.memory_space<vmem>>, vector<1024x48xf32>,
    return
  }
  func.func @transform_0(%arg0: i32) -> (i32, i32, i32) {
    %c0_i32 = arith.constant 0 : i32
    %c0_i32_0 = arith.constant 0 : i32
    %c0_i32_1 = arith.constant 0 : i32
    return %c0_i32, %arg0, %c0_i32_0 : i32, i32, i32
  }
  func.func @transform_1(%arg0: i32) -> (i32, i32) {
    %c0_i32 = arith.constant 0 : i32
    %c0_i32_0 = arith.constant 0 : i32
    return %arg0, %c0_i32 : i32, i32
  }
  func.func @transform_2(%arg0: i32) -> (i32, i32) {
    %c0_i32 = arith.constant 0 : i32
    %c0_i32_0 = arith.constant 0 : i32
    return %arg0, %c0_i32 : i32, i32
  }
  func.func @transform_3(%arg0: i32) -> (i32, i32) {
    %c0_i32 = arith.constant 0 : i32
    %c0_i32_0 = arith.constant 0 : i32
    %c0_i32_1 = arith.constant 0 : i32
    return %c0_i32, %c0_i32_0 : i32, i32
  }
  func.func @transform_4(%arg0: i32) -> (i32, i32) {
    %c0_i32 = arith.constant 0 : i32
    %c0_i32_0 = arith.constant 0 : i32
    return %arg0, %c0_i32 : i32, i32
  }
}

</mosaic_0001>

<sc_bundles>
// kernel: kernel.12.cloned.1.call-start
scs
__scs_entry_jumppad:
0x0: {  	(pc) =	sbr.rel $0x88, $3  }
0x1: {  	(tag) =	ssettag $0x0;
	lr =	simm.s32 $0x1  }
0x2: {  	[smem:$0x3F9B] =	sst lr;
	_ =	strace $0xD0000000  }
0x3: {  	_ = 	snop  }
0x4: {  	_ = 	snop  }
0x5: {  	_ = 	snop  }
0x6: {  	_ = 	snop  }
0x7: {  	_ = 	snop  }
__scs_overlays_trampoline_lowered:
0x8: {  	[smem:$0x3FAA] =	sst s0  }
0x9: {  	[smem:$0x3FAB] =	sst s1  }
0xa: {  	[smem:$0x3FAC] =	sst s2  }
0xb: {  	[smem:$0x3FAD] =	sst s3  }
0xc: {  	[smem:$0x3FAE] =	sst s4  }
0xd: {  	[smem:$0x3FAF] =	sst s5  }
0xe: {  	[smem:$0x3FB0] =	sst s6  }
0xf: {  	[smem:$0x3FB1] =	sst s7  }
0x10: {  	[smem:$0x3FB2] =	sst s8  }
0x11: {  	[smem:$0x3FB3] =	sst s9;
	s0 =	simm.s32 @!p0 $0x0  }
0x12: {  	s1 =	sld [smem:$0x3F99];
	s0 =	simm.s32 @p0 $0x1  }
0x13: {  	[smem:$0x3FB4] =	sst s0;
	s0 =	simm.s32 @!p1 $0x0  }
0x14: {  	s2 =	sld [smem:$0x3F98];
	s0 =	simm.s32 @p1 $0x1  }
0x15: {  	[smem:$0x3FB5] =	sst s0;
	s0 =	simm.s32 @!p2 $0x0  }
0x16: {  	s3 =	sld [smem:$0x3FDB];
	s0 =	simm.s32 @p2 $0x1  }
0x17: {  	s4 =	simm.s32 $0x1BF5;
	[smem:$0x3FB7] =	sst s0  }
0x18: {  	s0 =	sld [smem:$0x3F9A];
	_ =	swait.ge [sflag:s4], $0x0  }
0x19: {  	s7 =	sld [smem:$0x3F9B]  }
0x1a: {  	s8 =	sadd.s32 $0xFFFFE003, lr  }
0x1b: {  	s9 =	sadd.s32 $0xFFFFFEF7, lr;
	s5 =	simm.s32 $0xFFFFFFFF;
	p2 =	slt.u32 s8, $0xFFFFF086  }
0x1c: {  	p1 =	slt.u32 s9, $0xF7A;
	s5 =	simm.s32 @!p2 $0x0  }
0x1d: {  	s5 =	simm.s32 @p1 $0x1;
	p0 =	seq.s32 s7, s2  }
0x1e: {  	s7 =	smul.u32 @!p0 $0xF7A, s2;
	p2 =	seq.s32 @!p0 s5, $0x0  }
0x1f: {  	s9 =	smul.u32 $0xF7A, s1;
	s8 =	simm.s32 @!p0 $0x1BF5;
	p2 =	por !p2, p0  }
0x20: {  	[sflag:s8] =	ssyncset.s32 @!p0 $0xFFFFF086;
	s6 =	sadd.s32 @!p0 s3, s7;
	s7 =	simm.s32 @!p0 $0x108  }
0x21: {  	s3 =	sadd.s32 s3, s9;
	s6 =	sadd.s32 @!p0 $0x88, s6;
	s7 =	simm.s32 @p2 $0x1082  }
0x22: {  	[simem:s7], [sflag:s8] =	dma.local @!p0 [hbm:s6], $0xF7A  }
0x23: {  	s9 =	sor.u32 $0xD0000000, s2;
	s6 =	simm.s32 $0x108;
	_ =	swait.ge @!p0 [sflag:s8], $0x0  }
0x24: {  	s3 =	sadd.s32 $0x88, s3;
	s6 =	simm.s32 @!p1 $0x1082;
	[sflag:s4] =	ssyncset.s32 $0xFFFFF086  }
0x25: {  	[simem:s6], [sflag:s4] =	dma.local [hbm:s3], $0xF7A  }
0x26: {  	[smem:$0x3F9B] =	sst s1;
	(tag) =	ssettag s2;
	_ =	strace s9  }
0x27: {  	s1 =	sld [smem:$0x3FAB]  }
0x28: {  	s2 =	sld [smem:$0x3FAC]  }
0x29: {  	s4 =	sld [smem:$0x3FAE]  }
0x2a: {  	p0 =	seq.s32 s5, $0x0;
	s5 =	sld [smem:$0x3FAF]  }
0x2b: {  	s6 =	sld [smem:$0x3FB0]  }
0x2c: {  	s7 =	sld [smem:$0x3FB1]  }
0x2d: {  	s3 =	simm.s32 $0x108;
	s8 =	sld [smem:$0x3FB2]  }
0x2e: {  	s3 =	simm.s32 @!p0 $0x1082;
	s9 =	sld [smem:$0x3FB3]  }
0x2f: {  	lr =	sadd.s32 s0, s3;
	s0 =	sld [smem:$0x3FAA]  }
0x30: {  	s3 =	sld [smem:$0x3FAD]  }
0x31: {  	[smem:$0x3FB6] =	sst s10  }
0x32: {  	s10 =	sld [smem:$0x3FB4];
	_ =	sdelay $0x3  }
0x33: {  	p0 =	seq.s32 s10, $0x1;
	s10 =	sld [smem:$0x3FB6];
	_ =	sdelay $0x3  }
0x34: {  	[smem:$0x3FB6] =	sst s10  }
0x35: {  	s10 =	sld [smem:$0x3FB5];
	_ =	sdelay $0x3  }
0x36: {  	p1 =	seq.s32 s10, $0x1;
	s10 =	sld [smem:$0x3FB6];
	_ =	sdelay $0x3  }
0x37: {  	[smem:$0x3FB6] =	sst s10  }
0x38: {  	s10 =	sld [smem:$0x3FB7]  }
0x39: {  	_ = 	snop;
	(pc) =	sbr.ind lr, $3  }
0x3a: {  	_ = 	snop  }
0x3b: {  	_ = 	snop  }
0x3c: {  	p2 =	seq.s32 s10, $0x1;
	s10 =	sld [smem:$0x3FB6]  }
0x3d: {  	_ =	shalt  }
0x3e: {  	_ =	shalt  }
0x3f: {  	_ =	shalt  }
0x40: {  	_ =	shalt  }
0x41: {  	_ =	shalt  }
0x42: {  	_ =	shalt  }
0x43: {  	_ =	shalt  }
0x44: {  	_ =	shalt  }
0x45: {  	_ =	shalt  }
0x46: {  	_ =	shalt  }
0x47: {  	_ =	shalt  }
0x48: {  	_ =	shalt  }
0x49: {  	_ =	shalt  }
0x4a: {  	_ =	shalt  }
0x4b: {  	_ =	shalt  }
0x4c: {  	_ =	shalt  }
0x4d: {  	_ =	shalt  }
0x4e: {  	_ =	shalt  }
0x4f: {  	_ =	shalt  }
0x50: {  	_ =	shalt  }
0x51: {  	_ =	shalt  }
0x52: {  	_ =	shalt  }
0x53: {  	_ =	shalt  }
0x54: {  	_ =	shalt  }
0x55: {  	_ =	shalt  }
0x56: {  	_ =	shalt  }
0x57: {  	_ =	shalt  }
0x58: {  	_ =	shalt  }
0x59: {  	_ =	shalt  }
0x5a: {  	_ =	shalt  }
0x5b: {  	_ =	shalt  }
0x5c: {  	_ =	shalt  }
0x5d: {  	_ =	shalt  }
0x5e: {  	_ =	shalt  }
0x5f: {  	_ =	shalt  }
0x60: {  	_ =	shalt  }
0x61: {  	_ =	shalt  }
0x62: {  	_ =	shalt  }
0x63: {  	_ =	shalt  }
0x64: {  	_ =	shalt  }
0x65: {  	_ =	shalt  }
0x66: {  	_ =	shalt  }
0x67: {  	_ =	shalt  }
0x68: {  	_ =	shalt  }
0x69: {  	_ =	shalt  }
0x6a: {  	_ =	shalt  }
0x6b: {  	_ =	shalt  }
0x6c: {  	_ =	shalt  }
0x6d: {  	_ =	shalt  }
0x6e: {  	_ =	shalt  }
0x6f: {  	_ =	shalt  }
0x70: {  	_ =	shalt  }
0x71: {  	_ =	shalt  }
0x72: {  	_ =	shalt  }
0x73: {  	_ =	shalt  }
0x74: {  	_ =	shalt  }
0x75: {  	_ =	shalt  }
0x76: {  	_ =	shalt  }
0x77: {  	_ =	shalt  }
0x78: {  	_ =	shalt  }
0x79: {  	_ =	shalt  }
0x7a: {  	_ =	shalt  }
0x7b: {  	_ =	shalt  }
0x7c: {  	_ =	shalt  }
0x7d: {  	_ =	shalt  }
0x7e: {  	_ =	shalt  }
0x7f: {  	_ =	shalt  }
0x80: {  	_ =	shalt  }
0x81: {  	_ =	shalt  }
0x82: {  	_ =	shalt  }
0x83: {  	_ =	shalt  }
0x84: {  	_ =	shalt  }
0x85: {  	_ =	shalt  }
0x86: {  	_ =	shalt  }
0x87: {  	_ =	shalt  }
.Lfunc_end0:
.L_simem_size_0:
called_computation.1_lowered:
.L_overlay_start_0:
0x88: {  	s2 =	sld [smem:$0x3FD9]  }
0x89: {  	s3 =	sld [smem:$0x3FFE];
	_ =	sdelay $0x1  }
0x8a: {  	s1 =	srdreg.scid  }
0x8b: {  	s0 =	sand.u32 $0x1, s1  }
0x8c: {  	s16 =	sshll.u32 s0, $0xA;
	s2 =	sadd.s32 s3, s2  }
0x8d: {  	s2 =	sadd.s32 s2, s16  }
0x8e: {  	[smem:$0x3FC2] =	sst s2  }
0x8f: {  	_ = 	snop  }
0x90: {  	(tm) =	ssettm $0x1  }
0x91: {  	s17 =	sld [smem:$0x3FFB];
	_ =	sdelay $0x3  }
0x92: {  	_ =	strace s17  }
0x93: {  	s2 =	sld [smem:$0x3FFC];
	_ =	sdelay $0x3  }
0x94: {  	_ =	strace s2  }
0x95: {  	s2 =	sld [smem:$0x3FFD];
	_ =	sdelay $0x3  }
0x96: {  	_ =	strace s2  }
0x97: {  	_ =	strace $0x8FFFFFFF  }
0x98: {  	s18 =	sld [smem:$0x3FDB];
	_ =	sdelay $0x1  }
0x99: {  	s19 =	simm.s32 $_scs_section_size  }
0x9a: {  	s4 =	simm.s32 $_size__tile_overlayer_lowered;
	s5 =	simm.s32 $_tile_overlayer_lowered  }
0x9b: {  	s22 =	simm.s32 $0x1BFF;
	s21 =	sshll.u32 s5, $0x1;
	s2 =	sadd.s32 s19, s18  }
0x9c: {  	s6 =	simm.s32 $0x0;
	s20 =	sshll.u32 s4, $0x1;
	s4 =	sadd.s32 s21, s2  }
0x9d: {  	[timem:s6], [sflag:s22] =	dma.local [hbm:s4], s20  }
0x9e: {  	_ =	swait.ge [sflag:s22], s20  }
0x9f: {  	s3 =	ssub.s32 $0x0, s20;
	[sflag:s22] =	ssyncset.done $0x0  }
0xa0: {  	[sflag:s22] =	ssyncadd.s32 s3;
	_ =	sdelay $0x1  }
0xa1: {  	s23 =	simm.s32 $0x1B8B  }
0xa2: {  	_ =	swait.ge [sflag:s23], $0x1  }
0xa3: {  	[sflag:s23] =	ssyncset.done $0x0  }
0xa4: {  	s25 =	simm.s32 $0x1B8E;
	s24 =	sld [smem:$0x3FFE];
	[sflag:s23] =	ssyncadd.s32 $0xFFFFFFFF  }
0xa5: {  	s26 =	simm.s32 $execute0_lowered;
	[smem:$0x3FD2] =	sst s25  }
0xa6: {  	s4 =	sshll.u32 s26, $0x1;
	_ =	strace $0x80000049;
	[dreg:$0x1] =	wrdreg $0xFFFFFFFF  }
0xa7: {  	s28 =	simm.s32 $_size_execute0_lowered;
	s2 =	sadd.s32 s2, s4;
	[dreg:$0x0] =	wrdreg $0x0  }
0xa8: {  	s4 =	sshll.u32 s28, $0x1;
	[dreg:$0x2] =	wrdreg s2  }
0xa9: {  	[dreg:$0x3] =	wrdreg s4  }
0xaa: {  	[dreg:$0x4] =	wrdreg $0xC0  }
0xab: {  	_ =	task [dreg:s6], $0x5FFFF  }
0xac: {  	[dreg:$0x1] =	wrdreg $0xFFFFFFFF  }
0xad: {  	[dreg:$0x0] =	wrdreg $0x60  }
0xae: {  	[dreg:$0x2] =	wrdreg s24  }
0xaf: {  	[dreg:$0x3] =	wrdreg $0x8F000  }
0xb0: {  	[dreg:$0x4] =	wrdreg $0x12F000  }
0xb1: {  	[dreg:$0x5] =	wrdreg $0x9  }
0xb2: {  	_ =	task.clear_ibuf [dreg:s6], $0x6FFFF;
	_ =	strace $0x90000049  }
0xb3: {  	s29 =	simm.s32 $0x9;
	_ =	strace $0x8000004B  }
0xb4: {  	_ =	swait.ge [sflag:s29], $0x1  }
0xb5: {  	[sflag:s29] =	ssyncadd.s32 $0xFFFFFFFF  }
0xb6: {  	_ =	strace $0x9000004B  }
0xb7: {  	_ =	sfence  }
0xb8: {  	s30 =	sld [smem:$0x0];
	_ =	sdelay $0x2  }
0xb9: {  	s31 =	sshll.u32 s1, $0xD;
	s1 =	sshrl.u32 s1, $0x2  }
0xba: {  	s3 =	sand.u32 $0x4000, s31;
	s1 =	sadd.s32 s1, s30  }
0xbb: {  	s0 =	sor.u32 s3, s0;
	s1 =	sshll.u32 s1, $0x11  }
0xbc: {  	s0 =	sor.u32 s1, s0  }
0xbd: {  	s0 =	sadd.s32 $0x8F2B, s0  }
0xbe: {  	[sflag:s0] =	ssyncadd.remote.s32 $0x1  }
0xbf: {  	_ =	sfence.sel $0xFFFF  }
0xc0: {  	[dreg:$0x0] =	wrdreg $0xFFFFFFFF;
	(pc) =	sbr.abs _section_cstart, $3  }
0xc1: {  	[dreg:$0x1] =	wrdreg $0xFFFFFFFF  }
0xc2: {  	_ =	task.clear_ibuf [dreg:s6], $0x2FFFF;
	_ =	strace $0x9FFFFFFF  }
0xc3: {  	(tm) =	ssettm $0x7FFFFFFF  }
tec
execute0_lowered:
.L_overlay_start_1:
0x0: {  	(tag) =	ssettag $0x1  }
0x1: {  	s0 =	rddreg [dreg:$0x0]  }
0x2: {  	s2 =	rddreg [dreg:$0x1]  }
0x3: {  	s3 =	rddreg [dreg:$0x2];
	s1 =	stileid.u32  }
0x4: {  	s5 =	srdreg.scid;
	s4 =	simm.s32 $0x0;
	s17 =	simm.s32 $0x6  }
0x5: {  	s18 =	simm.s32 $0x4F00;
	s19 =	simm.s32 $0x2;
	s20 =	simm.s32 $0x100  }
0x6: {  	s21 =	simm.s32 $0x6F00;
	s22 =	simm.s32 $0x3;
	s23 =	simm.s32 $0x4  }
0x7: {  	s24 =	simm.s32 $0x5;
	s8 =	smul.u32 $0xA000, s1;
	s5 =	sand.u32 $0x1, s5  }
0x8: {  	[smem:$0x7FF] =	sst s4;
	s13 =	sadd.s32 $0x52800, s0;
	s12 =	smul.u32 $0x4E, s1  }
0x9: {  	s6 =	smul.u32 $0x140000, s5;
	s7 =	sshll.u32 s5, $0x4;
	_ =	strace $0x8000004A  }
0xa: {  	s28 =	ssub.s32 $0x2, s5;
	s29 =	smul.u32 $0x4E0, s5;
	s16 =	sor.u32 s1, s7  }
0xb: {  	s25 =	sshrl.u32 s8, $0x3;
	s30 =	sshrl.u32 s28, $0x1;
	s6 =	sadd.s32 s8, s6  }
0xc: {  	s9 =	smul.u32 $0x4E, s16;
	s10 =	sadd.s32 s25, s0;
	s11 =	smin.u32 s16, $0x4  }
0xd: {  	s14 =	ssub.s32 s28, s30;
	s12 =	sadd.s32 s12, s29;
	p0 =	sgt.u32 s16, $0x3  }
0xe: {  	s16 =	simm.s32 $0x1;
	s25 =	simm.s32 $0x4D80;
	s6 =	sshrl.u32 s6, $0x3  }
0xf: {  	s7 =	sadd.s32 $0x66200, s10;
	s10 =	sadd.s32 $0x7A200, s10;
	s15 =	sadd.s32 s11, s12  }
0x10: {  	s12 =	smax.u32 s14, $0x1;
	s14 =	simm.s32 $0x80;
	s0 =	sadd.s32 s6, s0  }
0x11: {  	s26 =	sadd.s32 s11, s9;
	s31 =	sshll.u32 s15, $0x4;
	s15 =	simm.s32 $0x4E200  }
0x12: {  	s6 =	sshll.u32 s26, $0x4;
	s9 =	sadd.s32 $0x8E200, s0;
	s11 =	sadd.s32 $0xA2200, s0  }
0x13: {  	s26 =	simm.s32 $0x0;
	s6 =	sadd.s32 s6, s13;
	s13 =	sadd.s32 s31, s13  }
0x14: {  	s5 =	sadd.s32 $0x4E0, s6;
	s6 =	sadd.s32 s8, s2;
	s8 =	sadd.s32 s8, s3  }
.LBB2_1:
0x15: {  	s28 =	simm.s32 $0x10  }
0x16: {  	s31 =	sadd.s32 $0x0, s13;
	s29 =	simm.s32 $0x100;
	s30 =	simm.s32 $0x0  }
.LBB2_2:
0x17: {  	[tilespmem:s30], [sflag:$0x1] =	stream.strided.gather [hbm4b:s31+s14], $0x100, s15, s14, $0x38;
	[tilespmem:$0x1CF00] =	vst v63  }
0x18: {  	s0 =	smov.u32 s28;
	s30 =	smov.u32 s29;
	p1 =	sne.s32 s28, $0x4D0  }
.Ltmp0:
0x19: {  	s28 =	sadd.s32 $0x10, s28;
	(pc) =	sbr.rel @p1 .LBB2_2-.Ltmp0, $2  }
0x1a: {  	_ =	sdelay $0x2  }
0x1b: {  	s29 =	sadd.s32 $0x100, s29;
	s31 =	sadd.s32 s0, s13  }
0x1c: {  	[tilespmem:s30], [sflag:$0x1] =	stream.strided.gather [hbm4b:s31+s14], $0x100, s15, s14, $0x38;
	[tilespmem:$0x1CF00] =	vst v63  }
0x1d: {  	s0 =	simm.s32 @!p0 $0x80;
	s28 =	simm.s32 @!p0 $0x4E200;
	s29 =	simm.s32 @!p0 $0x4E00  }
0x1e: {  	[tilespmem:s29], [sflag:$0x1] =	stream.strided.gather @!p0 [hbm4b:s5+s0], $0x100, s28, s0, $0x38;
	[tilespmem:$0x1CF00] =	vst v63  }
0x1f: {  	_ =	swait.ge [sflag:s16], $0x100  }
0x20: {  	s28 =	simm.s32 $0x4D;
	[sflag:s16] =	ssyncset.done $0x0  }
.LBB2_4:
0x21: {  	p1 =	sne.s32 s28, $0x1;
	s28 =	sadd.s32 $0xFFFFFFFF, s28;
	[sflag:s16] =	ssyncadd.s32 $0xFFFFFF00  }
.Ltmp1:
0x22: {  	(pc) =	sbr.rel @p1 .LBB2_4-.Ltmp1, $3  }
0x23: {  	_ =	sdelay $0x1  }
0x24: {  	_ =	swait.ge [sflag:s16], $0x100  }
0x25: {  	[sflag:s16] =	ssyncset.done $0x0  }
0x26: {  	[sflag:s16] =	ssyncadd.s32 $0xFFFFFF00;
	s0 =	simm.s32 @!p0 $0x1  }
0x27: {  	s1 =	stileid.u32;
	_ =	swait.ge @!p0 [sflag:s0], $0x100  }
0x28: {  	s28 =	sshll.u32 s1, $0x6;
	[sflag:s0] =	ssyncset.done @!p0 $0x0  }
0x29: {  	s30 =	sshrl.u32 s6, $0x3;
	s28 =	sor.u32 $0x1C06, s28;
	[sflag:s0] =	ssyncadd.s32 @!p0 $0xFFFFFF00  }
0x2a: {  	[spmem:s30], [sflag:s28] =	dma.local [hbm:s7], $0x1400  }
0x2b: {  	_ =	swait.ge [sflag:s17], $0x1400  }
0x2c: {  	[sflag:s17] =	ssyncset.done $0x0  }
0x2d: {  	s29 =	sshrl.u32 s8, $0x3;
	[sflag:s17] =	ssyncadd.s32 $0xFFFFEC00  }
0x2e: {  	[spmem:s29], [sflag:s28] =	dma.local [hbm:s7], $0x1400  }
0x2f: {  	_ =	swait.ge [sflag:s17], $0x1400  }
0x30: {  	[sflag:s17] =	ssyncset.done $0x0  }
0x31: {  	[sflag:s17] =	ssyncadd.s32 $0xFFFFEC00  }
0x32: {  	[bflag:$0x0] =	sbarrier.arrive $0xFFFF  }
0x33: {  	[tilespmem:s18], [sflag:$0x2] =	stream.indirect.gather [spmem:s2], $0x40, s4, s14, $0xb8;
	[tilespmem:$0x1CF00] =	vst v63  }
0x34: {  	_ =	swait.ge [sflag:s19], $0x2000  }
0x35: {  	[sflag:s19] =	ssyncset.done $0x0  }
0x36: {  	[sflag:s19] =	ssyncadd.s32 $0xFFFFE000  }
0x37: {  	[spmem:s3] =	stream.indirect.scatter.add.f32 [tilespmem:s18], [sflag:$0x4], $0x40, s14, s14, $0xb8;
	[tilespmem:$0x1CF00] =	vst v63  }
0x38: {  	_ = 	snop  }
0x39: {  	[tilespmem:s21], [sflag:$0x3] =	stream.indirect.gather [spmem:s2], $0x40, s20, s14, $0xb8;
	[tilespmem:$0x1CF00] =	vst v63  }
0x3a: {  	_ =	swait.ge [sflag:s22], $0x2000  }
0x3b: {  	[sflag:s22] =	ssyncset.done $0x0  }
0x3c: {  	s1 =	simm.s32 $0x180;
	[sflag:s22] =	ssyncadd.s32 $0xFFFFE000  }
0x3d: {  	[spmem:s3] =	stream.indirect.scatter.add.f32 [tilespmem:s21], [sflag:$0x5], $0x40, s1, s14, $0xb8;
	[tilespmem:$0x1CF00] =	vst v63  }
0x3e: {  	_ =	swait.ge [sflag:s23], $0x2000  }
0x3f: {  	[sflag:s23] =	ssyncset.done $0x0  }
0x40: {  	s1 =	simm.s32 $0x200;
	[sflag:s23] =	ssyncadd.s32 $0xFFFFE000  }
0x41: {  	[tilespmem:s18], [sflag:$0x2] =	stream.indirect.gather [spmem:s2], $0x40, s1, s14, $0xb8;
	[tilespmem:$0x1CF00] =	vst v63  }
0x42: {  	_ =	swait.ge [sflag:s19], $0x2000  }
0x43: {  	[sflag:s19] =	ssyncset.done $0x0  }
0x44: {  	s1 =	simm.s32 $0x280;
	[sflag:s19] =	ssyncadd.s32 $0xFFFFE000  }
0x45: {  	[spmem:s3] =	stream.indirect.scatter.add.f32 [tilespmem:s18], [sflag:$0x4], $0x40, s1, s14, $0xb8;
	[tilespmem:$0x1CF00] =	vst v63  }
0x46: {  	_ =	swait.ge [sflag:s24], $0x2000  }
0x47: {  	[sflag:s24] =	ssyncset.done $0x0  }
0x48: {  	s31 =	simm.s32 $0xFFFED800;
	s0 =	simm.s32 $0x300;
	[sflag:s24] =	ssyncadd.s32 $0xFFFFE000  }
.LBB2_6:
0x49: {  	[tilespmem:s21], [sflag:$0x3] =	stream.indirect.gather [spmem:s2], $0x40, s0, s14, $0xb8;
	[tilespmem:$0x1CF00] =	vst v63  }
0x4a: {  	s0 =	smov.u32 s31  }
0x4b: {  	p1 =	sne.s32 s31, $0xFFFFF800;
	s31 =	sadd.s32 $0x800, s31;
	_ =	swait.ge [sflag:s22], $0x2000  }
0x4c: {  	s0 =	sshra.s32 s0, $0x2;
	[sflag:s22] =	ssyncset.done $0x0  }
0x4d: {  	s1 =	sadd.s32 $0x4D80, s0;
	[sflag:s22] =	ssyncadd.s32 $0xFFFFE000  }
0x4e: {  	[spmem:s3] =	stream.indirect.scatter.add.f32 [tilespmem:s21], [sflag:$0x5], $0x40, s1, s14, $0xb8;
	[tilespmem:$0x1CF00] =	vst v63  }
0x4f: {  	_ =	swait.ge [sflag:s23], $0x2000  }
0x50: {  	[sflag:s23] =	ssyncset.done $0x0  }
0x51: {  	s1 =	sadd.s32 $0x4E00, s0;
	[sflag:s23] =	ssyncadd.s32 $0xFFFFE000  }
0x52: {  	[tilespmem:s18], [sflag:$0x2] =	stream.indirect.gather [spmem:s2], $0x40, s1, s14, $0xb8;
	[tilespmem:$0x1CF00] =	vst v63  }
0x53: {  	_ =	swait.ge [sflag:s19], $0x2000  }
0x54: {  	[sflag:s19] =	ssyncset.done $0x0  }
.Ltmp2:
0x55: {  	s1 =	sadd.s32 $0x4E80, s0;
	[sflag:s19] =	ssyncadd.s32 $0xFFFFE000;
	(pc) =	sbr.rel @p1 .LBB2_6-.Ltmp2, $4  }
0x56: {  	[spmem:s3] =	stream.indirect.scatter.add.f32 [tilespmem:s18], [sflag:$0x4], $0x40, s1, s14, $0xb8;
	[tilespmem:$0x1CF00] =	vst v63  }
0x57: {  	_ =	swait.ge [sflag:s24], $0x2000  }
0x58: {  	[sflag:s24] =	ssyncset.done $0x0  }
0x59: {  	s0 =	sadd.s32 $0x4F00, s0;
	[sflag:s24] =	ssyncadd.s32 $0xFFFFE000  }
0x5a: {  	[tilespmem:s21], [sflag:$0x3] =	stream.indirect.gather [spmem:s2], $0x40, s0, s14, $0xb8;
	[tilespmem:$0x1CF00] =	vst v63  }
0x5b: {  	_ =	swait.ge [sflag:s22], $0x2000  }
0x5c: {  	[sflag:s22] =	ssyncset.done $0x0  }
0x5d: {  	[sflag:s22] =	ssyncadd.s32 $0xFFFFE000  }
0x5e: {  	[spmem:s3] =	stream.indirect.scatter.add.f32 [tilespmem:s21], [sflag:$0x5], $0x40, s25, s14, $0xb8;
	[tilespmem:$0x1CF00] =	vst v63  }
0x5f: {  	_ =	swait.ge [sflag:s23], $0x2000  }
0x60: {  	[sflag:s23] =	ssyncset.done $0x0  }
0x61: {  	[sflag:s23] =	ssyncadd.s32 $0xFFFFE000  }
0x62: {  	_ =	swait.ge [sflag:s24], $0x2000  }
0x63: {  	s0 =	simm.s32 @!p0 $0x80;
	[sflag:s24] =	ssyncset.done $0x0  }
0x64: {  	s1 =	simm.s32 @!p0 $0x4E00;
	s31 =	simm.s32 @!p0 $0x4F00;
	[sflag:s24] =	ssyncadd.s32 $0xFFFFE000  }
0x65: {  	[tilespmem:s31], [sflag:$0x2] =	stream.indirect.gather @!p0 [spmem:s2], $0x40, s1, s0, $0xb8;
	[tilespmem:$0x1CF00] =	vst v63  }
0x66: {  	s1 =	simm.s32 @!p0 $0x2  }
0x67: {  	_ =	swait.ge @!p0 [sflag:s1], $0x2000  }
0x68: {  	[sflag:s1] =	ssyncset.done @!p0 $0x0  }
0x69: {  	[sflag:s1] =	ssyncadd.s32 @!p0 $0xFFFFE000;
	s1 =	simm.s32 @!p0 $0x4E80  }
0x6a: {  	[spmem:s3] =	stream.indirect.scatter.add.f32 @!p0 [tilespmem:s31], [sflag:$0x6], $0x40, s1, s0, $0xb8;
	[tilespmem:$0x1CF00] =	vst v63  }
0x6b: {  	s0 =	simm.s32 @!p0 $0x6  }
0x6c: {  	_ =	swait.ge @!p0 [sflag:s0], $0x2000  }
0x6d: {  	[sflag:s0] =	ssyncset.done @!p0 $0x0  }
0x6e: {  	[sflag:s0] =	ssyncadd.s32 @!p0 $0xFFFFE000  }
0x6f: {  	[bflag:$0x0] =	sbarrier.arrive $0xFFFF  }
0x70: {  	[hbm:s9], [sflag:s28] =	dma.local [spmem:s29], $0x1400  }
0x71: {  	_ =	swait.ge [sflag:s17], $0x1400  }
0x72: {  	[sflag:s17] =	ssyncset.done $0x0  }
0x73: {  	[sflag:s17] =	ssyncadd.s32 $0xFFFFEC00  }
0x74: {  	[bflag:$0x0] =	sbarrier.arrive $0xFFFF  }
0x75: {  	[spmem:s30], [sflag:s28] =	dma.local [hbm:s10], $0x1400  }
0x76: {  	_ =	swait.ge [sflag:s17], $0x1400  }
0x77: {  	[sflag:s17] =	ssyncset.done $0x0  }
0x78: {  	[sflag:s17] =	ssyncadd.s32 $0xFFFFEC00  }
0x79: {  	[spmem:s29], [sflag:s28] =	dma.local [hbm:s10], $0x1400  }
0x7a: {  	_ =	swait.ge [sflag:s17], $0x1400  }
0x7b: {  	[sflag:s17] =	ssyncset.done $0x0  }
0x7c: {  	[sflag:s17] =	ssyncadd.s32 $0xFFFFEC00  }
0x7d: {  	[bflag:$0x0] =	sbarrier.arrive $0xFFFF  }
0x7e: {  	[tilespmem:s18], [sflag:$0x2] =	stream.indirect.gather [spmem:s2], $0x40, s4, s14, $0xb8;
	[tilespmem:$0x1CF00] =	vst v63  }
0x7f: {  	_ =	swait.ge [sflag:s19], $0x2000  }
0x80: {  	[sflag:s19] =	ssyncset.done $0x0  }
0x81: {  	[sflag:s19] =	ssyncadd.s32 $0xFFFFE000  }
0x82: {  	[spmem:s3] =	stream.indirect.scatter.add.f32 [tilespmem:s18], [sflag:$0x4], $0x40, s14, s14, $0xb8;
	[tilespmem:$0x1CF00] =	vst v63  }
0x83: {  	_ = 	snop  }
0x84: {  	[tilespmem:s21], [sflag:$0x3] =	stream.indirect.gather [spmem:s2], $0x40, s20, s14, $0xb8;
	[tilespmem:$0x1CF00] =	vst v63  }
0x85: {  	_ =	swait.ge [sflag:s22], $0x2000  }
0x86: {  	[sflag:s22] =	ssyncset.done $0x0  }
0x87: {  	s31 =	simm.s32 $0x180;
	[sflag:s22] =	ssyncadd.s32 $0xFFFFE000  }
0x88: {  	[spmem:s3] =	stream.indirect.scatter.add.f32 [tilespmem:s21], [sflag:$0x5], $0x40, s31, s14, $0xb8;
	[tilespmem:$0x1CF00] =	vst v63  }
0x89: {  	_ =	swait.ge [sflag:s23], $0x2000  }
0x8a: {  	[sflag:s23] =	ssyncset.done $0x0  }
0x8b: {  	s1 =	simm.s32 $0x200;
	[sflag:s23] =	ssyncadd.s32 $0xFFFFE000  }
0x8c: {  	[tilespmem:s18], [sflag:$0x2] =	stream.indirect.gather [spmem:s2], $0x40, s1, s14, $0xb8;
	[tilespmem:$0x1CF00] =	vst v63  }
0x8d: {  	_ =	swait.ge [sflag:s19], $0x2000  }
0x8e: {  	[sflag:s19] =	ssyncset.done $0x0  }
0x8f: {  	s31 =	simm.s32 $0x280;
	[sflag:s19] =	ssyncadd.s32 $0xFFFFE000  }
0x90: {  	[spmem:s3] =	stream.indirect.scatter.add.f32 [tilespmem:s18], [sflag:$0x4], $0x40, s31, s14, $0xb8;
	[tilespmem:$0x1CF00] =	vst v63  }
0x91: {  	_ =	swait.ge [sflag:s24], $0x2000  }
0x92: {  	[sflag:s24] =	ssyncset.done $0x0  }
0x93: {  	s0 =	simm.s32 $0x300;
	s30 =	simm.s32 $0xFFFED800;
	[sflag:s24] =	ssyncadd.s32 $0xFFFFE000  }
.LBB2_8:
0x94: {  	[tilespmem:s21], [sflag:$0x3] =	stream.indirect.gather [spmem:s2], $0x40, s0, s14, $0xb8;
	[tilespmem:$0x1CF00] =	vst v63  }
0x95: {  	s0 =	smov.u32 s30  }
0x96: {  	p1 =	sne.s32 s30, $0xFFFFF800;
	s30 =	sadd.s32 $0x800, s30;
	_ =	swait.ge [sflag:s22], $0x2000  }
0x97: {  	s0 =	sshra.s32 s0, $0x2;
	[sflag:s22] =	ssyncset.done $0x0  }
0x98: {  	s1 =	sadd.s32 $0x4D80, s0;
	[sflag:s22] =	ssyncadd.s32 $0xFFFFE000  }
0x99: {  	[spmem:s3] =	stream.indirect.scatter.add.f32 [tilespmem:s21], [sflag:$0x5], $0x40, s1, s14, $0xb8;
	[tilespmem:$0x1CF00] =	vst v63  }
0x9a: {  	_ =	swait.ge [sflag:s23], $0x2000  }
0x9b: {  	[sflag:s23] =	ssyncset.done $0x0  }
0x9c: {  	s1 =	sadd.s32 $0x4E00, s0;
	[sflag:s23] =	ssyncadd.s32 $0xFFFFE000  }
0x9d: {  	[tilespmem:s18], [sflag:$0x2] =	stream.indirect.gather [spmem:s2], $0x40, s1, s14, $0xb8;
	[tilespmem:$0x1CF00] =	vst v63  }
0x9e: {  	_ =	swait.ge [sflag:s19], $0x2000  }
0x9f: {  	[sflag:s19] =	ssyncset.done $0x0  }
.Ltmp3:
0xa0: {  	s1 =	sadd.s32 $0x4E80, s0;
	[sflag:s19] =	ssyncadd.s32 $0xFFFFE000;
	(pc) =	sbr.rel @p1 .LBB2_8-.Ltmp3, $4  }
0xa1: {  	[spmem:s3] =	stream.indirect.scatter.add.f32 [tilespmem:s18], [sflag:$0x4], $0x40, s1, s14, $0xb8;
	[tilespmem:$0x1CF00] =	vst v63  }
0xa2: {  	_ =	swait.ge [sflag:s24], $0x2000  }
0xa3: {  	[sflag:s24] =	ssyncset.done $0x0  }
0xa4: {  	s0 =	sadd.s32 $0x4F00, s0;
	[sflag:s24] =	ssyncadd.s32 $0xFFFFE000  }
0xa5: {  	[tilespmem:s21], [sflag:$0x3] =	stream.indirect.gather [spmem:s2], $0x40, s0, s14, $0xb8;
	[tilespmem:$0x1CF00] =	vst v63  }
0xa6: {  	_ =	swait.ge [sflag:s22], $0x2000  }
0xa7: {  	[sflag:s22] =	ssyncset.done $0x0  }
0xa8: {  	[sflag:s22] =	ssyncadd.s32 $0xFFFFE000  }
0xa9: {  	[spmem:s3] =	stream.indirect.scatter.add.f32 [tilespmem:s21], [sflag:$0x5], $0x40, s25, s14, $0xb8;
	[tilespmem:$0x1CF00] =	vst v63  }
0xaa: {  	_ =	swait.ge [sflag:s23], $0x2000  }
0xab: {  	[sflag:s23] =	ssyncset.done $0x0  }
0xac: {  	[sflag:s23] =	ssyncadd.s32 $0xFFFFE000  }
0xad: {  	_ =	swait.ge [sflag:s24], $0x2000  }
0xae: {  	s0 =	simm.s32 @!p0 $0x80;
	[sflag:s24] =	ssyncset.done $0x0  }
0xaf: {  	s1 =	simm.s32 @!p0 $0x4E00;
	s30 =	simm.s32 @!p0 $0x4F00;
	[sflag:s24] =	ssyncadd.s32 $0xFFFFE000  }
0xb0: {  	[tilespmem:s30], [sflag:$0x2] =	stream.indirect.gather @!p0 [spmem:s2], $0x40, s1, s0, $0xb8;
	[tilespmem:$0x1CF00] =	vst v63  }
0xb1: {  	s1 =	simm.s32 @!p0 $0x2  }
0xb2: {  	_ =	swait.ge @!p0 [sflag:s1], $0x2000  }
0xb3: {  	[sflag:s1] =	ssyncset.done @!p0 $0x0  }
0xb4: {  	[sflag:s1] =	ssyncadd.s32 @!p0 $0xFFFFE000;
	s1 =	simm.s32 @!p0 $0x4E80  }
0xb5: {  	[spmem:s3] =	stream.indirect.scatter.add.f32 @!p0 [tilespmem:s30], [sflag:$0x6], $0x40, s1, s0, $0xb8;
	[tilespmem:$0x1CF00] =	vst v63  }
0xb6: {  	s0 =	simm.s32 @!p0 $0x6  }
0xb7: {  	_ =	swait.ge @!p0 [sflag:s0], $0x2000  }
0xb8: {  	s26 =	sadd.s32 $0x1, s26;
	[sflag:s0] =	ssyncset.done @!p0 $0x0  }
0xb9: {  	p1 =	sne.s32 s26, s12;
	[sflag:s0] =	ssyncadd.s32 @!p0 $0xFFFFE000  }
.Ltmp4:
0xba: {  	[bflag:$0x0] =	sbarrier.arrive $0xFFFF;
	(pc) =	sbr.rel @p1 .LBB2_1-.Ltmp4, $4  }
0xbb: {  	[hbm:s11], [sflag:s28] =	dma.local [spmem:s29], $0x1400  }
0xbc: {  	_ =	swait.ge [sflag:s17], $0x1400  }
0xbd: {  	[sflag:s17] =	ssyncset.done $0x0  }
0xbe: {  	[sflag:s17] =	ssyncadd.s32 $0xFFFFEC00  }
0xbf: {  	_ =	sfence.sel $0x180000  }
0xc0: {  	[bflag:$0x0] =	sbarrier.arrive $0xFFFF  }
0xc1: {  	_ =	strace $0x9000004A  }
0xc2: {  	s0 =	stileid.u32;
	[bflag:$0x2] =	sbarrier.arrive $0xFFFF  }
0xc3: {  	p0 =	sne.s32 s0, $0x0;
	s0 =	rddreg [dreg:$0x3]  }
0xc4: {  	s0 =	sadd.s32 @!p0 $0x100000, s0  }
0xc5: {  	[sflag:s0] =	ssyncadd.tile.s32 @!p0 $0x1;
	_ =	shalt  }
.Lfunc_end2:
_tile_overlayer_lowered:
.L_overlay_start_2:
0xc6: {  	(tag) =	ssettag $0x2  }
0xc7: {  	s0 =	rddreg [dreg:$0x0];
	s2 =	stileid.u32  }
0xc8: {  	s1 =	rddreg [dreg:$0x1];
	p0 =	sne.s32 s2, $0x0  }
0xc9: {  	s3 =	rddreg [dreg:$0x2];
	[bflag:$0x3] =	sbarrier.arrive $0xFFFF;
	s2 =	simm.s32 @!p0 $0x1C06  }
0xca: {  	[timem:s3], [sflag:s2] =	dma.local @!p0 [hbm:s0], s1  }
0xcb: {  	s0 =	simm.s32 @!p0 $0x6  }
0xcc: {  	_ =	swait.ge @!p0 [sflag:s0], s1  }
0xcd: {  	s1 =	ssub.s32 @!p0 $0x0, s1;
	[sflag:s0] =	ssyncset.done @!p0 $0x0  }
0xce: {  	[sflag:s0] =	ssyncadd.s32 @!p0 s1  }
0xcf: {  	[bflag:$0x3] =	sbarrier.arrive $0xFFFF  }
0xd0: {  	_ =	shalt  }

// kernel: kernel.15.cloned.1.call-start
scs
__scs_entry_jumppad:
0x0: {  	(pc) =	sbr.rel $0x88, $3  }
0x1: {  	(tag) =	ssettag $0x0;
	lr =	simm.s32 $0x1  }
0x2: {  	[smem:$0x3F9B] =	sst lr;
	_ =	strace $0xD0000000  }
0x3: {  	_ = 	snop  }
0x4: {  	_ = 	snop  }
0x5: {  	_ = 	snop  }
0x6: {  	_ = 	snop  }
0x7: {  	_ = 	snop  }
__scs_overlays_trampoline_lowered:
0x8: {  	[smem:$0x3FAA] =	sst s0  }
0x9: {  	[smem:$0x3FAB] =	sst s1  }
0xa: {  	[smem:$0x3FAC] =	sst s2  }
0xb: {  	[smem:$0x3FAD] =	sst s3  }
0xc: {  	[smem:$0x3FAE] =	sst s4  }
0xd: {  	[smem:$0x3FAF] =	sst s5  }
0xe: {  	[smem:$0x3FB0] =	sst s6  }
0xf: {  	[smem:$0x3FB1] =	sst s7  }
0x10: {  	[smem:$0x3FB2] =	sst s8  }
0x11: {  	[smem:$0x3FB3] =	sst s9;
	s0 =	simm.s32 @!p0 $0x0  }
0x12: {  	s1 =	sld [smem:$0x3F99];
	s0 =	simm.s32 @p0 $0x1  }
0x13: {  	[smem:$0x3FB4] =	sst s0;
	s0 =	simm.s32 @!p1 $0x0  }
0x14: {  	s2 =	sld [smem:$0x3F98];
	s0 =	simm.s32 @p1 $0x1  }
0x15: {  	[smem:$0x3FB5] =	sst s0;
	s0 =	simm.s32 @!p2 $0x0  }
0x16: {  	s3 =	sld [smem:$0x3FDB];
	s0 =	simm.s32 @p2 $0x1  }
0x17: {  	s4 =	simm.s32 $0x1BF5;
	[smem:$0x3FB7] =	sst s0  }
0x18: {  	s0 =	sld [smem:$0x3F9A];
	_ =	swait.ge [sflag:s4], $0x0  }
0x19: {  	s7 =	sld [smem:$0x3F9B]  }
0x1a: {  	s8 =	sadd.s32 $0xFFFFE003, lr  }
0x1b: {  	s9 =	sadd.s32 $0xFFFFFEF7, lr;
	s5 =	simm.s32 $0xFFFFFFFF;
	p2 =	slt.u32 s8, $0xFFFFF086  }
0x1c: {  	p1 =	slt.u32 s9, $0xF7A;
	s5 =	simm.s32 @!p2 $0x0  }
0x1d: {  	s5 =	simm.s32 @p1 $0x1;
	p0 =	seq.s32 s7, s2  }
0x1e: {  	s7 =	smul.u32 @!p0 $0xF7A, s2;
	p2 =	seq.s32 @!p0 s5, $0x0  }
0x1f: {  	s9 =	smul.u32 $0xF7A, s1;
	s8 =	simm.s32 @!p0 $0x1BF5;
	p2 =	por !p2, p0  }
0x20: {  	[sflag:s8] =	ssyncset.s32 @!p0 $0xFFFFF086;
	s6 =	sadd.s32 @!p0 s3, s7;
	s7 =	simm.s32 @!p0 $0x108  }
0x21: {  	s3 =	sadd.s32 s3, s9;
	s6 =	sadd.s32 @!p0 $0x88, s6;
	s7 =	simm.s32 @p2 $0x1082  }
0x22: {  	[simem:s7], [sflag:s8] =	dma.local @!p0 [hbm:s6], $0xF7A  }
0x23: {  	s9 =	sor.u32 $0xD0000000, s2;
	s6 =	simm.s32 $0x108;
	_ =	swait.ge @!p0 [sflag:s8], $0x0  }
0x24: {  	s3 =	sadd.s32 $0x88, s3;
	s6 =	simm.s32 @!p1 $0x1082;
	[sflag:s4] =	ssyncset.s32 $0xFFFFF086  }
0x25: {  	[simem:s6], [sflag:s4] =	dma.local [hbm:s3], $0xF7A  }
0x26: {  	[smem:$0x3F9B] =	sst s1;
	(tag) =	ssettag s2;
	_ =	strace s9  }
0x27: {  	s1 =	sld [smem:$0x3FAB]  }
0x28: {  	s2 =	sld [smem:$0x3FAC]  }
0x29: {  	s4 =	sld [smem:$0x3FAE]  }
0x2a: {  	p0 =	seq.s32 s5, $0x0;
	s5 =	sld [smem:$0x3FAF]  }
0x2b: {  	s6 =	sld [smem:$0x3FB0]  }
0x2c: {  	s7 =	sld [smem:$0x3FB1]  }
0x2d: {  	s3 =	simm.s32 $0x108;
	s8 =	sld [smem:$0x3FB2]  }
0x2e: {  	s3 =	simm.s32 @!p0 $0x1082;
	s9 =	sld [smem:$0x3FB3]  }
0x2f: {  	lr =	sadd.s32 s0, s3;
	s0 =	sld [smem:$0x3FAA]  }
0x30: {  	s3 =	sld [smem:$0x3FAD]  }
0x31: {  	[smem:$0x3FB6] =	sst s10  }
0x32: {  	s10 =	sld [smem:$0x3FB4];
	_ =	sdelay $0x3  }
0x33: {  	p0 =	seq.s32 s10, $0x1;
	s10 =	sld [smem:$0x3FB6];
	_ =	sdelay $0x3  }
0x34: {  	[smem:$0x3FB6] =	sst s10  }
0x35: {  	s10 =	sld [smem:$0x3FB5];
	_ =	sdelay $0x3  }
0x36: {  	p1 =	seq.s32 s10, $0x1;
	s10 =	sld [smem:$0x3FB6];
	_ =	sdelay $0x3  }
0x37: {  	[smem:$0x3FB6] =	sst s10  }
0x38: {  	s10 =	sld [smem:$0x3FB7]  }
0x39: {  	_ = 	snop;
	(pc) =	sbr.ind lr, $3  }
0x3a: {  	_ = 	snop  }
0x3b: {  	_ = 	snop  }
0x3c: {  	p2 =	seq.s32 s10, $0x1;
	s10 =	sld [smem:$0x3FB6]  }
0x3d: {  	_ =	shalt  }
0x3e: {  	_ =	shalt  }
0x3f: {  	_ =	shalt  }
0x40: {  	_ =	shalt  }
0x41: {  	_ =	shalt  }
0x42: {  	_ =	shalt  }
0x43: {  	_ =	shalt  }
0x44: {  	_ =	shalt  }
0x45: {  	_ =	shalt  }
0x46: {  	_ =	shalt  }
0x47: {  	_ =	shalt  }
0x48: {  	_ =	shalt  }
0x49: {  	_ =	shalt  }
0x4a: {  	_ =	shalt  }
0x4b: {  	_ =	shalt  }
0x4c: {  	_ =	shalt  }
0x4d: {  	_ =	shalt  }
0x4e: {  	_ =	shalt  }
0x4f: {  	_ =	shalt  }
0x50: {  	_ =	shalt  }
0x51: {  	_ =	shalt  }
0x52: {  	_ =	shalt  }
0x53: {  	_ =	shalt  }
0x54: {  	_ =	shalt  }
0x55: {  	_ =	shalt  }
0x56: {  	_ =	shalt  }
0x57: {  	_ =	shalt  }
0x58: {  	_ =	shalt  }
0x59: {  	_ =	shalt  }
0x5a: {  	_ =	shalt  }
0x5b: {  	_ =	shalt  }
0x5c: {  	_ =	shalt  }
0x5d: {  	_ =	shalt  }
0x5e: {  	_ =	shalt  }
0x5f: {  	_ =	shalt  }
0x60: {  	_ =	shalt  }
0x61: {  	_ =	shalt  }
0x62: {  	_ =	shalt  }
0x63: {  	_ =	shalt  }
0x64: {  	_ =	shalt  }
0x65: {  	_ =	shalt  }
0x66: {  	_ =	shalt  }
0x67: {  	_ =	shalt  }
0x68: {  	_ =	shalt  }
0x69: {  	_ =	shalt  }
0x6a: {  	_ =	shalt  }
0x6b: {  	_ =	shalt  }
0x6c: {  	_ =	shalt  }
0x6d: {  	_ =	shalt  }
0x6e: {  	_ =	shalt  }
0x6f: {  	_ =	shalt  }
0x70: {  	_ =	shalt  }
0x71: {  	_ =	shalt  }
0x72: {  	_ =	shalt  }
0x73: {  	_ =	shalt  }
0x74: {  	_ =	shalt  }
0x75: {  	_ =	shalt  }
0x76: {  	_ =	shalt  }
0x77: {  	_ =	shalt  }
0x78: {  	_ =	shalt  }
0x79: {  	_ =	shalt  }
0x7a: {  	_ =	shalt  }
0x7b: {  	_ =	shalt  }
0x7c: {  	_ =	shalt  }
0x7d: {  	_ =	shalt  }
0x7e: {  	_ =	shalt  }
0x7f: {  	_ =	shalt  }
0x80: {  	_ =	shalt  }
0x81: {  	_ =	shalt  }
0x82: {  	_ =	shalt  }
0x83: {  	_ =	shalt  }
0x84: {  	_ =	shalt  }
0x85: {  	_ =	shalt  }
0x86: {  	_ =	shalt  }
0x87: {  	_ =	shalt  }
.Lfunc_end0:
.L_simem_size_0:
called_computation.2_lowered:
.L_overlay_start_0:
0x88: {  	s2 =	sld [smem:$0x3FD9]  }
0x89: {  	s3 =	sld [smem:$0x3FFE];
	_ =	sdelay $0x1  }
0x8a: {  	s1 =	srdreg.scid  }
0x8b: {  	s0 =	sand.u32 $0x1, s1  }
0x8c: {  	s16 =	sshll.u32 s0, $0xA;
	s2 =	sadd.s32 s3, s2  }
0x8d: {  	s2 =	sadd.s32 s2, s16  }
0x8e: {  	[smem:$0x3FC2] =	sst s2  }
0x8f: {  	_ = 	snop  }
0x90: {  	(tm) =	ssettm $0x1  }
0x91: {  	s17 =	sld [smem:$0x3FFB];
	_ =	sdelay $0x3  }
0x92: {  	_ =	strace s17  }
0x93: {  	s2 =	sld [smem:$0x3FFC];
	_ =	sdelay $0x3  }
0x94: {  	_ =	strace s2  }
0x95: {  	s2 =	sld [smem:$0x3FFD];
	_ =	sdelay $0x3  }
0x96: {  	_ =	strace s2  }
0x97: {  	_ =	strace $0x8FFFFFFF  }
0x98: {  	s18 =	sld [smem:$0x3FDB];
	_ =	sdelay $0x1  }
0x99: {  	s19 =	simm.s32 $_scs_section_size  }
0x9a: {  	s4 =	simm.s32 $_size__tile_overlayer_lowered;
	s5 =	simm.s32 $_tile_overlayer_lowered  }
0x9b: {  	s22 =	simm.s32 $0x1BFF;
	s21 =	sshll.u32 s5, $0x1;
	s2 =	sadd.s32 s19, s18  }
0x9c: {  	s6 =	simm.s32 $0x0;
	s20 =	sshll.u32 s4, $0x1;
	s4 =	sadd.s32 s21, s2  }
0x9d: {  	[timem:s6], [sflag:s22] =	dma.local [hbm:s4], s20  }
0x9e: {  	_ =	swait.ge [sflag:s22], s20  }
0x9f: {  	s3 =	ssub.s32 $0x0, s20;
	[sflag:s22] =	ssyncset.done $0x0  }
0xa0: {  	[sflag:s22] =	ssyncadd.s32 s3;
	_ =	sdelay $0x1  }
0xa1: {  	s23 =	simm.s32 $0x1B8B  }
0xa2: {  	_ =	swait.ge [sflag:s23], $0x1  }
0xa3: {  	[sflag:s23] =	ssyncset.done $0x0  }
0xa4: {  	s25 =	simm.s32 $0x1B8E;
	s24 =	sld [smem:$0x3FFE];
	[sflag:s23] =	ssyncadd.s32 $0xFFFFFFFF  }
0xa5: {  	s26 =	simm.s32 $execute0_lowered;
	[smem:$0x3FD2] =	sst s25  }
0xa6: {  	s4 =	sshll.u32 s26, $0x1;
	_ =	strace $0x8000004C;
	[dreg:$0x1] =	wrdreg $0xFFFFFFFF  }
0xa7: {  	s28 =	simm.s32 $_size_execute0_lowered;
	s2 =	sadd.s32 s2, s4;
	[dreg:$0x0] =	wrdreg $0x0  }
0xa8: {  	s4 =	sshll.u32 s28, $0x1;
	[dreg:$0x2] =	wrdreg s2  }
0xa9: {  	[dreg:$0x3] =	wrdreg s4  }
0xaa: {  	[dreg:$0x4] =	wrdreg $0xC0  }
0xab: {  	_ =	task [dreg:s6], $0x5FFFF  }
0xac: {  	[dreg:$0x1] =	wrdreg $0xFFFFFFFF  }
0xad: {  	[dreg:$0x0] =	wrdreg $0x60  }
0xae: {  	[dreg:$0x2] =	wrdreg s24  }
0xaf: {  	[dreg:$0x3] =	wrdreg $0x7F000  }
0xb0: {  	[dreg:$0x4] =	wrdreg $0xF7000  }
0xb1: {  	[dreg:$0x5] =	wrdreg $0x9  }
0xb2: {  	_ =	task.clear_ibuf [dreg:s6], $0x6FFFF;
	_ =	strace $0x9000004C  }
0xb3: {  	s29 =	simm.s32 $0x9;
	_ =	strace $0x8000004E  }
0xb4: {  	_ =	swait.ge [sflag:s29], $0x1  }
0xb5: {  	[sflag:s29] =	ssyncadd.s32 $0xFFFFFFFF  }
0xb6: {  	_ =	strace $0x9000004E  }
0xb7: {  	_ =	sfence  }
0xb8: {  	s30 =	sld [smem:$0x0];
	_ =	sdelay $0x2  }
0xb9: {  	s31 =	sshll.u32 s1, $0xD;
	s1 =	sshrl.u32 s1, $0x2  }
0xba: {  	s3 =	sand.u32 $0x4000, s31;
	s1 =	sadd.s32 s1, s30  }
0xbb: {  	s0 =	sor.u32 s3, s0;
	s1 =	sshll.u32 s1, $0x11  }
0xbc: {  	s0 =	sor.u32 s1, s0  }
0xbd: {  	s0 =	sadd.s32 $0x8F2B, s0  }
0xbe: {  	[sflag:s0] =	ssyncadd.remote.s32 $0x1  }
0xbf: {  	_ =	sfence.sel $0xFFFF  }
0xc0: {  	[dreg:$0x0] =	wrdreg $0xFFFFFFFF;
	(pc) =	sbr.abs _section_cstart, $3  }
0xc1: {  	[dreg:$0x1] =	wrdreg $0xFFFFFFFF  }
0xc2: {  	_ =	task.clear_ibuf [dreg:s6], $0x2FFFF;
	_ =	strace $0x9FFFFFFF  }
0xc3: {  	(tm) =	ssettm $0x7FFFFFFF  }
tec
execute0_lowered:
.L_overlay_start_1:
0x0: {  	(tag) =	ssettag $0x1  }
0x1: {  	s5 =	rddreg [dreg:$0x0]  }
0x2: {  	s2 =	rddreg [dreg:$0x1]  }
0x3: {  	s3 =	rddreg [dreg:$0x2]  }
0x4: {  	s0 =	rddreg [dreg:$0x3]  }
0x5: {  	s1 =	stileid.u32;
	s4 =	simm.s32 $0x0;
	s6 =	srdreg.scid  }
0x6: {  	s18 =	simm.s32 $0x2;
	s19 =	simm.s32 $0x100;
	s20 =	simm.s32 $0x6700  }
0x7: {  	s21 =	simm.s32 $0x3;
	s22 =	simm.s32 $0x4;
	s23 =	simm.s32 $0x5  }
0x8: {  	s7 =	smul.u32 $0x7800, s1;
	[smem:$0x7FF] =	sst s4;
	s6 =	sand.u32 $0x1, s6  }
0x9: {  	s24 =	sadd.s32 $0x52800, s5;
	s15 =	smul.u32 $0x4E, s1;
	s31 =	sshll.u32 s1, $0x6  }
0xa: {  	s9 =	smul.u32 $0x78000, s6;
	s10 =	sshll.u32 s6, $0x4;
	_ =	strace $0x8000004D  }
0xb: {  	s14 =	smul.u32 $0x4E0, s6;
	s6 =	ssub.s32 $0x2, s6;
	s8 =	sshrl.u32 s7, $0x3  }
0xc: {  	s12 =	sor.u32 s1, s10;
	s25 =	sshrl.u32 s6, $0x1;
	s29 =	sadd.s32 s7, s2  }
0xd: {  	s17 =	sadd.s32 s7, s3;
	s10 =	simm.s32 $0x80;
	s8 =	sadd.s32 s8, s5  }
0xe: {  	s9 =	sadd.s32 s7, s9;
	s11 =	smul.u32 $0x4E, s12;
	s13 =	smin.u32 s12, $0x4  }
0xf: {  	s16 =	ssub.s32 s6, s25;
	s28 =	sadd.s32 s15, s14;
	p0 =	sgt.u32 s12, $0x3  }
0x10: {  	s12 =	simm.s32 $0x1;
	s14 =	sshrl.u32 s29, $0x3;
	s15 =	simm.s32 $0x6  }
0x11: {  	s25 =	simm.s32 $0x0;
	s9 =	sshrl.u32 s9, $0x3;
	s30 =	sadd.s32 s13, s28  }
0x12: {  	s6 =	sadd.s32 $0x2800, s8;
	s8 =	smax.u32 s16, $0x1;
	s11 =	sadd.s32 s13, s11  }
0x13: {  	s16 =	sshrl.u32 s17, $0x3;
	s17 =	simm.s32 $0x4F00;
	s11 =	sshll.u32 s11, $0x4  }
0x14: {  	s9 =	sadd.s32 s9, s5;
	s13 =	sor.u32 $0x1C06, s31;
	s26 =	sadd.s32 s11, s24  }
0x15: {  	s7 =	sadd.s32 $0x11800, s9;
	s11 =	sshll.u32 s30, $0x4;
	s5 =	sadd.s32 $0x4E0, s26  }
0x16: {  	s9 =	sadd.s32 s11, s24;
	s11 =	simm.s32 $0x4E200;
	s24 =	simm.s32 $0x4D80  }
.LBB2_1:
0x17: {  	s26 =	simm.s32 $0x10  }
0x18: {  	s30 =	sadd.s32 $0x0, s9;
	s28 =	simm.s32 $0x100;
	s29 =	simm.s32 $0x0  }
.LBB2_2:
0x19: {  	[tilespmem:s29], [sflag:$0x1] =	stream.strided.gather [hbm4b:s30+s10], $0x100, s11, s10, $0x38;
	[tilespmem:$0x16F00] =	vst v63  }
0x1a: {  	s30 =	smov.u32 s26;
	s29 =	smov.u32 s28;
	p1 =	sne.s32 s26, $0x4D0  }
.Ltmp0:
0x1b: {  	s26 =	sadd.s32 $0x10, s26;
	(pc) =	sbr.rel @p1 .LBB2_2-.Ltmp0, $2  }
0x1c: {  	_ =	sdelay $0x2  }
0x1d: {  	s28 =	sadd.s32 $0x100, s28;
	s30 =	sadd.s32 s30, s9  }
0x1e: {  	[tilespmem:s29], [sflag:$0x1] =	stream.strided.gather [hbm4b:s30+s10], $0x100, s11, s10, $0x38;
	[tilespmem:$0x16F00] =	vst v63  }
0x1f: {  	s26 =	simm.s32 @!p0 $0x80;
	s28 =	simm.s32 @!p0 $0x4E200;
	s29 =	simm.s32 @!p0 $0x4E00  }
0x20: {  	[tilespmem:s29], [sflag:$0x1] =	stream.strided.gather @!p0 [hbm4b:s5+s26], $0x100, s28, s26, $0x38;
	[tilespmem:$0x16F00] =	vst v63  }
0x21: {  	_ =	swait.ge [sflag:s12], $0x100  }
0x22: {  	s26 =	simm.s32 $0x4D;
	[sflag:s12] =	ssyncset.done $0x0  }
.LBB2_4:
0x23: {  	p1 =	sne.s32 s26, $0x1;
	s26 =	sadd.s32 $0xFFFFFFFF, s26;
	[sflag:s12] =	ssyncadd.s32 $0xFFFFFF00  }
.Ltmp1:
0x24: {  	(pc) =	sbr.rel @p1 .LBB2_4-.Ltmp1, $3  }
0x25: {  	_ =	sdelay $0x1  }
0x26: {  	_ =	swait.ge [sflag:s12], $0x100  }
0x27: {  	[sflag:s12] =	ssyncset.done $0x0  }
0x28: {  	[sflag:s12] =	ssyncadd.s32 $0xFFFFFF00;
	s26 =	simm.s32 @!p0 $0x1  }
0x29: {  	_ =	swait.ge @!p0 [sflag:s26], $0x100  }
0x2a: {  	[sflag:s26] =	ssyncset.done @!p0 $0x0  }
0x2b: {  	[sflag:s26] =	ssyncadd.s32 @!p0 $0xFFFFFF00  }
0x2c: {  	[spmem:s14], [sflag:s13] =	dma.local [hbm:s6], $0xF00  }
0x2d: {  	_ =	swait.ge [sflag:s15], $0xF00  }
0x2e: {  	[sflag:s15] =	ssyncset.done $0x0  }
0x2f: {  	[sflag:s15] =	ssyncadd.s32 $0xFFFFF100  }
0x30: {  	[spmem:s16], [sflag:s13] =	dma.local [hbm:s6], $0xF00  }
0x31: {  	_ =	swait.ge [sflag:s15], $0xF00  }
0x32: {  	[sflag:s15] =	ssyncset.done $0x0  }
0x33: {  	[sflag:s15] =	ssyncadd.s32 $0xFFFFF100  }
0x34: {  	[bflag:$0x0] =	sbarrier.arrive $0xFFFF  }
0x35: {  	[tilespmem:s17], [sflag:$0x2] =	stream.indirect.gather [spmem:s2], $0x30, s4, s10, $0xb8;
	[tilespmem:$0x16F00] =	vst v63  }
0x36: {  	_ =	swait.ge [sflag:s18], $0x1800  }
0x37: {  	[sflag:s18] =	ssyncset.done $0x0  }
0x38: {  	[sflag:s18] =	ssyncadd.s32 $0xFFFFE800  }
0x39: {  	[spmem:s3] =	stream.indirect.scatter.add.f32 [tilespmem:s17], [sflag:$0x4], $0x30, s10, s10, $0xb8;
	[tilespmem:$0x16F00] =	vst v63  }
0x3a: {  	_ = 	snop  }
0x3b: {  	[tilespmem:s20], [sflag:$0x3] =	stream.indirect.gather [spmem:s2], $0x30, s19, s10, $0xb8;
	[tilespmem:$0x16F00] =	vst v63  }
0x3c: {  	_ =	swait.ge [sflag:s21], $0x1800  }
0x3d: {  	[sflag:s21] =	ssyncset.done $0x0  }
0x3e: {  	s29 =	simm.s32 $0x180;
	[sflag:s21] =	ssyncadd.s32 $0xFFFFE800  }
0x3f: {  	[spmem:s3] =	stream.indirect.scatter.add.f32 [tilespmem:s20], [sflag:$0x5], $0x30, s29, s10, $0xb8;
	[tilespmem:$0x16F00] =	vst v63  }
0x40: {  	_ =	swait.ge [sflag:s22], $0x1800  }
0x41: {  	[sflag:s22] =	ssyncset.done $0x0  }
0x42: {  	s30 =	simm.s32 $0x200;
	[sflag:s22] =	ssyncadd.s32 $0xFFFFE800  }
0x43: {  	[tilespmem:s17], [sflag:$0x2] =	stream.indirect.gather [spmem:s2], $0x30, s30, s10, $0xb8;
	[tilespmem:$0x16F00] =	vst v63  }
0x44: {  	_ =	swait.ge [sflag:s18], $0x1800  }
0x45: {  	[sflag:s18] =	ssyncset.done $0x0  }
0x46: {  	s31 =	simm.s32 $0x280;
	[sflag:s18] =	ssyncadd.s32 $0xFFFFE800  }
0x47: {  	[spmem:s3] =	stream.indirect.scatter.add.f32 [tilespmem:s17], [sflag:$0x4], $0x30, s31, s10, $0xb8;
	[tilespmem:$0x16F00] =	vst v63  }
0x48: {  	_ =	swait.ge [sflag:s23], $0x1800  }
0x49: {  	[sflag:s23] =	ssyncset.done $0x0  }
0x4a: {  	s28 =	simm.s32 $0x300;
	s26 =	simm.s32 $0xFFFED800;
	[sflag:s23] =	ssyncadd.s32 $0xFFFFE800  }
.LBB2_6:
0x4b: {  	[tilespmem:s20], [sflag:$0x3] =	stream.indirect.gather [spmem:s2], $0x30, s28, s10, $0xb8;
	[tilespmem:$0x16F00] =	vst v63  }
0x4c: {  	s28 =	smov.u32 s26  }
0x4d: {  	p1 =	sne.s32 s26, $0xFFFFF800;
	s26 =	sadd.s32 $0x800, s26;
	_ =	swait.ge [sflag:s21], $0x1800  }
0x4e: {  	s28 =	sshra.s32 s28, $0x2;
	[sflag:s21] =	ssyncset.done $0x0  }
0x4f: {  	s29 =	sadd.s32 $0x4D80, s28;
	[sflag:s21] =	ssyncadd.s32 $0xFFFFE800  }
0x50: {  	[spmem:s3] =	stream.indirect.scatter.add.f32 [tilespmem:s20], [sflag:$0x5], $0x30, s29, s10, $0xb8;
	[tilespmem:$0x16F00] =	vst v63  }
0x51: {  	_ =	swait.ge [sflag:s22], $0x1800  }
0x52: {  	[sflag:s22] =	ssyncset.done $0x0  }
0x53: {  	s29 =	sadd.s32 $0x4E00, s28;
	[sflag:s22] =	ssyncadd.s32 $0xFFFFE800  }
0x54: {  	[tilespmem:s17], [sflag:$0x2] =	stream.indirect.gather [spmem:s2], $0x30, s29, s10, $0xb8;
	[tilespmem:$0x16F00] =	vst v63  }
0x55: {  	_ =	swait.ge [sflag:s18], $0x1800  }
0x56: {  	[sflag:s18] =	ssyncset.done $0x0  }
.Ltmp2:
0x57: {  	s29 =	sadd.s32 $0x4E80, s28;
	[sflag:s18] =	ssyncadd.s32 $0xFFFFE800;
	(pc) =	sbr.rel @p1 .LBB2_6-.Ltmp2, $4  }
0x58: {  	[spmem:s3] =	stream.indirect.scatter.add.f32 [tilespmem:s17], [sflag:$0x4], $0x30, s29, s10, $0xb8;
	[tilespmem:$0x16F00] =	vst v63  }
0x59: {  	_ =	swait.ge [sflag:s23], $0x1800  }
0x5a: {  	[sflag:s23] =	ssyncset.done $0x0  }
0x5b: {  	s28 =	sadd.s32 $0x4F00, s28;
	[sflag:s23] =	ssyncadd.s32 $0xFFFFE800  }
0x5c: {  	[tilespmem:s20], [sflag:$0x3] =	stream.indirect.gather [spmem:s2], $0x30, s28, s10, $0xb8;
	[tilespmem:$0x16F00] =	vst v63  }
0x5d: {  	_ =	swait.ge [sflag:s21], $0x1800  }
0x5e: {  	[sflag:s21] =	ssyncset.done $0x0  }
0x5f: {  	[sflag:s21] =	ssyncadd.s32 $0xFFFFE800  }
0x60: {  	[spmem:s3] =	stream.indirect.scatter.add.f32 [tilespmem:s20], [sflag:$0x5], $0x30, s24, s10, $0xb8;
	[tilespmem:$0x16F00] =	vst v63  }
0x61: {  	_ =	swait.ge [sflag:s22], $0x1800  }
0x62: {  	[sflag:s22] =	ssyncset.done $0x0  }
0x63: {  	[sflag:s22] =	ssyncadd.s32 $0xFFFFE800  }
0x64: {  	_ =	swait.ge [sflag:s23], $0x1800  }
0x65: {  	s26 =	simm.s32 @!p0 $0x80;
	[sflag:s23] =	ssyncset.done $0x0  }
0x66: {  	s28 =	simm.s32 @!p0 $0x4E00;
	s29 =	simm.s32 @!p0 $0x4F00;
	[sflag:s23] =	ssyncadd.s32 $0xFFFFE800  }
0x67: {  	[tilespmem:s29], [sflag:$0x2] =	stream.indirect.gather @!p0 [spmem:s2], $0x30, s28, s26, $0xb8;
	[tilespmem:$0x16F00] =	vst v63  }
0x68: {  	s28 =	simm.s32 @!p0 $0x2  }
0x69: {  	_ =	swait.ge @!p0 [sflag:s28], $0x1800  }
0x6a: {  	[sflag:s28] =	ssyncset.done @!p0 $0x0  }
0x6b: {  	[sflag:s28] =	ssyncadd.s32 @!p0 $0xFFFFE800;
	s28 =	simm.s32 @!p0 $0x4E80  }
0x6c: {  	[spmem:s3] =	stream.indirect.scatter.add.f32 @!p0 [tilespmem:s29], [sflag:$0x6], $0x30, s28, s26, $0xb8;
	[tilespmem:$0x16F00] =	vst v63  }
0x6d: {  	s26 =	simm.s32 @!p0 $0x6  }
0x6e: {  	_ =	swait.ge @!p0 [sflag:s26], $0x1800  }
0x6f: {  	s25 =	sadd.s32 $0x1, s25;
	[sflag:s26] =	ssyncset.done @!p0 $0x0  }
0x70: {  	p1 =	sne.s32 s25, s8;
	[sflag:s26] =	ssyncadd.s32 @!p0 $0xFFFFE800  }
.Ltmp3:
0x71: {  	[bflag:$0x0] =	sbarrier.arrive $0xFFFF;
	(pc) =	sbr.rel @p1 .LBB2_1-.Ltmp3, $4  }
0x72: {  	[hbm:s7], [sflag:s13] =	dma.local [spmem:s16], $0xF00  }
0x73: {  	_ =	swait.ge [sflag:s15], $0xF00  }
0x74: {  	[sflag:s15] =	ssyncset.done $0x0  }
0x75: {  	[sflag:s15] =	ssyncadd.s32 $0xFFFFF100  }
0x76: {  	_ =	sfence.sel $0x180000  }
0x77: {  	[bflag:$0x0] =	sbarrier.arrive $0xFFFF  }
0x78: {  	p0 =	sne.s32 s1, $0x0;
	_ =	strace $0x9000004D  }
0x79: {  	s0 =	sadd.s32 @!p0 $0x100000, s0;
	[bflag:$0x2] =	sbarrier.arrive $0xFFFF  }
0x7a: {  	[sflag:s0] =	ssyncadd.tile.s32 @!p0 $0x1;
	_ =	shalt  }
.Lfunc_end2:
_tile_overlayer_lowered:
.L_overlay_start_2:
0x7b: {  	(tag) =	ssettag $0x2  }
0x7c: {  	s0 =	rddreg [dreg:$0x0];
	s2 =	stileid.u32  }
0x7d: {  	s1 =	rddreg [dreg:$0x1];
	p0 =	sne.s32 s2, $0x0  }
0x7e: {  	s3 =	rddreg [dreg:$0x2];
	[bflag:$0x3] =	sbarrier.arrive $0xFFFF;
	s2 =	simm.s32 @!p0 $0x1C06  }
0x7f: {  	[timem:s3], [sflag:s2] =	dma.local @!p0 [hbm:s0], s1  }
0x80: {  	s0 =	simm.s32 @!p0 $0x6  }
0x81: {  	_ =	swait.ge @!p0 [sflag:s0], s1  }
0x82: {  	s1 =	ssub.s32 @!p0 $0x0, s1;
	[sflag:s0] =	ssyncset.done @!p0 $0x0  }
0x83: {  	[sflag:s0] =	ssyncadd.s32 @!p0 s1  }
0x84: {  	[bflag:$0x3] =	sbarrier.arrive $0xFFFF  }
0x85: {  	_ =	shalt  }

// kernel: kernel.9.cloned.1.call-start
scs
__scs_entry_jumppad:
0x0: {  	(pc) =	sbr.rel $0x88, $3  }
0x1: {  	(tag) =	ssettag $0x0;
	lr =	simm.s32 $0x1  }
0x2: {  	[smem:$0x3F9B] =	sst lr;
	_ =	strace $0xD0000000  }
0x3: {  	_ = 	snop  }
0x4: {  	_ = 	snop  }
0x5: {  	_ = 	snop  }
0x6: {  	_ = 	snop  }
0x7: {  	_ = 	snop  }
__scs_overlays_trampoline_lowered:
0x8: {  	[smem:$0x3FAA] =	sst s0  }
0x9: {  	[smem:$0x3FAB] =	sst s1  }
0xa: {  	[smem:$0x3FAC] =	sst s2  }
0xb: {  	[smem:$0x3FAD] =	sst s3  }
0xc: {  	[smem:$0x3FAE] =	sst s4  }
0xd: {  	[smem:$0x3FAF] =	sst s5  }
0xe: {  	[smem:$0x3FB0] =	sst s6  }
0xf: {  	[smem:$0x3FB1] =	sst s7  }
0x10: {  	[smem:$0x3FB2] =	sst s8  }
0x11: {  	[smem:$0x3FB3] =	sst s9;
	s0 =	simm.s32 @!p0 $0x0  }
0x12: {  	s1 =	sld [smem:$0x3F99];
	s0 =	simm.s32 @p0 $0x1  }
0x13: {  	[smem:$0x3FB4] =	sst s0;
	s0 =	simm.s32 @!p1 $0x0  }
0x14: {  	s2 =	sld [smem:$0x3F98];
	s0 =	simm.s32 @p1 $0x1  }
0x15: {  	[smem:$0x3FB5] =	sst s0;
	s0 =	simm.s32 @!p2 $0x0  }
0x16: {  	s3 =	sld [smem:$0x3FDB];
	s0 =	simm.s32 @p2 $0x1  }
0x17: {  	s4 =	simm.s32 $0x1BF5;
	[smem:$0x3FB7] =	sst s0  }
0x18: {  	s0 =	sld [smem:$0x3F9A];
	_ =	swait.ge [sflag:s4], $0x0  }
0x19: {  	s7 =	sld [smem:$0x3F9B]  }
0x1a: {  	s8 =	sadd.s32 $0xFFFFE003, lr  }
0x1b: {  	s9 =	sadd.s32 $0xFFFFFEF7, lr;
	s5 =	simm.s32 $0xFFFFFFFF;
	p2 =	slt.u32 s8, $0xFFFFF086  }
0x1c: {  	p1 =	slt.u32 s9, $0xF7A;
	s5 =	simm.s32 @!p2 $0x0  }
0x1d: {  	s5 =	simm.s32 @p1 $0x1;
	p0 =	seq.s32 s7, s2  }
0x1e: {  	s7 =	smul.u32 @!p0 $0xF7A, s2;
	p2 =	seq.s32 @!p0 s5, $0x0  }
0x1f: {  	s9 =	smul.u32 $0xF7A, s1;
	s8 =	simm.s32 @!p0 $0x1BF5;
	p2 =	por !p2, p0  }
0x20: {  	[sflag:s8] =	ssyncset.s32 @!p0 $0xFFFFF086;
	s6 =	sadd.s32 @!p0 s3, s7;
	s7 =	simm.s32 @!p0 $0x108  }
0x21: {  	s3 =	sadd.s32 s3, s9;
	s6 =	sadd.s32 @!p0 $0x88, s6;
	s7 =	simm.s32 @p2 $0x1082  }
0x22: {  	[simem:s7], [sflag:s8] =	dma.local @!p0 [hbm:s6], $0xF7A  }
0x23: {  	s9 =	sor.u32 $0xD0000000, s2;
	s6 =	simm.s32 $0x108;
	_ =	swait.ge @!p0 [sflag:s8], $0x0  }
0x24: {  	s3 =	sadd.s32 $0x88, s3;
	s6 =	simm.s32 @!p1 $0x1082;
	[sflag:s4] =	ssyncset.s32 $0xFFFFF086  }
0x25: {  	[simem:s6], [sflag:s4] =	dma.local [hbm:s3], $0xF7A  }
0x26: {  	[smem:$0x3F9B] =	sst s1;
	(tag) =	ssettag s2;
	_ =	strace s9  }
0x27: {  	s1 =	sld [smem:$0x3FAB]  }
0x28: {  	s2 =	sld [smem:$0x3FAC]  }
0x29: {  	s4 =	sld [smem:$0x3FAE]  }
0x2a: {  	p0 =	seq.s32 s5, $0x0;
	s5 =	sld [smem:$0x3FAF]  }
0x2b: {  	s6 =	sld [smem:$0x3FB0]  }
0x2c: {  	s7 =	sld [smem:$0x3FB1]  }
0x2d: {  	s3 =	simm.s32 $0x108;
	s8 =	sld [smem:$0x3FB2]  }
0x2e: {  	s3 =	simm.s32 @!p0 $0x1082;
	s9 =	sld [smem:$0x3FB3]  }
0x2f: {  	lr =	sadd.s32 s0, s3;
	s0 =	sld [smem:$0x3FAA]  }
0x30: {  	s3 =	sld [smem:$0x3FAD]  }
0x31: {  	[smem:$0x3FB6] =	sst s10  }
0x32: {  	s10 =	sld [smem:$0x3FB4];
	_ =	sdelay $0x3  }
0x33: {  	p0 =	seq.s32 s10, $0x1;
	s10 =	sld [smem:$0x3FB6];
	_ =	sdelay $0x3  }
0x34: {  	[smem:$0x3FB6] =	sst s10  }
0x35: {  	s10 =	sld [smem:$0x3FB5];
	_ =	sdelay $0x3  }
0x36: {  	p1 =	seq.s32 s10, $0x1;
	s10 =	sld [smem:$0x3FB6];
	_ =	sdelay $0x3  }
0x37: {  	[smem:$0x3FB6] =	sst s10  }
0x38: {  	s10 =	sld [smem:$0x3FB7]  }
0x39: {  	_ = 	snop;
	(pc) =	sbr.ind lr, $3  }
0x3a: {  	_ = 	snop  }
0x3b: {  	_ = 	snop  }
0x3c: {  	p2 =	seq.s32 s10, $0x1;
	s10 =	sld [smem:$0x3FB6]  }
0x3d: {  	_ =	shalt  }
0x3e: {  	_ =	shalt  }
0x3f: {  	_ =	shalt  }
0x40: {  	_ =	shalt  }
0x41: {  	_ =	shalt  }
0x42: {  	_ =	shalt  }
0x43: {  	_ =	shalt  }
0x44: {  	_ =	shalt  }
0x45: {  	_ =	shalt  }
0x46: {  	_ =	shalt  }
0x47: {  	_ =	shalt  }
0x48: {  	_ =	shalt  }
0x49: {  	_ =	shalt  }
0x4a: {  	_ =	shalt  }
0x4b: {  	_ =	shalt  }
0x4c: {  	_ =	shalt  }
0x4d: {  	_ =	shalt  }
0x4e: {  	_ =	shalt  }
0x4f: {  	_ =	shalt  }
0x50: {  	_ =	shalt  }
0x51: {  	_ =	shalt  }
0x52: {  	_ =	shalt  }
0x53: {  	_ =	shalt  }
0x54: {  	_ =	shalt  }
0x55: {  	_ =	shalt  }
0x56: {  	_ =	shalt  }
0x57: {  	_ =	shalt  }
0x58: {  	_ =	shalt  }
0x59: {  	_ =	shalt  }
0x5a: {  	_ =	shalt  }
0x5b: {  	_ =	shalt  }
0x5c: {  	_ =	shalt  }
0x5d: {  	_ =	shalt  }
0x5e: {  	_ =	shalt  }
0x5f: {  	_ =	shalt  }
0x60: {  	_ =	shalt  }
0x61: {  	_ =	shalt  }
0x62: {  	_ =	shalt  }
0x63: {  	_ =	shalt  }
0x64: {  	_ =	shalt  }
0x65: {  	_ =	shalt  }
0x66: {  	_ =	shalt  }
0x67: {  	_ =	shalt  }
0x68: {  	_ =	shalt  }
0x69: {  	_ =	shalt  }
0x6a: {  	_ =	shalt  }
0x6b: {  	_ =	shalt  }
0x6c: {  	_ =	shalt  }
0x6d: {  	_ =	shalt  }
0x6e: {  	_ =	shalt  }
0x6f: {  	_ =	shalt  }
0x70: {  	_ =	shalt  }
0x71: {  	_ =	shalt  }
0x72: {  	_ =	shalt  }
0x73: {  	_ =	shalt  }
0x74: {  	_ =	shalt  }
0x75: {  	_ =	shalt  }
0x76: {  	_ =	shalt  }
0x77: {  	_ =	shalt  }
0x78: {  	_ =	shalt  }
0x79: {  	_ =	shalt  }
0x7a: {  	_ =	shalt  }
0x7b: {  	_ =	shalt  }
0x7c: {  	_ =	shalt  }
0x7d: {  	_ =	shalt  }
0x7e: {  	_ =	shalt  }
0x7f: {  	_ =	shalt  }
0x80: {  	_ =	shalt  }
0x81: {  	_ =	shalt  }
0x82: {  	_ =	shalt  }
0x83: {  	_ =	shalt  }
0x84: {  	_ =	shalt  }
0x85: {  	_ =	shalt  }
0x86: {  	_ =	shalt  }
0x87: {  	_ =	shalt  }
.Lfunc_end0:
.L_simem_size_0:
called_computation_lowered:
.L_overlay_start_0:
0x88: {  	s2 =	sld [smem:$0x3FD9]  }
0x89: {  	s3 =	sld [smem:$0x3FFE];
	_ =	sdelay $0x1  }
0x8a: {  	s1 =	srdreg.scid  }
0x8b: {  	s0 =	sand.u32 $0x1, s1  }
0x8c: {  	s17 =	sshll.u32 s0, $0xA;
	s2 =	sadd.s32 s3, s2  }
0x8d: {  	s2 =	sadd.s32 s2, s17  }
0x8e: {  	[smem:$0x3FC2] =	sst s2  }
0x8f: {  	_ = 	snop  }
0x90: {  	s2 =	sld [smem:$0x3FC8];
	(tm) =	ssettm $0x1  }
0x91: {  	s18 =	sld [smem:$0x3FFB];
	_ =	sdelay $0x3  }
0x92: {  	_ =	strace s18  }
0x93: {  	s3 =	sld [smem:$0x3FFC];
	_ =	sdelay $0x3  }
0x94: {  	_ =	strace s3  }
0x95: {  	s3 =	sld [smem:$0x3FFD];
	_ =	sdelay $0x3  }
0x96: {  	_ =	strace s3  }
0x97: {  	_ =	strace $0x8FFFFFFF  }
0x98: {  	s19 =	sld [smem:$0x3FDB];
	_ =	sdelay $0x1  }
0x99: {  	s4 =	simm.s32 $_scs_section_size  }
0x9a: {  	s5 =	simm.s32 $_size__tile_overlayer_lowered;
	s6 =	simm.s32 $_tile_overlayer_lowered  }
0x9b: {  	s22 =	simm.s32 $0x1BFF;
	s21 =	sshll.u32 s6, $0x1;
	s3 =	sadd.s32 s4, s19  }
0x9c: {  	s7 =	simm.s32 $0x0;
	s20 =	sshll.u32 s5, $0x1;
	s5 =	sadd.s32 s21, s3  }
0x9d: {  	[timem:s7], [sflag:s22] =	dma.local [hbm:s5], s20  }
0x9e: {  	_ =	swait.ge [sflag:s22], s20  }
0x9f: {  	s4 =	ssub.s32 $0x0, s20;
	[sflag:s22] =	ssyncset.done $0x0  }
0xa0: {  	[sflag:s22] =	ssyncadd.s32 s4;
	_ =	sdelay $0x1  }
0xa1: {  	s23 =	simm.s32 $0x1B8B  }
0xa2: {  	_ =	swait.ge [sflag:s23], $0x1  }
0xa3: {  	[sflag:s23] =	ssyncset.done $0x0  }
0xa4: {  	s25 =	simm.s32 $0x1B8E;
	s24 =	sld [smem:$0x3FFE];
	[sflag:s23] =	ssyncadd.s32 $0xFFFFFFFF  }
0xa5: {  	s26 =	simm.s32 $execute0_lowered;
	[smem:$0x3FD2] =	sst s25  }
0xa6: {  	s5 =	sshll.u32 s26, $0x1;
	_ =	strace $0x80000046;
	[dreg:$0x1] =	wrdreg $0xFFFFFFFF  }
0xa7: {  	s28 =	simm.s32 $_size_execute0_lowered;
	s3 =	sadd.s32 s3, s5;
	[dreg:$0x0] =	wrdreg $0x0  }
0xa8: {  	s5 =	sshll.u32 s28, $0x1;
	[dreg:$0x2] =	wrdreg s3  }
0xa9: {  	[dreg:$0x3] =	wrdreg s5  }
0xaa: {  	[dreg:$0x4] =	wrdreg $0xC0  }
0xab: {  	_ =	task [dreg:s7], $0x5FFFF  }
0xac: {  	[dreg:$0x1] =	wrdreg $0xFFFFFFFF  }
0xad: {  	[dreg:$0x0] =	wrdreg $0x60  }
0xae: {  	[dreg:$0x2] =	wrdreg s2  }
0xaf: {  	[dreg:$0x3] =	wrdreg s24  }
0xb0: {  	[dreg:$0x4] =	wrdreg $0x90000  }
0xb1: {  	[dreg:$0x5] =	wrdreg $0x9  }
0xb2: {  	_ =	task.clear_ibuf [dreg:s7], $0x6FFFF;
	_ =	strace $0x90000046  }
0xb3: {  	s29 =	simm.s32 $0x9;
	_ =	strace $0x80000048  }
0xb4: {  	_ =	swait.ge [sflag:s29], $0x1  }
0xb5: {  	[sflag:s29] =	ssyncadd.s32 $0xFFFFFFFF  }
0xb6: {  	_ =	strace $0x90000048  }
0xb7: {  	_ =	sfence  }
0xb8: {  	s30 =	sld [smem:$0x0];
	_ =	sdelay $0x2  }
0xb9: {  	s31 =	sshll.u32 s1, $0xD;
	s1 =	sshrl.u32 s1, $0x2  }
0xba: {  	s3 =	sand.u32 $0x4000, s31;
	s1 =	sadd.s32 s1, s30  }
0xbb: {  	s0 =	sor.u32 s3, s0;
	s1 =	sshll.u32 s1, $0x11  }
0xbc: {  	s0 =	sor.u32 s1, s0  }
0xbd: {  	s0 =	sadd.s32 $0x8F2B, s0  }
0xbe: {  	[sflag:s0] =	ssyncadd.remote.s32 $0x1  }
0xbf: {  	_ =	sfence.sel $0xFFFF  }
0xc0: {  	[dreg:$0x0] =	wrdreg $0xFFFFFFFF;
	(pc) =	sbr.abs _section_cstart, $3  }
0xc1: {  	[dreg:$0x1] =	wrdreg $0xFFFFFFFF  }
0xc2: {  	_ =	task.clear_ibuf [dreg:s7], $0x2FFFF;
	_ =	strace $0x9FFFFFFF  }
0xc3: {  	(tm) =	ssettm $0x7FFFFFFF  }
tec
execute0_lowered:
.L_overlay_start_1:
0x0: {  	(tag) =	ssettag $0x1  }
0x1: {  	s12 =	rddreg [dreg:$0x0]  }
0x2: {  	s4 =	rddreg [dreg:$0x1]  }
0x3: {  	s0 =	srdreg.scid;
	s2 =	rddreg [dreg:$0x2]  }
0x4: {  	s1 =	rddreg [dreg:$0x3];
	s5 =	sand.u32 $0x1, s0  }
0x5: {  	s3 =	simm.s32 $0x0;
	s0 =	stileid.u32;
	s6 =	smul.u32 $0x140000, s5  }
0x6: {  	s14 =	simm.s32 $0x3;
	s16 =	simm.s32 $0x80;
	s7 =	smul.u32 $0x14000, s0  }
0x7: {  	s17 =	simm.s32 $0x2;
	s18 =	simm.s32 $0x0;
	s8 =	smul.u32 $0x50000, s0  }
0x8: {  	[smem:$0x7FF] =	sst s3;
	s23 =	sshll.u32 s5, $0x4;
	s11 =	smul.u32 $0x4E0, s5  }
0x9: {  	_ =	strace $0x80000047;
	s25 =	ssub.s32 $0x2, s5;
	s13 =	smul.u32 $0x4E, s0  }
0xa: {  	s15 =	sor.u32 s0, s23;
	s10 =	sshrl.u32 s25, $0x1;
	s6 =	sadd.s32 s7, s6  }
0xb: {  	s24 =	smul.u32 $0x4E, s15;
	s9 =	smin.u32 s15, $0x4;
	s26 =	sshrl.u32 s8, $0x2  }
0xc: {  	s7 =	ssub.s32 s25, s10;
	s30 =	sadd.s32 s13, s11;
	s13 =	simm.s32 $0x5000  }
0xd: {  	p0 =	sgt.u32 s15, $0x3;
	s15 =	simm.s32 $0x1;
	s6 =	sshrl.u32 s6, $0x3  }
0xe: {  	s11 =	sadd.s32 s9, s30;
	s6 =	sadd.s32 s6, s4;
	s4 =	sadd.s32 s9, s24  }
0xf: {  	s7 =	smax.u32 s7, $0x1;
	s31 =	sshll.u32 s11, $0x5;
	s28 =	sshll.u32 s4, $0x5  }
0x10: {  	s4 =	sadd.s32 s26, s2;
	s6 =	sadd.s32 $0x2800, s6;
	s29 =	sadd.s32 s28, s12  }
0x11: {  	s8 =	sadd.s32 $0x4000, s4;
	s9 =	sadd.s32 $0x8000, s4;
	s10 =	sadd.s32 $0xC000, s4  }
0x12: {  	v0 =	vimm.f32 $0.0e+00;
	v1 =	vimm.f32 $1.000000000e+00;
	s11 =	sadd.s32 $0x10000, s4;
	s12 =	sadd.s32 s31, s12;
	s5 =	sadd.s32 $0x9C0, s29  }
.LBB2_1:
0x13: {  	s19 =	simm.s32 $0x200;
	s20 =	simm.s32 $0x0  }
.LBB2_2:
0x14: {  	p1 =	sne.s32 s19, $0xFE00;
	[tilespmem:s20+$0x5000] =	vst v0;
	s20 =	smov.u32 s19;
	s19 =	sadd.s32 $0x200, s19  }
.Ltmp0:
0x15: {  	(pc) =	sbr.rel @p1 .LBB2_2-.Ltmp0, $2  }
0x16: {  	_ =	sdelay $0x2  }
0x17: {  	s20 =	sshra.s32 s20, $0x2  }
0x18: {  	[tilespmem:s20+$0x5000] =	vst v0  }
0x19: {  	[spmem:s4] =	stream.linear.scatter [tilespmem:s13], [sflag:$0x3], $0x4000, $0x38;
	[tilespmem:$0xB800] =	vst v63  }
0x1a: {  	_ =	swait.ge [sflag:s14], $0x4000  }
0x1b: {  	[sflag:s14] =	ssyncset.done $0x0  }
0x1c: {  	[sflag:s14] =	ssyncadd.s32 $0xFFFFC000  }
0x1d: {  	[spmem:s8] =	stream.linear.scatter [tilespmem:s13], [sflag:$0x3], $0x4000, $0x38;
	[tilespmem:$0xB800] =	vst v63  }
0x1e: {  	_ =	swait.ge [sflag:s14], $0x4000  }
0x1f: {  	[sflag:s14] =	ssyncset.done $0x0  }
0x20: {  	[sflag:s14] =	ssyncadd.s32 $0xFFFFC000  }
0x21: {  	[spmem:s9] =	stream.linear.scatter [tilespmem:s13], [sflag:$0x3], $0x4000, $0x38;
	[tilespmem:$0xB800] =	vst v63  }
0x22: {  	_ =	swait.ge [sflag:s14], $0x4000  }
0x23: {  	[sflag:s14] =	ssyncset.done $0x0  }
0x24: {  	[sflag:s14] =	ssyncadd.s32 $0xFFFFC000  }
0x25: {  	[spmem:s10] =	stream.linear.scatter [tilespmem:s13], [sflag:$0x3], $0x4000, $0x38;
	[tilespmem:$0xB800] =	vst v63  }
0x26: {  	_ =	swait.ge [sflag:s14], $0x4000  }
0x27: {  	[sflag:s14] =	ssyncset.done $0x0  }
0x28: {  	[sflag:s14] =	ssyncadd.s32 $0xFFFFC000  }
0x29: {  	[spmem:s11] =	stream.linear.scatter [tilespmem:s13], [sflag:$0x3], $0x4000, $0x38;
	[tilespmem:$0xB800] =	vst v63  }
0x2a: {  	_ =	swait.ge [sflag:s14], $0x4000  }
0x2b: {  	s19 =	simm.s32 $0x0;
	[sflag:s14] =	ssyncset.done $0x0  }
0x2c: {  	s20 =	simm.s32 $0x200;
	s21 =	simm.s32 $0x0;
	[sflag:s14] =	ssyncadd.s32 $0xFFFFC000  }
.LBB2_4:
0x2d: {  	p1 =	sne.s32 s20, $0xFE00;
	[tilespmem:s21+$0x5000] =	vst v1;
	s21 =	smov.u32 s20;
	s20 =	sadd.s32 $0x200, s20  }
.Ltmp1:
0x2e: {  	(pc) =	sbr.rel @p1 .LBB2_4-.Ltmp1, $2  }
0x2f: {  	_ =	sdelay $0x2  }
0x30: {  	s21 =	sshra.s32 s21, $0x2  }
0x31: {  	[tilespmem:s21+$0x5000] =	vst v1;
	s20 =	simm.s32 $0x20;
	s22 =	sadd.s32 $0x0, s12;
	s21 =	simm.s32 $0x100  }
.LBB2_6:
0x32: {  	[tilespmem:s19], [sflag:$0x1] =	stream.linear.gather [hbm4b:s22+s3], $0x100, $0x38;
	[tilespmem:$0xB800] =	vst v63  }
0x33: {  	s22 =	smov.u32 s20;
	s19 =	smov.u32 s21;
	p1 =	sne.s32 s20, $0x9A0  }
.Ltmp2:
0x34: {  	s20 =	sadd.s32 $0x20, s20;
	(pc) =	sbr.rel @p1 .LBB2_6-.Ltmp2, $2  }
0x35: {  	_ =	sdelay $0x2  }
0x36: {  	s21 =	sadd.s32 $0x100, s21;
	s22 =	sadd.s32 s22, s12  }
0x37: {  	[tilespmem:s19], [sflag:$0x1] =	stream.linear.gather [hbm4b:s22+s3], $0x100, $0x38;
	[tilespmem:$0xB800] =	vst v63  }
0x38: {  	s19 =	simm.s32 @!p0 $0x0;
	s20 =	simm.s32 @!p0 $0x4E00  }
0x39: {  	[tilespmem:s20], [sflag:$0x1] =	stream.linear.gather @!p0 [hbm4b:s5+s19], $0x100, $0x38;
	[tilespmem:$0xB800] =	vst v63  }
0x3a: {  	_ =	swait.ge [sflag:s15], $0x100  }
0x3b: {  	s19 =	simm.s32 $0x4D;
	[sflag:s15] =	ssyncset.done $0x0  }
.LBB2_8:
0x3c: {  	p1 =	sne.s32 s19, $0x1;
	s19 =	sadd.s32 $0xFFFFFFFF, s19;
	[sflag:s15] =	ssyncadd.s32 $0xFFFFFF00  }
.Ltmp3:
0x3d: {  	(pc) =	sbr.rel @p1 .LBB2_8-.Ltmp3, $3  }
0x3e: {  	_ =	sdelay $0x1  }
0x3f: {  	_ =	swait.ge [sflag:s15], $0x100  }
0x40: {  	[sflag:s15] =	ssyncset.done $0x0  }
0x41: {  	[sflag:s15] =	ssyncadd.s32 $0xFFFFFF00;
	s19 =	simm.s32 @!p0 $0x1  }
0x42: {  	_ =	swait.ge @!p0 [sflag:s19], $0x100  }
0x43: {  	[sflag:s19] =	ssyncset.done @!p0 $0x0  }
0x44: {  	[sflag:s19] =	ssyncadd.s32 @!p0 $0xFFFFFF00  }
0x45: {  	s20 =	simm.s32 $0x80;
	s19 =	simm.s32 $0x600;
	[bflag:$0x0] =	sbarrier.arrive $0xFFFF  }
.LBB2_10:
0x46: {  	[spmem:s2] =	stream.indirect.scatter.add.f32 [tilespmem:s13], [sflag:$0x2], $0x10, s20, s16, $0xb8;
	[tilespmem:$0xB800] =	vst v63  }
0x47: {  	s20 =	smov.u32 s19;
	p1 =	sne.s32 s19, $0x13600  }
.Ltmp4:
0x48: {  	s19 =	sadd.s32 $0x400, s19;
	(pc) =	sbr.rel @p1 .LBB2_10-.Ltmp4, $2  }
0x49: {  	_ =	sdelay $0x2  }
0x4a: {  	s20 =	sshra.s32 s20, $0x2  }
0x4b: {  	[spmem:s2] =	stream.indirect.scatter.add.f32 [tilespmem:s13], [sflag:$0x2], $0x10, s20, s16, $0xb8;
	[tilespmem:$0xB800] =	vst v63  }
0x4c: {  	s19 =	simm.s32 @!p0 $0x80;
	s20 =	simm.s32 @!p0 $0x4E80;
	s21 =	simm.s32 @!p0 $0x5000  }
0x4d: {  	[spmem:s2] =	stream.indirect.scatter.add.f32 @!p0 [tilespmem:s21], [sflag:$0x2], $0x10, s20, s19, $0xb8;
	[tilespmem:$0xB800] =	vst v63  }
0x4e: {  	_ =	swait.ge [sflag:s17], $0x800  }
0x4f: {  	s19 =	simm.s32 $0x4D;
	[sflag:s17] =	ssyncset.done $0x0  }
.LBB2_12:
0x50: {  	p1 =	sne.s32 s19, $0x1;
	s19 =	sadd.s32 $0xFFFFFFFF, s19;
	[sflag:s17] =	ssyncadd.s32 $0xFFFFF800  }
.Ltmp5:
0x51: {  	(pc) =	sbr.rel @p1 .LBB2_12-.Ltmp5, $3  }
0x52: {  	_ =	sdelay $0x1  }
0x53: {  	_ =	swait.ge [sflag:s17], $0x800  }
0x54: {  	[sflag:s17] =	ssyncset.done $0x0  }
0x55: {  	[sflag:s17] =	ssyncadd.s32 $0xFFFFF800;
	s19 =	simm.s32 @!p0 $0x2  }
0x56: {  	_ =	swait.ge @!p0 [sflag:s19], $0x800  }
0x57: {  	s31 =	sshll.u32 s0, $0x6;
	s18 =	sadd.s32 $0x1, s18;
	[sflag:s19] =	ssyncset.done @!p0 $0x0  }
0x58: {  	s20 =	sshrl.u32 s4, $0x3;
	p1 =	sne.s32 s18, s7;
	[sflag:s19] =	ssyncadd.s32 @!p0 $0xFFFFF800  }
.Ltmp6:
0x59: {  	s19 =	sor.u32 $0x1C03, s31;
	[bflag:$0x0] =	sbarrier.arrive $0xFFFF;
	(pc) =	sbr.rel @p1 .LBB2_1-.Ltmp6, $4  }
0x5a: {  	[hbm:s6], [sflag:s19] =	dma.local [spmem:s20], $0x2800  }
0x5b: {  	_ =	swait.ge [sflag:s14], $0x2800  }
0x5c: {  	[sflag:s14] =	ssyncset.done $0x0  }
0x5d: {  	[sflag:s14] =	ssyncadd.s32 $0xFFFFD800  }
0x5e: {  	_ =	sfence.sel $0x180000  }
0x5f: {  	[bflag:$0x0] =	sbarrier.arrive $0xFFFF  }
0x60: {  	p0 =	sne.s32 s0, $0x0;
	_ =	strace $0x90000047  }
0x61: {  	s0 =	sadd.s32 @!p0 $0x100000, s1;
	[bflag:$0x2] =	sbarrier.arrive $0xFFFF  }
0x62: {  	[sflag:s0] =	ssyncadd.tile.s32 @!p0 $0x1;
	_ =	shalt  }
.Lfunc_end2:
_tile_overlayer_lowered:
.L_overlay_start_2:
0x63: {  	(tag) =	ssettag $0x2  }
0x64: {  	s0 =	rddreg [dreg:$0x0];
	s2 =	stileid.u32  }
0x65: {  	s1 =	rddreg [dreg:$0x1];
	p0 =	sne.s32 s2, $0x0  }
0x66: {  	s3 =	rddreg [dreg:$0x2];
	[bflag:$0x3] =	sbarrier.arrive $0xFFFF;
	s2 =	simm.s32 @!p0 $0x1C03  }
0x67: {  	[timem:s3], [sflag:s2] =	dma.local @!p0 [hbm:s0], s1  }
0x68: {  	s0 =	simm.s32 @!p0 $0x3  }
0x69: {  	_ =	swait.ge @!p0 [sflag:s0], s1  }
0x6a: {  	s1 =	ssub.s32 @!p0 $0x0, s1;
	[sflag:s0] =	ssyncset.done @!p0 $0x0  }
0x6b: {  	[sflag:s0] =	ssyncadd.s32 @!p0 s1  }
0x6c: {  	[bflag:$0x3] =	sbarrier.arrive $0xFFFF  }
0x6d: {  	_ =	shalt  }

</sc_bundles>
